<compile_context>
chip_gen: v7x
topology: tpu7x:2x2x1
jax: 0.10.2.dev20260603
libtpu: 0.0.44.dev20260713+nightly
codegen_flags: <defaults>
</compile_context>

<pallas_src>
import functools

import jax
import jax.numpy as jnp
from jax import lax
from jax.experimental import pallas as pl
from jax.experimental.pallas import tpu as pltpu
from jax.experimental.pallas import tpu_sc as plsc

B, T, D = 32, 2048, 256
NW = 32
ROWS_PER_W = B * T // NW
CHUNK = 32
NCHUNK = ROWS_PER_W // CHUNK
DEPTH = 4
MAIN = (NCHUNK // DEPTH) * DEPTH
LANES = 16
NVREG = D // LANES


def _make_sc_add():
    mesh = plsc.VectorSubcoreMesh(core_axis_name="c", subcore_axis_name="s")

    @functools.partial(
        pl.kernel,
        mesh=mesh,
        out_type=jax.ShapeDtypeStruct((B * T, D), jnp.float32),
        scratch_types=[
            pltpu.VMEM((D,), jnp.float32),
            pltpu.VMEM((DEPTH, CHUNK, D), jnp.float32),
            pltpu.VMEM((DEPTH, CHUNK, D), jnp.float32),
        ] + [pltpu.SemaphoreType.DMA] * (2 * DEPTH),
    )
    def sc_add(sp_hbm, x_hbm, out_hbm, sp_v, ibuf, obuf, *sems):
        isems = sems[:DEPTH]
        osems = sems[DEPTH:]
        cid = lax.axis_index("c")
        sid = lax.axis_index("s")
        wid = sid * 2 + cid
        base = wid * ROWS_PER_W

        pltpu.sync_copy(sp_hbm.at[wid], sp_v)
        sp = [sp_v[pl.ds(LANES * g, LANES)] for g in range(NVREG)]

        def in_copy(c, s):
            return pltpu.make_async_copy(
                x_hbm.at[pl.ds(base + c * CHUNK, CHUNK)], ibuf.at[s], isems[s])

        def out_copy(c, s):
            return pltpu.make_async_copy(
                obuf.at[s], out_hbm.at[pl.ds(base + c * CHUNK, CHUNK)], osems[s])

        for s in range(DEPTH):
            in_copy(s, s).start()

        def compute(s):
            def row_body(r, carry):
                for g in range(NVREG):
                    obuf[s, r, pl.ds(LANES * g, LANES)] = (
                        ibuf[s, r, pl.ds(LANES * g, LANES)] + sp[g])
                return carry
            lax.fori_loop(0, CHUNK, row_body, 0, unroll=2)

        def step(c, s):
            in_copy(c, s).wait()

            @pl.when(c >= DEPTH)
            def _():
                out_copy(c, s).wait()

            compute(s)
            out_copy(c, s).start()

            @pl.when(c + DEPTH < NCHUNK)
            def _():
                in_copy(c + DEPTH, s).start()

        def super_body(i, carry):
            c0 = DEPTH * i
            for s in range(DEPTH):
                step(c0 + s, s)
            return carry

        lax.fori_loop(0, MAIN // DEPTH, super_body, 0)
        for c in range(MAIN, NCHUNK):
            s = c % DEPTH
            in_copy(c, s).wait()
            out_copy(c, s).wait()
            compute(s)
            out_copy(c, s).start()
        for c in range(NCHUNK - DEPTH, NCHUNK):
            out_copy(c, c % DEPTH).wait()

    return sc_add


_sc_add = _make_sc_add()


def kernel(spembs, x):
    out = _sc_add(spembs, x.reshape(B * T, D))
    return out.reshape(B, T, D)

# --- scband reference (transcript-rebuilt; emitter-appended) ---
"""Pipeline reference for scband-speaker-integrator-35794257445215 (READ-ONLY COPY).

The authoritative reference and input builder live on the scoring server;
editing this copy changes nothing except your own understanding.
"""

import jax, jax.numpy as jnp
import numpy as np


def setup_inputs(seed: int = 0) -> dict:
    key = jax.random.key(seed)
    k1, k2 = jax.random.split(key)
    spembs = jax.random.normal(k1, (32, 256), dtype=jnp.float32)
    x = jax.random.normal(k2, (32, 2048, 256), dtype=jnp.float32)
    return {"spembs": spembs, "x": x}


def reference(spembs, x):
    # spembs: (batch, 256) -> unsqueeze(1) -> repeat along seq dim -> add
    sp = spembs[:, None, :]
    sp = jnp.repeat(sp, x.shape[1], axis=1)
    return x + sp

if __name__ == "__main__":
    import jax
    _d = setup_inputs()
    print(jax.jit(kernel)(*tuple(_d.values())))

</pallas_src>

<mosaic_0001>
#map = affine_map<(d0, d1) -> (0, 0)>
module attributes {stable_mosaic.version = 14 : i64} {
  func.func @sc_add(%arg0: i32, %arg1: i32, %arg2: memref<32x256xf32, #tpu.memory_space<hbm>>, %arg3: memref<65536x256xf32, #tpu.memory_space<hbm>>, %arg4: memref<65536x256xf32, #tpu.memory_space<hbm>>, %arg5: memref<256xf32, #tpu.memory_space<vmem>>, %arg6: memref<4x32x256xf32, #tpu.memory_space<vmem>>, %arg7: memref<4x32x256xf32, #tpu.memory_space<vmem>>, %arg8: memref<!tpu.dma_semaphore, #tpu.memory_space<semaphore_mem>>, %arg9: memref<!tpu.dma_semaphore, #tpu.memory_space<semaphore_mem>>, %arg10: memref<!tpu.dma_semaphore, #tpu.memory_space<semaphore_mem>>, %arg11: memref<!tpu.dma_semaphore, #tpu.memory_space<semaphore_mem>>, %arg12: memref<!tpu.dma_semaphore, #tpu.memory_space<semaphore_mem>>, %arg13: memref<!tpu.dma_semaphore, #tpu.memory_space<semaphore_mem>>, %arg14: memref<!tpu.dma_semaphore, #tpu.memory_space<semaphore_mem>>, %arg15: memref<!tpu.dma_semaphore, #tpu.memory_space<semaphore_mem>>) attributes {dimension_semantics = [#tpu.dimension_semantics<core_parallel>, #tpu.dimension_semantics<subcore_parallel>], iteration_bounds = array<i64: 2, 16>, scalar_prefetch = 0 : i64, scratch_operands = 11 : i64, tpu.core_type = #tpu.core_type<sc_vector_subcore>, window_params = [{transform_indices = #map}, {transform_indices = #map}, {transform_indices = #map}]} {
    %mul3A = arith.constant 2 : i32
    %mul3A_0 = arith.muli %arg1, %mul3A : i32
    %add3A = arith.addi %mul3A_0, %arg0 : i32
    %mul3A_1 = arith.constant 2048 : i32
    %mul3A_2 = arith.muli %add3A, %mul3A_1 : i32
    "tpu.region"() ({
      %run_scoped3A = tpu.sem_alloc : memref<!tpu.dma_semaphore, #tpu.memory_space<semaphore_mem>>
      %dma_start3A_173 = arith.constant 0 : i32
      %dma_start3A_174 = tpu.memref_slice %arg2[%add3A, %dma_start3A_173] : memref<32x256xf32, #tpu.memory_space<hbm>> -> memref<1x256xf32, #tpu.memory_space<hbm>>
      %dma_start3A_175 = tpu.memref_squeeze %dma_start3A_174 : memref<1x256xf32, #tpu.memory_space<hbm>> -> memref<256xf32, #tpu.memory_space<hbm>>
      %dma_start3A_176 = arith.constant 0 : i32
      %dma_start3A_177 = tpu.memref_slice %arg2[%add3A, %dma_start3A_176] : memref<32x256xf32, #tpu.memory_space<hbm>> -> memref<1x256xf32, #tpu.memory_space<hbm>>
      %dma_start3A_178 = tpu.memref_squeeze %dma_start3A_177 : memref<1x256xf32, #tpu.memory_space<hbm>> -> memref<256xf32, #tpu.memory_space<hbm>>
      tpu.enqueue_dma source(%dma_start3A_178 : memref<256xf32, #tpu.memory_space<hbm>>) target(%arg5 : memref<256xf32, #tpu.memory_space<vmem>>) target_semaphore(%run_scoped3A : memref<!tpu.dma_semaphore, #tpu.memory_space<semaphore_mem>>)
      %dma_wait3A_179 = arith.constant 0 : i32
      %dma_wait3A_180 = tpu.memref_slice %arg2[%add3A, %dma_wait3A_179] : memref<32x256xf32, #tpu.memory_space<hbm>> -> memref<1x256xf32, #tpu.memory_space<hbm>>
      %dma_wait3A_181 = tpu.memref_squeeze %dma_wait3A_180 : memref<1x256xf32, #tpu.memory_space<hbm>> -> memref<256xf32, #tpu.memory_space<hbm>>
      %dma_wait3A_182 = arith.constant 0 : i32
      %dma_wait3A_183 = tpu.memref_slice %arg2[%add3A, %dma_wait3A_182] : memref<32x256xf32, #tpu.memory_space<hbm>> -> memref<1x256xf32, #tpu.memory_space<hbm>>
      %dma_wait3A_184 = tpu.memref_squeeze %dma_wait3A_183 : memref<1x256xf32, #tpu.memory_space<hbm>> -> memref<256xf32, #tpu.memory_space<hbm>>
      tpu.wait_dma2 semaphore(%run_scoped3A : memref<!tpu.dma_semaphore, #tpu.memory_space<semaphore_mem>>) src(%dma_wait3A_184 : memref<256xf32, #tpu.memory_space<hbm>>) dst(%arg5 : memref<256xf32, #tpu.memory_space<vmem>>)
      tpu.yield
    }) : () -> ()
    %get3A = arith.constant 0 : index
    %get3A_3 = tpu.vector_load %arg5[%get3A] {strides = array<i32>} : memref<256xf32, #tpu.memory_space<vmem>>, vector<16xf32>,
    %get3A_4 = vector.shape_cast %get3A_3 : vector<16xf32> to vector<16xf32>
    %get3A_5 = arith.constant 16 : index
    %get3A_6 = tpu.vector_load %arg5[%get3A_5] {strides = array<i32>} : memref<256xf32, #tpu.memory_space<vmem>>, vector<16xf32>,
    %get3A_7 = vector.shape_cast %get3A_6 : vector<16xf32> to vector<16xf32>
    %get3A_8 = arith.constant 32 : index
    %get3A_9 = tpu.vector_load %arg5[%get3A_8] {strides = array<i32>} : memref<256xf32, #tpu.memory_space<vmem>>, vector<16xf32>,
    %get3A_10 = vector.shape_cast %get3A_9 : vector<16xf32> to vector<16xf32>
    %get3A_11 = arith.constant 48 : index
    %get3A_12 = tpu.vector_load %arg5[%get3A_11] {strides = array<i32>} : memref<256xf32, #tpu.memory_space<vmem>>, vector<16xf32>,
    %get3A_13 = vector.shape_cast %get3A_12 : vector<16xf32> to vector<16xf32>
    %get3A_14 = arith.constant 64 : index
    %get3A_15 = tpu.vector_load %arg5[%get3A_14] {strides = array<i32>} : memref<256xf32, #tpu.memory_space<vmem>>, vector<16xf32>,
    %get3A_16 = vector.shape_cast %get3A_15 : vector<16xf32> to vector<16xf32>
    %get3A_17 = arith.constant 80 : index
    %get3A_18 = tpu.vector_load %arg5[%get3A_17] {strides = array<i32>} : memref<256xf32, #tpu.memory_space<vmem>>, vector<16xf32>,
    %get3A_19 = vector.shape_cast %get3A_18 : vector<16xf32> to vector<16xf32>
    %get3A_20 = arith.constant 96 : index
    %get3A_21 = tpu.vector_load %arg5[%get3A_20] {strides = array<i32>} : memref<256xf32, #tpu.memory_space<vmem>>, vector<16xf32>,
    %get3A_22 = vector.shape_cast %get3A_21 : vector<16xf32> to vector<16xf32>
    %get3A_23 = arith.constant 112 : index
    %get3A_24 = tpu.vector_load %arg5[%get3A_23] {strides = array<i32>} : memref<256xf32, #tpu.memory_space<vmem>>, vector<16xf32>,
    %get3A_25 = vector.shape_cast %get3A_24 : vector<16xf32> to vector<16xf32>
    %get3A_26 = arith.constant 128 : index
    %get3A_27 = tpu.vector_load %arg5[%get3A_26] {strides = array<i32>} : memref<256xf32, #tpu.memory_space<vmem>>, vector<16xf32>,
    %get3A_28 = vector.shape_cast %get3A_27 : vector<16xf32> to vector<16xf32>
    %get3A_29 = arith.constant 144 : index
    %get3A_30 = tpu.vector_load %arg5[%get3A_29] {strides = array<i32>} : memref<256xf32, #tpu.memory_space<vmem>>, vector<16xf32>,
    %get3A_31 = vector.shape_cast %get3A_30 : vector<16xf32> to vector<16xf32>
    %get3A_32 = arith.constant 160 : index
    %get3A_33 = tpu.vector_load %arg5[%get3A_32] {strides = array<i32>} : memref<256xf32, #tpu.memory_space<vmem>>, vector<16xf32>,
    %get3A_34 = vector.shape_cast %get3A_33 : vector<16xf32> to vector<16xf32>
    %get3A_35 = arith.constant 176 : index
    %get3A_36 = tpu.vector_load %arg5[%get3A_35] {strides = array<i32>} : memref<256xf32, #tpu.memory_space<vmem>>, vector<16xf32>,
    %get3A_37 = vector.shape_cast %get3A_36 : vector<16xf32> to vector<16xf32>
    %get3A_38 = arith.constant 192 : index
    %get3A_39 = tpu.vector_load %arg5[%get3A_38] {strides = array<i32>} : memref<256xf32, #tpu.memory_space<vmem>>, vector<16xf32>,
    %get3A_40 = vector.shape_cast %get3A_39 : vector<16xf32> to vector<16xf32>
    %get3A_41 = arith.constant 208 : index
    %get3A_42 = tpu.vector_load %arg5[%get3A_41] {strides = array<i32>} : memref<256xf32, #tpu.memory_space<vmem>>, vector<16xf32>,
    %get3A_43 = vector.shape_cast %get3A_42 : vector<16xf32> to vector<16xf32>
    %get3A_44 = arith.constant 224 : index
    %get3A_45 = tpu.vector_load %arg5[%get3A_44] {strides = array<i32>} : memref<256xf32, #tpu.memory_space<vmem>>, vector<16xf32>,
    %get3A_46 = vector.shape_cast %get3A_45 : vector<16xf32> to vector<16xf32>
    %get3A_47 = arith.constant 240 : index
    %get3A_48 = tpu.vector_load %arg5[%get3A_47] {strides = array<i32>} : memref<256xf32, #tpu.memory_space<vmem>>, vector<16xf32>,
    %get3A_49 = vector.shape_cast %get3A_48 : vector<16xf32> to vector<16xf32>
    %add3A_50 = arith.constant 0 : i32
    %add3A_51 = arith.addi %mul3A_2, %add3A_50 : i32
    %dma_start3A = arith.constant 0 : i32
    %dma_start3A_52 = arith.constant 0 : i32
    %dma_start3A_53 = arith.constant 0 : i32
    %dma_start3A_54 = tpu.memref_slice %arg6[%dma_start3A, %dma_start3A_52, %dma_start3A_53] : memref<4x32x256xf32, #tpu.memory_space<vmem>> -> memref<1x32x256xf32, #tpu.memory_space<vmem>>
    %dma_start3A_55 = tpu.memref_squeeze %dma_start3A_54 : memref<1x32x256xf32, #tpu.memory_space<vmem>> -> memref<32x256xf32, #tpu.memory_space<vmem>>
    %dma_start3A_56 = arith.constant 0 : i32
    %dma_start3A_57 = tpu.memref_slice %arg3[%add3A_51, %dma_start3A_56] : memref<65536x256xf32, #tpu.memory_space<hbm>> -> memref<32x256xf32, #tpu.memory_space<hbm>>
    %dma_start3A_58 = arith.constant 0 : i32
    %dma_start3A_59 = arith.constant 0 : i32
    %dma_start3A_60 = tpu.memref_slice %arg6[%dma_start3A, %dma_start3A_58, %dma_start3A_59] : memref<4x32x256xf32, #tpu.memory_space<vmem>> -> memref<1x32x256xf32, #tpu.memory_space<vmem>>
    %dma_start3A_61 = tpu.memref_squeeze %dma_start3A_60 : memref<1x32x256xf32, #tpu.memory_space<vmem>> -> memref<32x256xf32, #tpu.memory_space<vmem>>
    %dma_start3A_62 = arith.constant 0 : i32
    %dma_start3A_63 = tpu.memref_slice %arg3[%add3A_51, %dma_start3A_62] : memref<65536x256xf32, #tpu.memory_space<hbm>> -> memref<32x256xf32, #tpu.memory_space<hbm>>
    tpu.enqueue_dma source(%dma_start3A_63 : memref<32x256xf32, #tpu.memory_space<hbm>>) target(%dma_start3A_61 : memref<32x256xf32, #tpu.memory_space<vmem>>) target_semaphore(%arg8 : memref<!tpu.dma_semaphore, #tpu.memory_space<semaphore_mem>>)
    %add3A_64 = arith.constant 32 : i32
    %add3A_65 = arith.addi %mul3A_2, %add3A_64 : i32
    %dma_start3A_66 = arith.constant 1 : i32
    %dma_start3A_67 = arith.constant 0 : i32
    %dma_start3A_68 = arith.constant 0 : i32
    %dma_start3A_69 = tpu.memref_slice %arg6[%dma_start3A_66, %dma_start3A_67, %dma_start3A_68] : memref<4x32x256xf32, #tpu.memory_space<vmem>> -> memref<1x32x256xf32, #tpu.memory_space<vmem>>
    %dma_start3A_70 = tpu.memref_squeeze %dma_start3A_69 : memref<1x32x256xf32, #tpu.memory_space<vmem>> -> memref<32x256xf32, #tpu.memory_space<vmem>>
    %dma_start3A_71 = arith.constant 0 : i32
    %dma_start3A_72 = tpu.memref_slice %arg3[%add3A_65, %dma_start3A_71] : memref<65536x256xf32, #tpu.memory_space<hbm>> -> memref<32x256xf32, #tpu.memory_space<hbm>>
    %dma_start3A_73 = arith.constant 0 : i32
    %dma_start3A_74 = arith.constant 0 : i32
    %dma_start3A_75 = tpu.memref_slice %arg6[%dma_start3A_66, %dma_start3A_73, %dma_start3A_74] : memref<4x32x256xf32, #tpu.memory_space<vmem>> -> memref<1x32x256xf32, #tpu.memory_space<vmem>>
    %dma_start3A_76 = tpu.memref_squeeze %dma_start3A_75 : memref<1x32x256xf32, #tpu.memory_space<vmem>> -> memref<32x256xf32, #tpu.memory_space<vmem>>
    %dma_start3A_77 = arith.constant 0 : i32
    %dma_start3A_78 = tpu.memref_slice %arg3[%add3A_65, %dma_start3A_77] : memref<65536x256xf32, #tpu.memory_space<hbm>> -> memref<32x256xf32, #tpu.memory_space<hbm>>
    tpu.enqueue_dma source(%dma_start3A_78 : memref<32x256xf32, #tpu.memory_space<hbm>>) target(%dma_start3A_76 : memref<32x256xf32, #tpu.memory_space<vmem>>) target_semaphore(%arg9 : memref<!tpu.dma_semaphore, #tpu.memory_space<semaphore_mem>>)
    %add3A_79 = arith.constant 64 : i32
    %add3A_80 = arith.addi %mul3A_2, %add3A_79 : i32
    %dma_start3A_81 = arith.constant 2 : i32
    %dma_start3A_82 = arith.constant 0 : i32
    %dma_start3A_83 = arith.constant 0 : i32
    %dma_start3A_84 = tpu.memref_slice %arg6[%dma_start3A_81, %dma_start3A_82, %dma_start3A_83] : memref<4x32x256xf32, #tpu.memory_space<vmem>> -> memref<1x32x256xf32, #tpu.memory_space<vmem>>
    %dma_start3A_85 = tpu.memref_squeeze %dma_start3A_84 : memref<1x32x256xf32, #tpu.memory_space<vmem>> -> memref<32x256xf32, #tpu.memory_space<vmem>>
    %dma_start3A_86 = arith.constant 0 : i32
    %dma_start3A_87 = tpu.memref_slice %arg3[%add3A_80, %dma_start3A_86] : memref<65536x256xf32, #tpu.memory_space<hbm>> -> memref<32x256xf32, #tpu.memory_space<hbm>>
    %dma_start3A_88 = arith.constant 0 : i32
    %dma_start3A_89 = arith.constant 0 : i32
    %dma_start3A_90 = tpu.memref_slice %arg6[%dma_start3A_81, %dma_start3A_88, %dma_start3A_89] : memref<4x32x256xf32, #tpu.memory_space<vmem>> -> memref<1x32x256xf32, #tpu.memory_space<vmem>>
    %dma_start3A_91 = tpu.memref_squeeze %dma_start3A_90 : memref<1x32x256xf32, #tpu.memory_space<vmem>> -> memref<32x256xf32, #tpu.memory_space<vmem>>
    %dma_start3A_92 = arith.constant 0 : i32
    %dma_start3A_93 = tpu.memref_slice %arg3[%add3A_80, %dma_start3A_92] : memref<65536x256xf32, #tpu.memory_space<hbm>> -> memref<32x256xf32, #tpu.memory_space<hbm>>
    tpu.enqueue_dma source(%dma_start3A_93 : memref<32x256xf32, #tpu.memory_space<hbm>>) target(%dma_start3A_91 : memref<32x256xf32, #tpu.memory_space<vmem>>) target_semaphore(%arg10 : memref<!tpu.dma_semaphore, #tpu.memory_space<semaphore_mem>>)
    %add3A_94 = arith.constant 96 : i32
    %add3A_95 = arith.addi %mul3A_2, %add3A_94 : i32
    %dma_start3A_96 = arith.constant 3 : i32
    %dma_start3A_97 = arith.constant 0 : i32
    %dma_start3A_98 = arith.constant 0 : i32
    %dma_start3A_99 = tpu.memref_slice %arg6[%dma_start3A_96, %dma_start3A_97, %dma_start3A_98] : memref<4x32x256xf32, #tpu.memory_space<vmem>> -> memref<1x32x256xf32, #tpu.memory_space<vmem>>
    %dma_start3A_100 = tpu.memref_squeeze %dma_start3A_99 : memref<1x32x256xf32, #tpu.memory_space<vmem>> -> memref<32x256xf32, #tpu.memory_space<vmem>>
    %dma_start3A_101 = arith.constant 0 : i32
    %dma_start3A_102 = tpu.memref_slice %arg3[%add3A_95, %dma_start3A_101] : memref<65536x256xf32, #tpu.memory_space<hbm>> -> memref<32x256xf32, #tpu.memory_space<hbm>>
    %dma_start3A_103 = arith.constant 0 : i32
    %dma_start3A_104 = arith.constant 0 : i32
    %dma_start3A_105 = tpu.memref_slice %arg6[%dma_start3A_96, %dma_start3A_103, %dma_start3A_104] : memref<4x32x256xf32, #tpu.memory_space<vmem>> -> memref<1x32x256xf32, #tpu.memory_space<vmem>>
    %dma_start3A_106 = tpu.memref_squeeze %dma_start3A_105 : memref<1x32x256xf32, #tpu.memory_space<vmem>> -> memref<32x256xf32, #tpu.memory_space<vmem>>
    %dma_start3A_107 = arith.constant 0 : i32
    %dma_start3A_108 = tpu.memref_slice %arg3[%add3A_95, %dma_start3A_107] : memref<65536x256xf32, #tpu.memory_space<hbm>> -> memref<32x256xf32, #tpu.memory_space<hbm>>
    tpu.enqueue_dma source(%dma_start3A_108 : memref<32x256xf32, #tpu.memory_space<hbm>>) target(%dma_start3A_106 : memref<32x256xf32, #tpu.memory_space<vmem>>) target_semaphore(%arg11 : memref<!tpu.dma_semaphore, #tpu.memory_space<semaphore_mem>>)
    %scan3A = arith.constant 0 : i32
    %scan3A_109 = arith.constant 0 : i32
    %scan3A_110 = arith.constant 16 : i32
    %scan3A_111 = arith.addi %scan3A_109, %scan3A_110 : i32
    %scan3A_112 = arith.constant 1 : i32
    scf.for %scan3A_173 = %scan3A_109 to %scan3A_111 step %scan3A_112  : i32 {
      %mul3A_174 = arith.constant 4 : i32
      %mul3A_175 = arith.muli %mul3A_174, %scan3A_173 : i32
      %add3A_176 = arith.constant 0 : i32
      %add3A_177 = arith.addi %mul3A_175, %add3A_176 : i32
      %mul3A_178 = arith.constant 32 : i32
      %mul3A_179 = arith.muli %add3A_177, %mul3A_178 : i32
      %add3A_180 = arith.addi %mul3A_2, %mul3A_179 : i32
      %dma_wait3A_181 = arith.constant 0 : i32
      %dma_wait3A_182 = arith.constant 0 : i32
      %dma_wait3A_183 = arith.constant 0 : i32
      %dma_wait3A_184 = tpu.memref_slice %arg6[%dma_wait3A_181, %dma_wait3A_182, %dma_wait3A_183] : memref<4x32x256xf32, #tpu.memory_space<vmem>> -> memref<1x32x256xf32, #tpu.memory_space<vmem>>
      %dma_wait3A_185 = tpu.memref_squeeze %dma_wait3A_184 : memref<1x32x256xf32, #tpu.memory_space<vmem>> -> memref<32x256xf32, #tpu.memory_space<vmem>>
      %dma_wait3A_186 = arith.constant 0 : i32
      %dma_wait3A_187 = tpu.memref_slice %arg3[%add3A_180, %dma_wait3A_186] : memref<65536x256xf32, #tpu.memory_space<hbm>> -> memref<32x256xf32, #tpu.memory_space<hbm>>
      %dma_wait3A_188 = arith.constant 0 : i32
      %dma_wait3A_189 = arith.constant 0 : i32
      %dma_wait3A_190 = tpu.memref_slice %arg6[%dma_wait3A_181, %dma_wait3A_188, %dma_wait3A_189] : memref<4x32x256xf32, #tpu.memory_space<vmem>> -> memref<1x32x256xf32, #tpu.memory_space<vmem>>
      %dma_wait3A_191 = tpu.memref_squeeze %dma_wait3A_190 : memref<1x32x256xf32, #tpu.memory_space<vmem>> -> memref<32x256xf32, #tpu.memory_space<vmem>>
      %dma_wait3A_192 = arith.constant 0 : i32
      %dma_wait3A_193 = tpu.memref_slice %arg3[%add3A_180, %dma_wait3A_192] : memref<65536x256xf32, #tpu.memory_space<hbm>> -> memref<32x256xf32, #tpu.memory_space<hbm>>
      tpu.wait_dma2 semaphore(%arg8 : memref<!tpu.dma_semaphore, #tpu.memory_space<semaphore_mem>>) src(%dma_wait3A_193 : memref<32x256xf32, #tpu.memory_space<hbm>>) dst(%dma_wait3A_191 : memref<32x256xf32, #tpu.memory_space<vmem>>)
      %ge3A = arith.constant 4 : i32
      %ge3A_194 = arith.cmpi sge, %add3A_177, %ge3A : i32
      %convert_element_type3A = arith.extui %ge3A_194 : i1 to i32
      %cond3A = arith.constant 0 : i32
      %cond3A_195 = arith.cmpi ne, %convert_element_type3A, %cond3A : i32
      scf.if %cond3A_195 {
        %mul3A_380 = arith.constant 32 : i32
        %mul3A_381 = arith.muli %add3A_177, %mul3A_380 : i32
        %add3A_382 = arith.addi %mul3A_2, %mul3A_381 : i32
        %dma_wait3A_383 = arith.constant 0 : i32
        %dma_wait3A_384 = arith.constant 0 : i32
        %dma_wait3A_385 = arith.constant 0 : i32
        %dma_wait3A_386 = tpu.memref_slice %arg7[%dma_wait3A_383, %dma_wait3A_384, %dma_wait3A_385] : memref<4x32x256xf32, #tpu.memory_space<vmem>> -> memref<1x32x256xf32, #tpu.memory_space<vmem>>
        %dma_wait3A_387 = tpu.memref_squeeze %dma_wait3A_386 : memref<1x32x256xf32, #tpu.memory_space<vmem>> -> memref<32x256xf32, #tpu.memory_space<vmem>>
        %dma_wait3A_388 = arith.constant 0 : i32
        %dma_wait3A_389 = tpu.memref_slice %arg4[%add3A_382, %dma_wait3A_388] : memref<65536x256xf32, #tpu.memory_space<hbm>> -> memref<32x256xf32, #tpu.memory_space<hbm>>
        %dma_wait3A_390 = arith.constant 0 : i32
        %dma_wait3A_391 = tpu.memref_slice %arg4[%add3A_382, %dma_wait3A_390] : memref<65536x256xf32, #tpu.memory_space<hbm>> -> memref<32x256xf32, #tpu.memory_space<hbm>>
        %dma_wait3A_392 = arith.constant 0 : i32
        %dma_wait3A_393 = arith.constant 0 : i32
        %dma_wait3A_394 = tpu.memref_slice %arg7[%dma_wait3A_383, %dma_wait3A_392, %dma_wait3A_393] : memref<4x32x256xf32, #tpu.memory_space<vmem>> -> memref<1x32x256xf32, #tpu.memory_space<vmem>>
        %dma_wait3A_395 = tpu.memref_squeeze %dma_wait3A_394 : memref<1x32x256xf32, #tpu.memory_space<vmem>> -> memref<32x256xf32, #tpu.memory_space<vmem>>
        tpu.wait_dma2 semaphore(%arg12 : memref<!tpu.dma_semaphore, #tpu.memory_space<semaphore_mem>>) src(%dma_wait3A_395 : memref<32x256xf32, #tpu.memory_space<vmem>>) dst(%dma_wait3A_391 : memref<32x256xf32, #tpu.memory_space<hbm>>)
      } else {
      }
      %scan3A_196 = arith.constant 0 : i32
      %scan3A_197 = arith.constant 0 : i32
      %scan3A_198 = arith.constant 32 : i32
      %scan3A_199 = arith.addi %scan3A_197, %scan3A_198 : i32
      %scan3A_200 = arith.constant 2 : i32
      scf.for %scan3A_380 = %scan3A_197 to %scan3A_199 step %scan3A_200  : i32 {
        %get3A_381 = arith.constant 0 : i32
        %get3A_382 = arith.index_cast %get3A_381 : i32 to index
        %get3A_383 = arith.index_cast %scan3A_380 : i32 to index
        %get3A_384 = arith.constant 0 : index
        %get3A_385 = tpu.vector_load %arg6[%get3A_382, %get3A_383, %get3A_384] {strides = array<i32>} : memref<4x32x256xf32, #tpu.memory_space<vmem>>, vector<1x1x16xf32>,
        %get3A_386 = vector.shape_cast %get3A_385 : vector<1x1x16xf32> to vector<16xf32>
        %add3A_387 = arith.addf %get3A_386, %get3A_4 : vector<16xf32>
        %swap3A = arith.constant 0 : i32
        %swap3A_388 = arith.index_cast %swap3A : i32 to index
        %swap3A_389 = arith.index_cast %scan3A_380 : i32 to index
        %swap3A_390 = arith.constant 0 : index
        %swap3A_391 = tpu.vector_load %arg7[%swap3A_388, %swap3A_389, %swap3A_390] {strides = array<i32>} : memref<4x32x256xf32, #tpu.memory_space<vmem>>, vector<1x1x16xf32>,
        %swap3A_392 = vector.shape_cast %swap3A_391 : vector<1x1x16xf32> to vector<16xf32>
        %swap3A_393 = vector.shape_cast %add3A_387 : vector<16xf32> to vector<1x1x16xf32>
        tpu.vector_store %arg7[%swap3A_388, %swap3A_389, %swap3A_390], %swap3A_393 {strides = array<i32>} : memref<4x32x256xf32, #tpu.memory_space<vmem>>, vector<1x1x16xf32>,
        %get3A_394 = arith.constant 0 : i32
        %get3A_395 = arith.index_cast %get3A_394 : i32 to index
        %get3A_396 = arith.index_cast %scan3A_380 : i32 to index
        %get3A_397 = arith.constant 16 : index
        %get3A_398 = tpu.vector_load %arg6[%get3A_395, %get3A_396, %get3A_397] {strides = array<i32>} : memref<4x32x256xf32, #tpu.memory_space<vmem>>, vector<1x1x16xf32>,
        %get3A_399 = vector.shape_cast %get3A_398 : vector<1x1x16xf32> to vector<16xf32>
        %add3A_400 = arith.addf %get3A_399, %get3A_7 : vector<16xf32>
        %swap3A_401 = arith.constant 0 : i32
        %swap3A_402 = arith.index_cast %swap3A_401 : i32 to index
        %swap3A_403 = arith.index_cast %scan3A_380 : i32 to index
        %swap3A_404 = arith.constant 16 : index
        %swap3A_405 = tpu.vector_load %arg7[%swap3A_402, %swap3A_403, %swap3A_404] {strides = array<i32>} : memref<4x32x256xf32, #tpu.memory_space<vmem>>, vector<1x1x16xf32>,
        %swap3A_406 = vector.shape_cast %swap3A_405 : vector<1x1x16xf32> to vector<16xf32>
        %swap3A_407 = vector.shape_cast %add3A_400 : vector<16xf32> to vector<1x1x16xf32>
        tpu.vector_store %arg7[%swap3A_402, %swap3A_403, %swap3A_404], %swap3A_407 {strides = array<i32>} : memref<4x32x256xf32, #tpu.memory_space<vmem>>, vector<1x1x16xf32>,
        %get3A_408 = arith.constant 0 : i32
        %get3A_409 = arith.index_cast %get3A_408 : i32 to index
        %get3A_410 = arith.index_cast %scan3A_380 : i32 to index
        %get3A_411 = arith.constant 32 : index
        %get3A_412 = tpu.vector_load %arg6[%get3A_409, %get3A_410, %get3A_411] {strides = array<i32>} : memref<4x32x256xf32, #tpu.memory_space<vmem>>, vector<1x1x16xf32>,
        %get3A_413 = vector.shape_cast %get3A_412 : vector<1x1x16xf32> to vector<16xf32>
        %add3A_414 = arith.addf %get3A_413, %get3A_10 : vector<16xf32>
        %swap3A_415 = arith.constant 0 : i32
        %swap3A_416 = arith.index_cast %swap3A_415 : i32 to index
        %swap3A_417 = arith.index_cast %scan3A_380 : i32 to index
        %swap3A_418 = arith.constant 32 : index
        %swap3A_419 = tpu.vector_load %arg7[%swap3A_416, %swap3A_417, %swap3A_418] {strides = array<i32>} : memref<4x32x256xf32, #tpu.memory_space<vmem>>, vector<1x1x16xf32>,
        %swap3A_420 = vector.shape_cast %swap3A_419 : vector<1x1x16xf32> to vector<16xf32>
        %swap3A_421 = vector.shape_cast %add3A_414 : vector<16xf32> to vector<1x1x16xf32>
        tpu.vector_store %arg7[%swap3A_416, %swap3A_417, %swap3A_418], %swap3A_421 {strides = array<i32>} : memref<4x32x256xf32, #tpu.memory_space<vmem>>, vector<1x1x16xf32>,
        %get3A_422 = arith.constant 0 : i32
        %get3A_423 = arith.index_cast %get3A_422 : i32 to index
        %get3A_424 = arith.index_cast %scan3A_380 : i32 to index
        %get3A_425 = arith.constant 48 : index
        %get3A_426 = tpu.vector_load %arg6[%get3A_423, %get3A_424, %get3A_425] {strides = array<i32>} : memref<4x32x256xf32, #tpu.memory_space<vmem>>, vector<1x1x16xf32>,
        %get3A_427 = vector.shape_cast %get3A_426 : vector<1x1x16xf32> to vector<16xf32>
        %add3A_428 = arith.addf %get3A_427, %get3A_13 : vector<16xf32>
        %swap3A_429 = arith.constant 0 : i32
        %swap3A_430 = arith.index_cast %swap3A_429 : i32 to index
        %swap3A_431 = arith.index_cast %scan3A_380 : i32 to index
        %swap3A_432 = arith.constant 48 : index
        %swap3A_433 = tpu.vector_load %arg7[%swap3A_430, %swap3A_431, %swap3A_432] {strides = array<i32>} : memref<4x32x256xf32, #tpu.memory_space<vmem>>, vector<1x1x16xf32>,
        %swap3A_434 = vector.shape_cast %swap3A_433 : vector<1x1x16xf32> to vector<16xf32>
        %swap3A_435 = vector.shape_cast %add3A_428 : vector<16xf32> to vector<1x1x16xf32>
        tpu.vector_store %arg7[%swap3A_430, %swap3A_431, %swap3A_432], %swap3A_435 {strides = array<i32>} : memref<4x32x256xf32, #tpu.memory_space<vmem>>, vector<1x1x16xf32>,
        %get3A_436 = arith.constant 0 : i32
        %get3A_437 = arith.index_cast %get3A_436 : i32 to index
        %get3A_438 = arith.index_cast %scan3A_380 : i32 to index
        %get3A_439 = arith.constant 64 : index
        %get3A_440 = tpu.vector_load %arg6[%get3A_437, %get3A_438, %get3A_439] {strides = array<i32>} : memref<4x32x256xf32, #tpu.memory_space<vmem>>, vector<1x1x16xf32>,
        %get3A_441 = vector.shape_cast %get3A_440 : vector<1x1x16xf32> to vector<16xf32>
        %add3A_442 = arith.addf %get3A_441, %get3A_16 : vector<16xf32>
        %swap3A_443 = arith.constant 0 : i32
        %swap3A_444 = arith.index_cast %swap3A_443 : i32 to index
        %swap3A_445 = arith.index_cast %scan3A_380 : i32 to index
        %swap3A_446 = arith.constant 64 : index
        %swap3A_447 = tpu.vector_load %arg7[%swap3A_444, %swap3A_445, %swap3A_446] {strides = array<i32>} : memref<4x32x256xf32, #tpu.memory_space<vmem>>, vector<1x1x16xf32>,
        %swap3A_448 = vector.shape_cast %swap3A_447 : vector<1x1x16xf32> to vector<16xf32>
        %swap3A_449 = vector.shape_cast %add3A_442 : vector<16xf32> to vector<1x1x16xf32>
        tpu.vector_store %arg7[%swap3A_444, %swap3A_445, %swap3A_446], %swap3A_449 {strides = array<i32>} : memref<4x32x256xf32, #tpu.memory_space<vmem>>, vector<1x1x16xf32>,
        %get3A_450 = arith.constant 0 : i32
        %get3A_451 = arith.index_cast %get3A_450 : i32 to index
        %get3A_452 = arith.index_cast %scan3A_380 : i32 to index
        %get3A_453 = arith.constant 80 : index
        %get3A_454 = tpu.vector_load %arg6[%get3A_451, %get3A_452, %get3A_453] {strides = array<i32>} : memref<4x32x256xf32, #tpu.memory_space<vmem>>, vector<1x1x16xf32>,
        %get3A_455 = vector.shape_cast %get3A_454 : vector<1x1x16xf32> to vector<16xf32>
        %add3A_456 = arith.addf %get3A_455, %get3A_19 : vector<16xf32>
        %swap3A_457 = arith.constant 0 : i32
        %swap3A_458 = arith.index_cast %swap3A_457 : i32 to index
        %swap3A_459 = arith.index_cast %scan3A_380 : i32 to index
        %swap3A_460 = arith.constant 80 : index
        %swap3A_461 = tpu.vector_load %arg7[%swap3A_458, %swap3A_459, %swap3A_460] {strides = array<i32>} : memref<4x32x256xf32, #tpu.memory_space<vmem>>, vector<1x1x16xf32>,
        %swap3A_462 = vector.shape_cast %swap3A_461 : vector<1x1x16xf32> to vector<16xf32>
        %swap3A_463 = vector.shape_cast %add3A_456 : vector<16xf32> to vector<1x1x16xf32>
        tpu.vector_store %arg7[%swap3A_458, %swap3A_459, %swap3A_460], %swap3A_463 {strides = array<i32>} : memref<4x32x256xf32, #tpu.memory_space<vmem>>, vector<1x1x16xf32>,
        %get3A_464 = arith.constant 0 : i32
        %get3A_465 = arith.index_cast %get3A_464 : i32 to index
        %get3A_466 = arith.index_cast %scan3A_380 : i32 to index
        %get3A_467 = arith.constant 96 : index
        %get3A_468 = tpu.vector_load %arg6[%get3A_465, %get3A_466, %get3A_467] {strides = array<i32>} : memref<4x32x256xf32, #tpu.memory_space<vmem>>, vector<1x1x16xf32>,
        %get3A_469 = vector.shape_cast %get3A_468 : vector<1x1x16xf32> to vector<16xf32>
        %add3A_470 = arith.addf %get3A_469, %get3A_22 : vector<16xf32>
        %swap3A_471 = arith.constant 0 : i32
        %swap3A_472 = arith.index_cast %swap3A_471 : i32 to index
        %swap3A_473 = arith.index_cast %scan3A_380 : i32 to index
        %swap3A_474 = arith.constant 96 : index
        %swap3A_475 = tpu.vector_load %arg7[%swap3A_472, %swap3A_473, %swap3A_474] {strides = array<i32>} : memref<4x32x256xf32, #tpu.memory_space<vmem>>, vector<1x1x16xf32>,
        %swap3A_476 = vector.shape_cast %swap3A_475 : vector<1x1x16xf32> to vector<16xf32>
        %swap3A_477 = vector.shape_cast %add3A_470 : vector<16xf32> to vector<1x1x16xf32>
        tpu.vector_store %arg7[%swap3A_472, %swap3A_473, %swap3A_474], %swap3A_477 {strides = array<i32>} : memref<4x32x256xf32, #tpu.memory_space<vmem>>, vector<1x1x16xf32>,
        %get3A_478 = arith.constant 0 : i32
        %get3A_479 = arith.index_cast %get3A_478 : i32 to index
        %get3A_480 = arith.index_cast %scan3A_380 : i32 to index
        %get3A_481 = arith.constant 112 : index
        %get3A_482 = tpu.vector_load %arg6[%get3A_479, %get3A_480, %get3A_481] {strides = array<i32>} : memref<4x32x256xf32, #tpu.memory_space<vmem>>, vector<1x1x16xf32>,
        %get3A_483 = vector.shape_cast %get3A_482 : vector<1x1x16xf32> to vector<16xf32>
        %add3A_484 = arith.addf %get3A_483, %get3A_25 : vector<16xf32>
        %swap3A_485 = arith.constant 0 : i32
        %swap3A_486 = arith.index_cast %swap3A_485 : i32 to index
        %swap3A_487 = arith.index_cast %scan3A_380 : i32 to index
        %swap3A_488 = arith.constant 112 : index
        %swap3A_489 = tpu.vector_load %arg7[%swap3A_486, %swap3A_487, %swap3A_488] {strides = array<i32>} : memref<4x32x256xf32, #tpu.memory_space<vmem>>, vector<1x1x16xf32>,
        %swap3A_490 = vector.shape_cast %swap3A_489 : vector<1x1x16xf32> to vector<16xf32>
        %swap3A_491 = vector.shape_cast %add3A_484 : vector<16xf32> to vector<1x1x16xf32>
        tpu.vector_store %arg7[%swap3A_486, %swap3A_487, %swap3A_488], %swap3A_491 {strides = array<i32>} : memref<4x32x256xf32, #tpu.memory_space<vmem>>, vector<1x1x16xf32>,
        %get3A_492 = arith.constant 0 : i32
        %get3A_493 = arith.index_cast %get3A_492 : i32 to index
        %get3A_494 = arith.index_cast %scan3A_380 : i32 to index
        %get3A_495 = arith.constant 128 : index
        %get3A_496 = tpu.vector_load %arg6[%get3A_493, %get3A_494, %get3A_495] {strides = array<i32>} : memref<4x32x256xf32, #tpu.memory_space<vmem>>, vector<1x1x16xf32>,
        %get3A_497 = vector.shape_cast %get3A_496 : vector<1x1x16xf32> to vector<16xf32>
        %add3A_498 = arith.addf %get3A_497, %get3A_28 : vector<16xf32>
        %swap3A_499 = arith.constant 0 : i32
        %swap3A_500 = arith.index_cast %swap3A_499 : i32 to index
        %swap3A_501 = arith.index_cast %scan3A_380 : i32 to index
        %swap3A_502 = arith.constant 128 : index
        %swap3A_503 = tpu.vector_load %arg7[%swap3A_500, %swap3A_501, %swap3A_502] {strides = array<i32>} : memref<4x32x256xf32, #tpu.memory_space<vmem>>, vector<1x1x16xf32>,
        %swap3A_504 = vector.shape_cast %swap3A_503 : vector<1x1x16xf32> to vector<16xf32>
        %swap3A_505 = vector.shape_cast %add3A_498 : vector<16xf32> to vector<1x1x16xf32>
        tpu.vector_store %arg7[%swap3A_500, %swap3A_501, %swap3A_502], %swap3A_505 {strides = array<i32>} : memref<4x32x256xf32, #tpu.memory_space<vmem>>, vector<1x1x16xf32>,
        %get3A_506 = arith.constant 0 : i32
        %get3A_507 = arith.index_cast %get3A_506 : i32 to index
        %get3A_508 = arith.index_cast %scan3A_380 : i32 to index
        %get3A_509 = arith.constant 144 : index
        %get3A_510 = tpu.vector_load %arg6[%get3A_507, %get3A_508, %get3A_509] {strides = array<i32>} : memref<4x32x256xf32, #tpu.memory_space<vmem>>, vector<1x1x16xf32>,
        %get3A_511 = vector.shape_cast %get3A_510 : vector<1x1x16xf32> to vector<16xf32>
        %add3A_512 = arith.addf %get3A_511, %get3A_31 : vector<16xf32>
        %swap3A_513 = arith.constant 0 : i32
        %swap3A_514 = arith.index_cast %swap3A_513 : i32 to index
        %swap3A_515 = arith.index_cast %scan3A_380 : i32 to index
        %swap3A_516 = arith.constant 144 : index
        %swap3A_517 = tpu.vector_load %arg7[%swap3A_514, %swap3A_515, %swap3A_516] {strides = array<i32>} : memref<4x32x256xf32, #tpu.memory_space<vmem>>, vector<1x1x16xf32>,
        %swap3A_518 = vector.shape_cast %swap3A_517 : vector<1x1x16xf32> to vector<16xf32>
        %swap3A_519 = vector.shape_cast %add3A_512 : vector<16xf32> to vector<1x1x16xf32>
        tpu.vector_store %arg7[%swap3A_514, %swap3A_515, %swap3A_516], %swap3A_519 {strides = array<i32>} : memref<4x32x256xf32, #tpu.memory_space<vmem>>, vector<1x1x16xf32>,
        %get3A_520 = arith.constant 0 : i32
        %get3A_521 = arith.index_cast %get3A_520 : i32 to index
        %get3A_522 = arith.index_cast %scan3A_380 : i32 to index
        %get3A_523 = arith.constant 160 : index
        %get3A_524 = tpu.vector_load %arg6[%get3A_521, %get3A_522, %get3A_523] {strides = array<i32>} : memref<4x32x256xf32, #tpu.memory_space<vmem>>, vector<1x1x16xf32>,
        %get3A_525 = vector.shape_cast %get3A_524 : vector<1x1x16xf32> to vector<16xf32>
        %add3A_526 = arith.addf %get3A_525, %get3A_34 : vector<16xf32>
        %swap3A_527 = arith.constant 0 : i32
        %swap3A_528 = arith.index_cast %swap3A_527 : i32 to index
        %swap3A_529 = arith.index_cast %scan3A_380 : i32 to index
        %swap3A_530 = arith.constant 160 : index
        %swap3A_531 = tpu.vector_load %arg7[%swap3A_528, %swap3A_529, %swap3A_530] {strides = array<i32>} : memref<4x32x256xf32, #tpu.memory_space<vmem>>, vector<1x1x16xf32>,
        %swap3A_532 = vector.shape_cast %swap3A_531 : vector<1x1x16xf32> to vector<16xf32>
        %swap3A_533 = vector.shape_cast %add3A_526 : vector<16xf32> to vector<1x1x16xf32>
        tpu.vector_store %arg7[%swap3A_528, %swap3A_529, %swap3A_530], %swap3A_533 {strides = array<i32>} : memref<4x32x256xf32, #tpu.memory_space<vmem>>, vector<1x1x16xf32>,
        %get3A_534 = arith.constant 0 : i32
        %get3A_535 = arith.index_cast %get3A_534 : i32 to index
        %get3A_536 = arith.index_cast %scan3A_380 : i32 to index
        %get3A_537 = arith.constant 176 : index
        %get3A_538 = tpu.vector_load %arg6[%get3A_535, %get3A_536, %get3A_537] {strides = array<i32>} : memref<4x32x256xf32, #tpu.memory_space<vmem>>, vector<1x1x16xf32>,
        %get3A_539 = vector.shape_cast %get3A_538 : vector<1x1x16xf32> to vector<16xf32>
        %add3A_540 = arith.addf %get3A_539, %get3A_37 : vector<16xf32>
        %swap3A_541 = arith.constant 0 : i32
        %swap3A_542 = arith.index_cast %swap3A_541 : i32 to index
        %swap3A_543 = arith.index_cast %scan3A_380 : i32 to index
        %swap3A_544 = arith.constant 176 : index
        %swap3A_545 = tpu.vector_load %arg7[%swap3A_542, %swap3A_543, %swap3A_544] {strides = array<i32>} : memref<4x32x256xf32, #tpu.memory_space<vmem>>, vector<1x1x16xf32>,
        %swap3A_546 = vector.shape_cast %swap3A_545 : vector<1x1x16xf32> to vector<16xf32>
        %swap3A_547 = vector.shape_cast %add3A_540 : vector<16xf32> to vector<1x1x16xf32>
        tpu.vector_store %arg7[%swap3A_542, %swap3A_543, %swap3A_544], %swap3A_547 {strides = array<i32>} : memref<4x32x256xf32, #tpu.memory_space<vmem>>, vector<1x1x16xf32>,
        %get3A_548 = arith.constant 0 : i32
        %get3A_549 = arith.index_cast %get3A_548 : i32 to index
        %get3A_550 = arith.index_cast %scan3A_380 : i32 to index
        %get3A_551 = arith.constant 192 : index
        %get3A_552 = tpu.vector_load %arg6[%get3A_549, %get3A_550, %get3A_551] {strides = array<i32>} : memref<4x32x256xf32, #tpu.memory_space<vmem>>, vector<1x1x16xf32>,
        %get3A_553 = vector.shape_cast %get3A_552 : vector<1x1x16xf32> to vector<16xf32>
        %add3A_554 = arith.addf %get3A_553, %get3A_40 : vector<16xf32>
        %swap3A_555 = arith.constant 0 : i32
        %swap3A_556 = arith.index_cast %swap3A_555 : i32 to index
        %swap3A_557 = arith.index_cast %scan3A_380 : i32 to index
        %swap3A_558 = arith.constant 192 : index
        %swap3A_559 = tpu.vector_load %arg7[%swap3A_556, %swap3A_557, %swap3A_558] {strides = array<i32>} : memref<4x32x256xf32, #tpu.memory_space<vmem>>, vector<1x1x16xf32>,
        %swap3A_560 = vector.shape_cast %swap3A_559 : vector<1x1x16xf32> to vector<16xf32>
        %swap3A_561 = vector.shape_cast %add3A_554 : vector<16xf32> to vector<1x1x16xf32>
        tpu.vector_store %arg7[%swap3A_556, %swap3A_557, %swap3A_558], %swap3A_561 {strides = array<i32>} : memref<4x32x256xf32, #tpu.memory_space<vmem>>, vector<1x1x16xf32>,
        %get3A_562 = arith.constant 0 : i32
        %get3A_563 = arith.index_cast %get3A_562 : i32 to index
        %get3A_564 = arith.index_cast %scan3A_380 : i32 to index
        %get3A_565 = arith.constant 208 : index
        %get3A_566 = tpu.vector_load %arg6[%get3A_563, %get3A_564, %get3A_565] {strides = array<i32>} : memref<4x32x256xf32, #tpu.memory_space<vmem>>, vector<1x1x16xf32>,
        %get3A_567 = vector.shape_cast %get3A_566 : vector<1x1x16xf32> to vector<16xf32>
        %add3A_568 = arith.addf %get3A_567, %get3A_43 : vector<16xf32>
        %swap3A_569 = arith.constant 0 : i32
        %swap3A_570 = arith.index_cast %swap3A_569 : i32 to index
        %swap3A_571 = arith.index_cast %scan3A_380 : i32 to index
        %swap3A_572 = arith.constant 208 : index
        %swap3A_573 = tpu.vector_load %arg7[%swap3A_570, %swap3A_571, %swap3A_572] {strides = array<i32>} : memref<4x32x256xf32, #tpu.memory_space<vmem>>, vector<1x1x16xf32>,
        %swap3A_574 = vector.shape_cast %swap3A_573 : vector<1x1x16xf32> to vector<16xf32>
        %swap3A_575 = vector.shape_cast %add3A_568 : vector<16xf32> to vector<1x1x16xf32>
        tpu.vector_store %arg7[%swap3A_570, %swap3A_571, %swap3A_572], %swap3A_575 {strides = array<i32>} : memref<4x32x256xf32, #tpu.memory_space<vmem>>, vector<1x1x16xf32>,
        %get3A_576 = arith.constant 0 : i32
        %get3A_577 = arith.index_cast %get3A_576 : i32 to index
        %get3A_578 = arith.index_cast %scan3A_380 : i32 to index
        %get3A_579 = arith.constant 224 : index
        %get3A_580 = tpu.vector_load %arg6[%get3A_577, %get3A_578, %get3A_579] {strides = array<i32>} : memref<4x32x256xf32, #tpu.memory_space<vmem>>, vector<1x1x16xf32>,
        %get3A_581 = vector.shape_cast %get3A_580 : vector<1x1x16xf32> to vector<16xf32>
        %add3A_582 = arith.addf %get3A_581, %get3A_46 : vector<16xf32>
        %swap3A_583 = arith.constant 0 : i32
        %swap3A_584 = arith.index_cast %swap3A_583 : i32 to index
        %swap3A_585 = arith.index_cast %scan3A_380 : i32 to index
        %swap3A_586 = arith.constant 224 : index
        %swap3A_587 = tpu.vector_load %arg7[%swap3A_584, %swap3A_585, %swap3A_586] {strides = array<i32>} : memref<4x32x256xf32, #tpu.memory_space<vmem>>, vector<1x1x16xf32>,
        %swap3A_588 = vector.shape_cast %swap3A_587 : vector<1x1x16xf32> to vector<16xf32>
        %swap3A_589 = vector.shape_cast %add3A_582 : vector<16xf32> to vector<1x1x16xf32>
        tpu.vector_store %arg7[%swap3A_584, %swap3A_585, %swap3A_586], %swap3A_589 {strides = array<i32>} : memref<4x32x256xf32, #tpu.memory_space<vmem>>, vector<1x1x16xf32>,
        %get3A_590 = arith.constant 0 : i32
        %get3A_591 = arith.index_cast %get3A_590 : i32 to index
        %get3A_592 = arith.index_cast %scan3A_380 : i32 to index
        %get3A_593 = arith.constant 240 : index
        %get3A_594 = tpu.vector_load %arg6[%get3A_591, %get3A_592, %get3A_593] {strides = array<i32>} : memref<4x32x256xf32, #tpu.memory_space<vmem>>, vector<1x1x16xf32>,
        %get3A_595 = vector.shape_cast %get3A_594 : vector<1x1x16xf32> to vector<16xf32>
        %add3A_596 = arith.addf %get3A_595, %get3A_49 : vector<16xf32>
        %swap3A_597 = arith.constant 0 : i32
        %swap3A_598 = arith.index_cast %swap3A_597 : i32 to index
        %swap3A_599 = arith.index_cast %scan3A_380 : i32 to index
        %swap3A_600 = arith.constant 240 : index
        %swap3A_601 = tpu.vector_load %arg7[%swap3A_598, %swap3A_599, %swap3A_600] {strides = array<i32>} : memref<4x32x256xf32, #tpu.memory_space<vmem>>, vector<1x1x16xf32>,
        %swap3A_602 = vector.shape_cast %swap3A_601 : vector<1x1x16xf32> to vector<16xf32>
        %swap3A_603 = vector.shape_cast %add3A_596 : vector<16xf32> to vector<1x1x16xf32>
        tpu.vector_store %arg7[%swap3A_598, %swap3A_599, %swap3A_600], %swap3A_603 {strides = array<i32>} : memref<4x32x256xf32, #tpu.memory_space<vmem>>, vector<1x1x16xf32>,
        %scan3A_604 = arith.constant 1 : i32
        %scan3A_605 = arith.addi %scan3A_380, %scan3A_604 : i32
        %get3A_606 = arith.constant 0 : i32
        %get3A_607 = arith.index_cast %get3A_606 : i32 to index
        %get3A_608 = arith.index_cast %scan3A_605 : i32 to index
        %get3A_609 = arith.constant 0 : index
        %get3A_610 = tpu.vector_load %arg6[%get3A_607, %get3A_608, %get3A_609] {strides = array<i32>} : memref<4x32x256xf32, #tpu.memory_space<vmem>>, vector<1x1x16xf32>,
        %get3A_611 = vector.shape_cast %get3A_610 : vector<1x1x16xf32> to vector<16xf32>
        %add3A_612 = arith.addf %get3A_611, %get3A_4 : vector<16xf32>
        %swap3A_613 = arith.constant 0 : i32
        %swap3A_614 = arith.index_cast %swap3A_613 : i32 to index
        %swap3A_615 = arith.index_cast %scan3A_605 : i32 to index
        %swap3A_616 = arith.constant 0 : index
        %swap3A_617 = tpu.vector_load %arg7[%swap3A_614, %swap3A_615, %swap3A_616] {strides = array<i32>} : memref<4x32x256xf32, #tpu.memory_space<vmem>>, vector<1x1x16xf32>,
        %swap3A_618 = vector.shape_cast %swap3A_617 : vector<1x1x16xf32> to vector<16xf32>
        %swap3A_619 = vector.shape_cast %add3A_612 : vector<16xf32> to vector<1x1x16xf32>
        tpu.vector_store %arg7[%swap3A_614, %swap3A_615, %swap3A_616], %swap3A_619 {strides = array<i32>} : memref<4x32x256xf32, #tpu.memory_space<vmem>>, vector<1x1x16xf32>,
        %get3A_620 = arith.constant 0 : i32
        %get3A_621 = arith.index_cast %get3A_620 : i32 to index
        %get3A_622 = arith.index_cast %scan3A_605 : i32 to index
        %get3A_623 = arith.constant 16 : index
        %get3A_624 = tpu.vector_load %arg6[%get3A_621, %get3A_622, %get3A_623] {strides = array<i32>} : memref<4x32x256xf32, #tpu.memory_space<vmem>>, vector<1x1x16xf32>,
        %get3A_625 = vector.shape_cast %get3A_624 : vector<1x1x16xf32> to vector<16xf32>
        %add3A_626 = arith.addf %get3A_625, %get3A_7 : vector<16xf32>
        %swap3A_627 = arith.constant 0 : i32
        %swap3A_628 = arith.index_cast %swap3A_627 : i32 to index
        %swap3A_629 = arith.index_cast %scan3A_605 : i32 to index
        %swap3A_630 = arith.constant 16 : index
        %swap3A_631 = tpu.vector_load %arg7[%swap3A_628, %swap3A_629, %swap3A_630] {strides = array<i32>} : memref<4x32x256xf32, #tpu.memory_space<vmem>>, vector<1x1x16xf32>,
        %swap3A_632 = vector.shape_cast %swap3A_631 : vector<1x1x16xf32> to vector<16xf32>
        %swap3A_633 = vector.shape_cast %add3A_626 : vector<16xf32> to vector<1x1x16xf32>
        tpu.vector_store %arg7[%swap3A_628, %swap3A_629, %swap3A_630], %swap3A_633 {strides = array<i32>} : memref<4x32x256xf32, #tpu.memory_space<vmem>>, vector<1x1x16xf32>,
        %get3A_634 = arith.constant 0 : i32
        %get3A_635 = arith.index_cast %get3A_634 : i32 to index
        %get3A_636 = arith.index_cast %scan3A_605 : i32 to index
        %get3A_637 = arith.constant 32 : index
        %get3A_638 = tpu.vector_load %arg6[%get3A_635, %get3A_636, %get3A_637] {strides = array<i32>} : memref<4x32x256xf32, #tpu.memory_space<vmem>>, vector<1x1x16xf32>,
        %get3A_639 = vector.shape_cast %get3A_638 : vector<1x1x16xf32> to vector<16xf32>
        %add3A_640 = arith.addf %get3A_639, %get3A_10 : vector<16xf32>
        %swap3A_641 = arith.constant 0 : i32
        %swap3A_642 = arith.index_cast %swap3A_641 : i32 to index
        %swap3A_643 = arith.index_cast %scan3A_605 : i32 to index
        %swap3A_644 = arith.constant 32 : index
        %swap3A_645 = tpu.vector_load %arg7[%swap3A_642, %swap3A_643, %swap3A_644] {strides = array<i32>} : memref<4x32x256xf32, #tpu.memory_space<vmem>>, vector<1x1x16xf32>,
        %swap3A_646 = vector.shape_cast %swap3A_645 : vector<1x1x16xf32> to vector<16xf32>
        %swap3A_647 = vector.shape_cast %add3A_640 : vector<16xf32> to vector<1x1x16xf32>
        tpu.vector_store %arg7[%swap3A_642, %swap3A_643, %swap3A_644], %swap3A_647 {strides = array<i32>} : memref<4x32x256xf32, #tpu.memory_space<vmem>>, vector<1x1x16xf32>,
        %get3A_648 = arith.constant 0 : i32
        %get3A_649 = arith.index_cast %get3A_648 : i32 to index
        %get3A_650 = arith.index_cast %scan3A_605 : i32 to index
        %get3A_651 = arith.constant 48 : index
        %get3A_652 = tpu.vector_load %arg6[%get3A_649, %get3A_650, %get3A_651] {strides = array<i32>} : memref<4x32x256xf32, #tpu.memory_space<vmem>>, vector<1x1x16xf32>,
        %get3A_653 = vector.shape_cast %get3A_652 : vector<1x1x16xf32> to vector<16xf32>
        %add3A_654 = arith.addf %get3A_653, %get3A_13 : vector<16xf32>
        %swap3A_655 = arith.constant 0 : i32
        %swap3A_656 = arith.index_cast %swap3A_655 : i32 to index
        %swap3A_657 = arith.index_cast %scan3A_605 : i32 to index
        %swap3A_658 = arith.constant 48 : index
        %swap3A_659 = tpu.vector_load %arg7[%swap3A_656, %swap3A_657, %swap3A_658] {strides = array<i32>} : memref<4x32x256xf32, #tpu.memory_space<vmem>>, vector<1x1x16xf32>,
        %swap3A_660 = vector.shape_cast %swap3A_659 : vector<1x1x16xf32> to vector<16xf32>
        %swap3A_661 = vector.shape_cast %add3A_654 : vector<16xf32> to vector<1x1x16xf32>
        tpu.vector_store %arg7[%swap3A_656, %swap3A_657, %swap3A_658], %swap3A_661 {strides = array<i32>} : memref<4x32x256xf32, #tpu.memory_space<vmem>>, vector<1x1x16xf32>,
        %get3A_662 = arith.constant 0 : i32
        %get3A_663 = arith.index_cast %get3A_662 : i32 to index
        %get3A_664 = arith.index_cast %scan3A_605 : i32 to index
        %get3A_665 = arith.constant 64 : index
        %get3A_666 = tpu.vector_load %arg6[%get3A_663, %get3A_664, %get3A_665] {strides = array<i32>} : memref<4x32x256xf32, #tpu.memory_space<vmem>>, vector<1x1x16xf32>,
        %get3A_667 = vector.shape_cast %get3A_666 : vector<1x1x16xf32> to vector<16xf32>
        %add3A_668 = arith.addf %get3A_667, %get3A_16 : vector<16xf32>
        %swap3A_669 = arith.constant 0 : i32
        %swap3A_670 = arith.index_cast %swap3A_669 : i32 to index
        %swap3A_671 = arith.index_cast %scan3A_605 : i32 to index
        %swap3A_672 = arith.constant 64 : index
        %swap3A_673 = tpu.vector_load %arg7[%swap3A_670, %swap3A_671, %swap3A_672] {strides = array<i32>} : memref<4x32x256xf32, #tpu.memory_space<vmem>>, vector<1x1x16xf32>,
        %swap3A_674 = vector.shape_cast %swap3A_673 : vector<1x1x16xf32> to vector<16xf32>
        %swap3A_675 = vector.shape_cast %add3A_668 : vector<16xf32> to vector<1x1x16xf32>
        tpu.vector_store %arg7[%swap3A_670, %swap3A_671, %swap3A_672], %swap3A_675 {strides = array<i32>} : memref<4x32x256xf32, #tpu.memory_space<vmem>>, vector<1x1x16xf32>,
        %get3A_676 = arith.constant 0 : i32
        %get3A_677 = arith.index_cast %get3A_676 : i32 to index
        %get3A_678 = arith.index_cast %scan3A_605 : i32 to index
        %get3A_679 = arith.constant 80 : index
        %get3A_680 = tpu.vector_load %arg6[%get3A_677, %get3A_678, %get3A_679] {strides = array<i32>} : memref<4x32x256xf32, #tpu.memory_space<vmem>>, vector<1x1x16xf32>,
        %get3A_681 = vector.shape_cast %get3A_680 : vector<1x1x16xf32> to vector<16xf32>
        %add3A_682 = arith.addf %get3A_681, %get3A_19 : vector<16xf32>
        %swap3A_683 = arith.constant 0 : i32
        %swap3A_684 = arith.index_cast %swap3A_683 : i32 to index
        %swap3A_685 = arith.index_cast %scan3A_605 : i32 to index
        %swap3A_686 = arith.constant 80 : index
        %swap3A_687 = tpu.vector_load %arg7[%swap3A_684, %swap3A_685, %swap3A_686] {strides = array<i32>} : memref<4x32x256xf32, #tpu.memory_space<vmem>>, vector<1x1x16xf32>,
        %swap3A_688 = vector.shape_cast %swap3A_687 : vector<1x1x16xf32> to vector<16xf32>
        %swap3A_689 = vector.shape_cast %add3A_682 : vector<16xf32> to vector<1x1x16xf32>
        tpu.vector_store %arg7[%swap3A_684, %swap3A_685, %swap3A_686], %swap3A_689 {strides = array<i32>} : memref<4x32x256xf32, #tpu.memory_space<vmem>>, vector<1x1x16xf32>,
        %get3A_690 = arith.constant 0 : i32
        %get3A_691 = arith.index_cast %get3A_690 : i32 to index
        %get3A_692 = arith.index_cast %scan3A_605 : i32 to index
        %get3A_693 = arith.constant 96 : index
        %get3A_694 = tpu.vector_load %arg6[%get3A_691, %get3A_692, %get3A_693] {strides = array<i32>} : memref<4x32x256xf32, #tpu.memory_space<vmem>>, vector<1x1x16xf32>,
        %get3A_695 = vector.shape_cast %get3A_694 : vector<1x1x16xf32> to vector<16xf32>
        %add3A_696 = arith.addf %get3A_695, %get3A_22 : vector<16xf32>
        %swap3A_697 = arith.constant 0 : i32
        %swap3A_698 = arith.index_cast %swap3A_697 : i32 to index
        %swap3A_699 = arith.index_cast %scan3A_605 : i32 to index
        %swap3A_700 = arith.constant 96 : index
        %swap3A_701 = tpu.vector_load %arg7[%swap3A_698, %swap3A_699, %swap3A_700] {strides = array<i32>} : memref<4x32x256xf32, #tpu.memory_space<vmem>>, vector<1x1x16xf32>,
        %swap3A_702 = vector.shape_cast %swap3A_701 : vector<1x1x16xf32> to vector<16xf32>
        %swap3A_703 = vector.shape_cast %add3A_696 : vector<16xf32> to vector<1x1x16xf32>
        tpu.vector_store %arg7[%swap3A_698, %swap3A_699, %swap3A_700], %swap3A_703 {strides = array<i32>} : memref<4x32x256xf32, #tpu.memory_space<vmem>>, vector<1x1x16xf32>,
        %get3A_704 = arith.constant 0 : i32
        %get3A_705 = arith.index_cast %get3A_704 : i32 to index
        %get3A_706 = arith.index_cast %scan3A_605 : i32 to index
        %get3A_707 = arith.constant 112 : index
        %get3A_708 = tpu.vector_load %arg6[%get3A_705, %get3A_706, %get3A_707] {strides = array<i32>} : memref<4x32x256xf32, #tpu.memory_space<vmem>>, vector<1x1x16xf32>,
        %get3A_709 = vector.shape_cast %get3A_708 : vector<1x1x16xf32> to vector<16xf32>
        %add3A_710 = arith.addf %get3A_709, %get3A_25 : vector<16xf32>
        %swap3A_711 = arith.constant 0 : i32
        %swap3A_712 = arith.index_cast %swap3A_711 : i32 to index
        %swap3A_713 = arith.index_cast %scan3A_605 : i32 to index
        %swap3A_714 = arith.constant 112 : index
        %swap3A_715 = tpu.vector_load %arg7[%swap3A_712, %swap3A_713, %swap3A_714] {strides = array<i32>} : memref<4x32x256xf32, #tpu.memory_space<vmem>>, vector<1x1x16xf32>,
        %swap3A_716 = vector.shape_cast %swap3A_715 : vector<1x1x16xf32> to vector<16xf32>
        %swap3A_717 = vector.shape_cast %add3A_710 : vector<16xf32> to vector<1x1x16xf32>
        tpu.vector_store %arg7[%swap3A_712, %swap3A_713, %swap3A_714], %swap3A_717 {strides = array<i32>} : memref<4x32x256xf32, #tpu.memory_space<vmem>>, vector<1x1x16xf32>,
        %get3A_718 = arith.constant 0 : i32
        %get3A_719 = arith.index_cast %get3A_718 : i32 to index
        %get3A_720 = arith.index_cast %scan3A_605 : i32 to index
        %get3A_721 = arith.constant 128 : index
        %get3A_722 = tpu.vector_load %arg6[%get3A_719, %get3A_720, %get3A_721] {strides = array<i32>} : memref<4x32x256xf32, #tpu.memory_space<vmem>>, vector<1x1x16xf32>,
        %get3A_723 = vector.shape_cast %get3A_722 : vector<1x1x16xf32> to vector<16xf32>
        %add3A_724 = arith.addf %get3A_723, %get3A_28 : vector<16xf32>
        %swap3A_725 = arith.constant 0 : i32
        %swap3A_726 = arith.index_cast %swap3A_725 : i32 to index
        %swap3A_727 = arith.index_cast %scan3A_605 : i32 to index
        %swap3A_728 = arith.constant 128 : index
        %swap3A_729 = tpu.vector_load %arg7[%swap3A_726, %swap3A_727, %swap3A_728] {strides = array<i32>} : memref<4x32x256xf32, #tpu.memory_space<vmem>>, vector<1x1x16xf32>,
        %swap3A_730 = vector.shape_cast %swap3A_729 : vector<1x1x16xf32> to vector<16xf32>
        %swap3A_731 = vector.shape_cast %add3A_724 : vector<16xf32> to vector<1x1x16xf32>
        tpu.vector_store %arg7[%swap3A_726, %swap3A_727, %swap3A_728], %swap3A_731 {strides = array<i32>} : memref<4x32x256xf32, #tpu.memory_space<vmem>>, vector<1x1x16xf32>,
        %get3A_732 = arith.constant 0 : i32
        %get3A_733 = arith.index_cast %get3A_732 : i32 to index
        %get3A_734 = arith.index_cast %scan3A_605 : i32 to index
        %get3A_735 = arith.constant 144 : index
        %get3A_736 = tpu.vector_load %arg6[%get3A_733, %get3A_734, %get3A_735] {strides = array<i32>} : memref<4x32x256xf32, #tpu.memory_space<vmem>>, vector<1x1x16xf32>,
        %get3A_737 = vector.shape_cast %get3A_736 : vector<1x1x16xf32> to vector<16xf32>
        %add3A_738 = arith.addf %get3A_737, %get3A_31 : vector<16xf32>
        %swap3A_739 = arith.constant 0 : i32
        %swap3A_740 = arith.index_cast %swap3A_739 : i32 to index
        %swap3A_741 = arith.index_cast %scan3A_605 : i32 to index
        %swap3A_742 = arith.constant 144 : index
        %swap3A_743 = tpu.vector_load %arg7[%swap3A_740, %swap3A_741, %swap3A_742] {strides = array<i32>} : memref<4x32x256xf32, #tpu.memory_space<vmem>>, vector<1x1x16xf32>,
        %swap3A_744 = vector.shape_cast %swap3A_743 : vector<1x1x16xf32> to vector<16xf32>
        %swap3A_745 = vector.shape_cast %add3A_738 : vector<16xf32> to vector<1x1x16xf32>
        tpu.vector_store %arg7[%swap3A_740, %swap3A_741, %swap3A_742], %swap3A_745 {strides = array<i32>} : memref<4x32x256xf32, #tpu.memory_space<vmem>>, vector<1x1x16xf32>,
        %get3A_746 = arith.constant 0 : i32
        %get3A_747 = arith.index_cast %get3A_746 : i32 to index
        %get3A_748 = arith.index_cast %scan3A_605 : i32 to index
        %get3A_749 = arith.constant 160 : index
        %get3A_750 = tpu.vector_load %arg6[%get3A_747, %get3A_748, %get3A_749] {strides = array<i32>} : memref<4x32x256xf32, #tpu.memory_space<vmem>>, vector<1x1x16xf32>,
        %get3A_751 = vector.shape_cast %get3A_750 : vector<1x1x16xf32> to vector<16xf32>
        %add3A_752 = arith.addf %get3A_751, %get3A_34 : vector<16xf32>
        %swap3A_753 = arith.constant 0 : i32
        %swap3A_754 = arith.index_cast %swap3A_753 : i32 to index
        %swap3A_755 = arith.index_cast %scan3A_605 : i32 to index
        %swap3A_756 = arith.constant 160 : index
        %swap3A_757 = tpu.vector_load %arg7[%swap3A_754, %swap3A_755, %swap3A_756] {strides = array<i32>} : memref<4x32x256xf32, #tpu.memory_space<vmem>>, vector<1x1x16xf32>,
        %swap3A_758 = vector.shape_cast %swap3A_757 : vector<1x1x16xf32> to vector<16xf32>
        %swap3A_759 = vector.shape_cast %add3A_752 : vector<16xf32> to vector<1x1x16xf32>
        tpu.vector_store %arg7[%swap3A_754, %swap3A_755, %swap3A_756], %swap3A_759 {strides = array<i32>} : memref<4x32x256xf32, #tpu.memory_space<vmem>>, vector<1x1x16xf32>,
        %get3A_760 = arith.constant 0 : i32
        %get3A_761 = arith.index_cast %get3A_760 : i32 to index
        %get3A_762 = arith.index_cast %scan3A_605 : i32 to index
        %get3A_763 = arith.constant 176 : index
        %get3A_764 = tpu.vector_load %arg6[%get3A_761, %get3A_762, %get3A_763] {strides = array<i32>} : memref<4x32x256xf32, #tpu.memory_space<vmem>>, vector<1x1x16xf32>,
        %get3A_765 = vector.shape_cast %get3A_764 : vector<1x1x16xf32> to vector<16xf32>
        %add3A_766 = arith.addf %get3A_765, %get3A_37 : vector<16xf32>
        %swap3A_767 = arith.constant 0 : i32
        %swap3A_768 = arith.index_cast %swap3A_767 : i32 to index
        %swap3A_769 = arith.index_cast %scan3A_605 : i32 to index
        %swap3A_770 = arith.constant 176 : index
        %swap3A_771 = tpu.vector_load %arg7[%swap3A_768, %swap3A_769, %swap3A_770] {strides = array<i32>} : memref<4x32x256xf32, #tpu.memory_space<vmem>>, vector<1x1x16xf32>,
        %swap3A_772 = vector.shape_cast %swap3A_771 : vector<1x1x16xf32> to vector<16xf32>
        %swap3A_773 = vector.shape_cast %add3A_766 : vector<16xf32> to vector<1x1x16xf32>
        tpu.vector_store %arg7[%swap3A_768, %swap3A_769, %swap3A_770], %swap3A_773 {strides = array<i32>} : memref<4x32x256xf32, #tpu.memory_space<vmem>>, vector<1x1x16xf32>,
        %get3A_774 = arith.constant 0 : i32
        %get3A_775 = arith.index_cast %get3A_774 : i32 to index
        %get3A_776 = arith.index_cast %scan3A_605 : i32 to index
        %get3A_777 = arith.constant 192 : index
        %get3A_778 = tpu.vector_load %arg6[%get3A_775, %get3A_776, %get3A_777] {strides = array<i32>} : memref<4x32x256xf32, #tpu.memory_space<vmem>>, vector<1x1x16xf32>,
        %get3A_779 = vector.shape_cast %get3A_778 : vector<1x1x16xf32> to vector<16xf32>
        %add3A_780 = arith.addf %get3A_779, %get3A_40 : vector<16xf32>
        %swap3A_781 = arith.constant 0 : i32
        %swap3A_782 = arith.index_cast %swap3A_781 : i32 to index
        %swap3A_783 = arith.index_cast %scan3A_605 : i32 to index
        %swap3A_784 = arith.constant 192 : index
        %swap3A_785 = tpu.vector_load %arg7[%swap3A_782, %swap3A_783, %swap3A_784] {strides = array<i32>} : memref<4x32x256xf32, #tpu.memory_space<vmem>>, vector<1x1x16xf32>,
        %swap3A_786 = vector.shape_cast %swap3A_785 : vector<1x1x16xf32> to vector<16xf32>
        %swap3A_787 = vector.shape_cast %add3A_780 : vector<16xf32> to vector<1x1x16xf32>
        tpu.vector_store %arg7[%swap3A_782, %swap3A_783, %swap3A_784], %swap3A_787 {strides = array<i32>} : memref<4x32x256xf32, #tpu.memory_space<vmem>>, vector<1x1x16xf32>,
        %get3A_788 = arith.constant 0 : i32
        %get3A_789 = arith.index_cast %get3A_788 : i32 to index
        %get3A_790 = arith.index_cast %scan3A_605 : i32 to index
        %get3A_791 = arith.constant 208 : index
        %get3A_792 = tpu.vector_load %arg6[%get3A_789, %get3A_790, %get3A_791] {strides = array<i32>} : memref<4x32x256xf32, #tpu.memory_space<vmem>>, vector<1x1x16xf32>,
        %get3A_793 = vector.shape_cast %get3A_792 : vector<1x1x16xf32> to vector<16xf32>
        %add3A_794 = arith.addf %get3A_793, %get3A_43 : vector<16xf32>
        %swap3A_795 = arith.constant 0 : i32
        %swap3A_796 = arith.index_cast %swap3A_795 : i32 to index
        %swap3A_797 = arith.index_cast %scan3A_605 : i32 to index
        %swap3A_798 = arith.constant 208 : index
        %swap3A_799 = tpu.vector_load %arg7[%swap3A_796, %swap3A_797, %swap3A_798] {strides = array<i32>} : memref<4x32x256xf32, #tpu.memory_space<vmem>>, vector<1x1x16xf32>,
        %swap3A_800 = vector.shape_cast %swap3A_799 : vector<1x1x16xf32> to vector<16xf32>
        %swap3A_801 = vector.shape_cast %add3A_794 : vector<16xf32> to vector<1x1x16xf32>
        tpu.vector_store %arg7[%swap3A_796, %swap3A_797, %swap3A_798], %swap3A_801 {strides = array<i32>} : memref<4x32x256xf32, #tpu.memory_space<vmem>>, vector<1x1x16xf32>,
        %get3A_802 = arith.constant 0 : i32
        %get3A_803 = arith.index_cast %get3A_802 : i32 to index
        %get3A_804 = arith.index_cast %scan3A_605 : i32 to index
        %get3A_805 = arith.constant 224 : index
        %get3A_806 = tpu.vector_load %arg6[%get3A_803, %get3A_804, %get3A_805] {strides = array<i32>} : memref<4x32x256xf32, #tpu.memory_space<vmem>>, vector<1x1x16xf32>,
        %get3A_807 = vector.shape_cast %get3A_806 : vector<1x1x16xf32> to vector<16xf32>
        %add3A_808 = arith.addf %get3A_807, %get3A_46 : vector<16xf32>
        %swap3A_809 = arith.constant 0 : i32
        %swap3A_810 = arith.index_cast %swap3A_809 : i32 to index
        %swap3A_811 = arith.index_cast %scan3A_605 : i32 to index
        %swap3A_812 = arith.constant 224 : index
        %swap3A_813 = tpu.vector_load %arg7[%swap3A_810, %swap3A_811, %swap3A_812] {strides = array<i32>} : memref<4x32x256xf32, #tpu.memory_space<vmem>>, vector<1x1x16xf32>,
        %swap3A_814 = vector.shape_cast %swap3A_813 : vector<1x1x16xf32> to vector<16xf32>
        %swap3A_815 = vector.shape_cast %add3A_808 : vector<16xf32> to vector<1x1x16xf32>
        tpu.vector_store %arg7[%swap3A_810, %swap3A_811, %swap3A_812], %swap3A_815 {strides = array<i32>} : memref<4x32x256xf32, #tpu.memory_space<vmem>>, vector<1x1x16xf32>,
        %get3A_816 = arith.constant 0 : i32
        %get3A_817 = arith.index_cast %get3A_816 : i32 to index
        %get3A_818 = arith.index_cast %scan3A_605 : i32 to index
        %get3A_819 = arith.constant 240 : index
        %get3A_820 = tpu.vector_load %arg6[%get3A_817, %get3A_818, %get3A_819] {strides = array<i32>} : memref<4x32x256xf32, #tpu.memory_space<vmem>>, vector<1x1x16xf32>,
        %get3A_821 = vector.shape_cast %get3A_820 : vector<1x1x16xf32> to vector<16xf32>
        %add3A_822 = arith.addf %get3A_821, %get3A_49 : vector<16xf32>
        %swap3A_823 = arith.constant 0 : i32
        %swap3A_824 = arith.index_cast %swap3A_823 : i32 to index
        %swap3A_825 = arith.index_cast %scan3A_605 : i32 to index
        %swap3A_826 = arith.constant 240 : index
        %swap3A_827 = tpu.vector_load %arg7[%swap3A_824, %swap3A_825, %swap3A_826] {strides = array<i32>} : memref<4x32x256xf32, #tpu.memory_space<vmem>>, vector<1x1x16xf32>,
        %swap3A_828 = vector.shape_cast %swap3A_827 : vector<1x1x16xf32> to vector<16xf32>
        %swap3A_829 = vector.shape_cast %add3A_822 : vector<16xf32> to vector<1x1x16xf32>
        tpu.vector_store %arg7[%swap3A_824, %swap3A_825, %swap3A_826], %swap3A_829 {strides = array<i32>} : memref<4x32x256xf32, #tpu.memory_space<vmem>>, vector<1x1x16xf32>,
      }
      %scan3A_201 = arith.constant 32 : i32
      %mul3A_202 = arith.constant 32 : i32
      %mul3A_203 = arith.muli %add3A_177, %mul3A_202 : i32
      %add3A_204 = arith.addi %mul3A_2, %mul3A_203 : i32
      %dma_start3A_205 = arith.constant 0 : i32
      %dma_start3A_206 = arith.constant 0 : i32
      %dma_start3A_207 = arith.constant 0 : i32
      %dma_start3A_208 = tpu.memref_slice %arg7[%dma_start3A_205, %dma_start3A_206, %dma_start3A_207] : memref<4x32x256xf32, #tpu.memory_space<vmem>> -> memref<1x32x256xf32, #tpu.memory_space<vmem>>
      %dma_start3A_209 = tpu.memref_squeeze %dma_start3A_208 : memref<1x32x256xf32, #tpu.memory_space<vmem>> -> memref<32x256xf32, #tpu.memory_space<vmem>>
      %dma_start3A_210 = arith.constant 0 : i32
      %dma_start3A_211 = tpu.memref_slice %arg4[%add3A_204, %dma_start3A_210] : memref<65536x256xf32, #tpu.memory_space<hbm>> -> memref<32x256xf32, #tpu.memory_space<hbm>>
      %dma_start3A_212 = arith.constant 0 : i32
      %dma_start3A_213 = tpu.memref_slice %arg4[%add3A_204, %dma_start3A_212] : memref<65536x256xf32, #tpu.memory_space<hbm>> -> memref<32x256xf32, #tpu.memory_space<hbm>>
      %dma_start3A_214 = arith.constant 0 : i32
      %dma_start3A_215 = arith.constant 0 : i32
      %dma_start3A_216 = tpu.memref_slice %arg7[%dma_start3A_205, %dma_start3A_214, %dma_start3A_215] : memref<4x32x256xf32, #tpu.memory_space<vmem>> -> memref<1x32x256xf32, #tpu.memory_space<vmem>>
      %dma_start3A_217 = tpu.memref_squeeze %dma_start3A_216 : memref<1x32x256xf32, #tpu.memory_space<vmem>> -> memref<32x256xf32, #tpu.memory_space<vmem>>
      tpu.enqueue_dma source(%dma_start3A_217 : memref<32x256xf32, #tpu.memory_space<vmem>>) target(%dma_start3A_213 : memref<32x256xf32, #tpu.memory_space<hbm>>) target_semaphore(%arg12 : memref<!tpu.dma_semaphore, #tpu.memory_space<semaphore_mem>>)
      %add3A_218 = arith.constant 4 : i32
      %add3A_219 = arith.addi %add3A_177, %add3A_218 : i32
      %lt3A = arith.constant 64 : i32
      %lt3A_220 = arith.cmpi slt, %add3A_219, %lt3A : i32
      %convert_element_type3A_221 = arith.extui %lt3A_220 : i1 to i32
      %cond3A_222 = arith.constant 0 : i32
      %cond3A_223 = arith.cmpi ne, %convert_element_type3A_221, %cond3A_222 : i32
      scf.if %cond3A_223 {
        %add3A_380 = arith.constant 4 : i32
        %add3A_381 = arith.addi %add3A_177, %add3A_380 : i32
        %mul3A_382 = arith.constant 32 : i32
        %mul3A_383 = arith.muli %add3A_381, %mul3A_382 : i32
        %add3A_384 = arith.addi %mul3A_2, %mul3A_383 : i32
        %dma_start3A_385 = arith.constant 0 : i32
        %dma_start3A_386 = arith.constant 0 : i32
        %dma_start3A_387 = arith.constant 0 : i32
        %dma_start3A_388 = tpu.memref_slice %arg6[%dma_start3A_385, %dma_start3A_386, %dma_start3A_387] : memref<4x32x256xf32, #tpu.memory_space<vmem>> -> memref<1x32x256xf32, #tpu.memory_space<vmem>>
        %dma_start3A_389 = tpu.memref_squeeze %dma_start3A_388 : memref<1x32x256xf32, #tpu.memory_space<vmem>> -> memref<32x256xf32, #tpu.memory_space<vmem>>
        %dma_start3A_390 = arith.constant 0 : i32
        %dma_start3A_391 = tpu.memref_slice %arg3[%add3A_384, %dma_start3A_390] : memref<65536x256xf32, #tpu.memory_space<hbm>> -> memref<32x256xf32, #tpu.memory_space<hbm>>
        %dma_start3A_392 = arith.constant 0 : i32
        %dma_start3A_393 = arith.constant 0 : i32
        %dma_start3A_394 = tpu.memref_slice %arg6[%dma_start3A_385, %dma_start3A_392, %dma_start3A_393] : memref<4x32x256xf32, #tpu.memory_space<vmem>> -> memref<1x32x256xf32, #tpu.memory_space<vmem>>
        %dma_start3A_395 = tpu.memref_squeeze %dma_start3A_394 : memref<1x32x256xf32, #tpu.memory_space<vmem>> -> memref<32x256xf32, #tpu.memory_space<vmem>>
        %dma_start3A_396 = arith.constant 0 : i32
        %dma_start3A_397 = tpu.memref_slice %arg3[%add3A_384, %dma_start3A_396] : memref<65536x256xf32, #tpu.memory_space<hbm>> -> memref<32x256xf32, #tpu.memory_space<hbm>>
        tpu.enqueue_dma source(%dma_start3A_397 : memref<32x256xf32, #tpu.memory_space<hbm>>) target(%dma_start3A_395 : memref<32x256xf32, #tpu.memory_space<vmem>>) target_semaphore(%arg8 : memref<!tpu.dma_semaphore, #tpu.memory_space<semaphore_mem>>)
      } else {
      }
      %add3A_224 = arith.constant 1 : i32
      %add3A_225 = arith.addi %mul3A_175, %add3A_224 : i32
      %mul3A_226 = arith.constant 32 : i32
      %mul3A_227 = arith.muli %add3A_225, %mul3A_226 : i32
      %add3A_228 = arith.addi %mul3A_2, %mul3A_227 : i32
      %dma_wait3A_229 = arith.constant 1 : i32
      %dma_wait3A_230 = arith.constant 0 : i32
      %dma_wait3A_231 = arith.constant 0 : i32
      %dma_wait3A_232 = tpu.memref_slice %arg6[%dma_wait3A_229, %dma_wait3A_230, %dma_wait3A_231] : memref<4x32x256xf32, #tpu.memory_space<vmem>> -> memref<1x32x256xf32, #tpu.memory_space<vmem>>
      %dma_wait3A_233 = tpu.memref_squeeze %dma_wait3A_232 : memref<1x32x256xf32, #tpu.memory_space<vmem>> -> memref<32x256xf32, #tpu.memory_space<vmem>>
      %dma_wait3A_234 = arith.constant 0 : i32
      %dma_wait3A_235 = tpu.memref_slice %arg3[%add3A_228, %dma_wait3A_234] : memref<65536x256xf32, #tpu.memory_space<hbm>> -> memref<32x256xf32, #tpu.memory_space<hbm>>
      %dma_wait3A_236 = arith.constant 0 : i32
      %dma_wait3A_237 = arith.constant 0 : i32
      %dma_wait3A_238 = tpu.memref_slice %arg6[%dma_wait3A_229, %dma_wait3A_236, %dma_wait3A_237] : memref<4x32x256xf32, #tpu.memory_space<vmem>> -> memref<1x32x256xf32, #tpu.memory_space<vmem>>
      %dma_wait3A_239 = tpu.memref_squeeze %dma_wait3A_238 : memref<1x32x256xf32, #tpu.memory_space<vmem>> -> memref<32x256xf32, #tpu.memory_space<vmem>>
      %dma_wait3A_240 = arith.constant 0 : i32
      %dma_wait3A_241 = tpu.memref_slice %arg3[%add3A_228, %dma_wait3A_240] : memref<65536x256xf32, #tpu.memory_space<hbm>> -> memref<32x256xf32, #tpu.memory_space<hbm>>
      tpu.wait_dma2 semaphore(%arg9 : memref<!tpu.dma_semaphore, #tpu.memory_space<semaphore_mem>>) src(%dma_wait3A_241 : memref<32x256xf32, #tpu.memory_space<hbm>>) dst(%dma_wait3A_239 : memref<32x256xf32, #tpu.memory_space<vmem>>)
      %ge3A_242 = arith.constant 4 : i32
      %ge3A_243 = arith.cmpi sge, %add3A_225, %ge3A_242 : i32
      %convert_element_type3A_244 = arith.extui %ge3A_243 : i1 to i32
      %cond3A_245 = arith.constant 0 : i32
      %cond3A_246 = arith.cmpi ne, %convert_element_type3A_244, %cond3A_245 : i32
      scf.if %cond3A_246 {
        %mul3A_380 = arith.constant 32 : i32
        %mul3A_381 = arith.muli %add3A_225, %mul3A_380 : i32
        %add3A_382 = arith.addi %mul3A_2, %mul3A_381 : i32
        %dma_wait3A_383 = arith.constant 1 : i32
        %dma_wait3A_384 = arith.constant 0 : i32
        %dma_wait3A_385 = arith.constant 0 : i32
        %dma_wait3A_386 = tpu.memref_slice %arg7[%dma_wait3A_383, %dma_wait3A_384, %dma_wait3A_385] : memref<4x32x256xf32, #tpu.memory_space<vmem>> -> memref<1x32x256xf32, #tpu.memory_space<vmem>>
        %dma_wait3A_387 = tpu.memref_squeeze %dma_wait3A_386 : memref<1x32x256xf32, #tpu.memory_space<vmem>> -> memref<32x256xf32, #tpu.memory_space<vmem>>
        %dma_wait3A_388 = arith.constant 0 : i32
        %dma_wait3A_389 = tpu.memref_slice %arg4[%add3A_382, %dma_wait3A_388] : memref<65536x256xf32, #tpu.memory_space<hbm>> -> memref<32x256xf32, #tpu.memory_space<hbm>>
        %dma_wait3A_390 = arith.constant 0 : i32
        %dma_wait3A_391 = tpu.memref_slice %arg4[%add3A_382, %dma_wait3A_390] : memref<65536x256xf32, #tpu.memory_space<hbm>> -> memref<32x256xf32, #tpu.memory_space<hbm>>
        %dma_wait3A_392 = arith.constant 0 : i32
        %dma_wait3A_393 = arith.constant 0 : i32
        %dma_wait3A_394 = tpu.memref_slice %arg7[%dma_wait3A_383, %dma_wait3A_392, %dma_wait3A_393] : memref<4x32x256xf32, #tpu.memory_space<vmem>> -> memref<1x32x256xf32, #tpu.memory_space<vmem>>
        %dma_wait3A_395 = tpu.memref_squeeze %dma_wait3A_394 : memref<1x32x256xf32, #tpu.memory_space<vmem>> -> memref<32x256xf32, #tpu.memory_space<vmem>>
        tpu.wait_dma2 semaphore(%arg13 : memref<!tpu.dma_semaphore, #tpu.memory_space<semaphore_mem>>) src(%dma_wait3A_395 : memref<32x256xf32, #tpu.memory_space<vmem>>) dst(%dma_wait3A_391 : memref<32x256xf32, #tpu.memory_space<hbm>>)
      } else {
      }
      %scan3A_247 = arith.constant 0 : i32
      %scan3A_248 = arith.constant 0 : i32
      %scan3A_249 = arith.constant 32 : i32
      %scan3A_250 = arith.addi %scan3A_248, %scan3A_249 : i32
      %scan3A_251 = arith.constant 2 : i32
      scf.for %scan3A_380 = %scan3A_248 to %scan3A_250 step %scan3A_251  : i32 {
        %get3A_381 = arith.constant 1 : i32
        %get3A_382 = arith.index_cast %get3A_381 : i32 to index
        %get3A_383 = arith.index_cast %scan3A_380 : i32 to index
        %get3A_384 = arith.constant 0 : index
        %get3A_385 = tpu.vector_load %arg6[%get3A_382, %get3A_383, %get3A_384] {strides = array<i32>} : memref<4x32x256xf32, #tpu.memory_space<vmem>>, vector<1x1x16xf32>,
        %get3A_386 = vector.shape_cast %get3A_385 : vector<1x1x16xf32> to vector<16xf32>
        %add3A_387 = arith.addf %get3A_386, %get3A_4 : vector<16xf32>
        %swap3A = arith.constant 1 : i32
        %swap3A_388 = arith.index_cast %swap3A : i32 to index
        %swap3A_389 = arith.index_cast %scan3A_380 : i32 to index
        %swap3A_390 = arith.constant 0 : index
        %swap3A_391 = tpu.vector_load %arg7[%swap3A_388, %swap3A_389, %swap3A_390] {strides = array<i32>} : memref<4x32x256xf32, #tpu.memory_space<vmem>>, vector<1x1x16xf32>,
        %swap3A_392 = vector.shape_cast %swap3A_391 : vector<1x1x16xf32> to vector<16xf32>
        %swap3A_393 = vector.shape_cast %add3A_387 : vector<16xf32> to vector<1x1x16xf32>
        tpu.vector_store %arg7[%swap3A_388, %swap3A_389, %swap3A_390], %swap3A_393 {strides = array<i32>} : memref<4x32x256xf32, #tpu.memory_space<vmem>>, vector<1x1x16xf32>,
        %get3A_394 = arith.constant 1 : i32
        %get3A_395 = arith.index_cast %get3A_394 : i32 to index
        %get3A_396 = arith.index_cast %scan3A_380 : i32 to index
        %get3A_397 = arith.constant 16 : index
        %get3A_398 = tpu.vector_load %arg6[%get3A_395, %get3A_396, %get3A_397] {strides = array<i32>} : memref<4x32x256xf32, #tpu.memory_space<vmem>>, vector<1x1x16xf32>,
        %get3A_399 = vector.shape_cast %get3A_398 : vector<1x1x16xf32> to vector<16xf32>
        %add3A_400 = arith.addf %get3A_399, %get3A_7 : vector<16xf32>
        %swap3A_401 = arith.constant 1 : i32
        %swap3A_402 = arith.index_cast %swap3A_401 : i32 to index
        %swap3A_403 = arith.index_cast %scan3A_380 : i32 to index
        %swap3A_404 = arith.constant 16 : index
        %swap3A_405 = tpu.vector_load %arg7[%swap3A_402, %swap3A_403, %swap3A_404] {strides = array<i32>} : memref<4x32x256xf32, #tpu.memory_space<vmem>>, vector<1x1x16xf32>,
        %swap3A_406 = vector.shape_cast %swap3A_405 : vector<1x1x16xf32> to vector<16xf32>
        %swap3A_407 = vector.shape_cast %add3A_400 : vector<16xf32> to vector<1x1x16xf32>
        tpu.vector_store %arg7[%swap3A_402, %swap3A_403, %swap3A_404], %swap3A_407 {strides = array<i32>} : memref<4x32x256xf32, #tpu.memory_space<vmem>>, vector<1x1x16xf32>,
        %get3A_408 = arith.constant 1 : i32
        %get3A_409 = arith.index_cast %get3A_408 : i32 to index
        %get3A_410 = arith.index_cast %scan3A_380 : i32 to index
        %get3A_411 = arith.constant 32 : index
        %get3A_412 = tpu.vector_load %arg6[%get3A_409, %get3A_410, %get3A_411] {strides = array<i32>} : memref<4x32x256xf32, #tpu.memory_space<vmem>>, vector<1x1x16xf32>,
        %get3A_413 = vector.shape_cast %get3A_412 : vector<1x1x16xf32> to vector<16xf32>
        %add3A_414 = arith.addf %get3A_413, %get3A_10 : vector<16xf32>
        %swap3A_415 = arith.constant 1 : i32
        %swap3A_416 = arith.index_cast %swap3A_415 : i32 to index
        %swap3A_417 = arith.index_cast %scan3A_380 : i32 to index
        %swap3A_418 = arith.constant 32 : index
        %swap3A_419 = tpu.vector_load %arg7[%swap3A_416, %swap3A_417, %swap3A_418] {strides = array<i32>} : memref<4x32x256xf32, #tpu.memory_space<vmem>>, vector<1x1x16xf32>,
        %swap3A_420 = vector.shape_cast %swap3A_419 : vector<1x1x16xf32> to vector<16xf32>
        %swap3A_421 = vector.shape_cast %add3A_414 : vector<16xf32> to vector<1x1x16xf32>
        tpu.vector_store %arg7[%swap3A_416, %swap3A_417, %swap3A_418], %swap3A_421 {strides = array<i32>} : memref<4x32x256xf32, #tpu.memory_space<vmem>>, vector<1x1x16xf32>,
        %get3A_422 = arith.constant 1 : i32
        %get3A_423 = arith.index_cast %get3A_422 : i32 to index
        %get3A_424 = arith.index_cast %scan3A_380 : i32 to index
        %get3A_425 = arith.constant 48 : index
        %get3A_426 = tpu.vector_load %arg6[%get3A_423, %get3A_424, %get3A_425] {strides = array<i32>} : memref<4x32x256xf32, #tpu.memory_space<vmem>>, vector<1x1x16xf32>,
        %get3A_427 = vector.shape_cast %get3A_426 : vector<1x1x16xf32> to vector<16xf32>
        %add3A_428 = arith.addf %get3A_427, %get3A_13 : vector<16xf32>
        %swap3A_429 = arith.constant 1 : i32
        %swap3A_430 = arith.index_cast %swap3A_429 : i32 to index
        %swap3A_431 = arith.index_cast %scan3A_380 : i32 to index
        %swap3A_432 = arith.constant 48 : index
        %swap3A_433 = tpu.vector_load %arg7[%swap3A_430, %swap3A_431, %swap3A_432] {strides = array<i32>} : memref<4x32x256xf32, #tpu.memory_space<vmem>>, vector<1x1x16xf32>,
        %swap3A_434 = vector.shape_cast %swap3A_433 : vector<1x1x16xf32> to vector<16xf32>
        %swap3A_435 = vector.shape_cast %add3A_428 : vector<16xf32> to vector<1x1x16xf32>
        tpu.vector_store %arg7[%swap3A_430, %swap3A_431, %swap3A_432], %swap3A_435 {strides = array<i32>} : memref<4x32x256xf32, #tpu.memory_space<vmem>>, vector<1x1x16xf32>,
        %get3A_436 = arith.constant 1 : i32
        %get3A_437 = arith.index_cast %get3A_436 : i32 to index
        %get3A_438 = arith.index_cast %scan3A_380 : i32 to index
        %get3A_439 = arith.constant 64 : index
        %get3A_440 = tpu.vector_load %arg6[%get3A_437, %get3A_438, %get3A_439] {strides = array<i32>} : memref<4x32x256xf32, #tpu.memory_space<vmem>>, vector<1x1x16xf32>,
        %get3A_441 = vector.shape_cast %get3A_440 : vector<1x1x16xf32> to vector<16xf32>
        %add3A_442 = arith.addf %get3A_441, %get3A_16 : vector<16xf32>
        %swap3A_443 = arith.constant 1 : i32
        %swap3A_444 = arith.index_cast %swap3A_443 : i32 to index
        %swap3A_445 = arith.index_cast %scan3A_380 : i32 to index
        %swap3A_446 = arith.constant 64 : index
        %swap3A_447 = tpu.vector_load %arg7[%swap3A_444, %swap3A_445, %swap3A_446] {strides = array<i32>} : memref<4x32x256xf32, #tpu.memory_space<vmem>>, vector<1x1x16xf32>,
        %swap3A_448 = vector.shape_cast %swap3A_447 : vector<1x1x16xf32> to vector<16xf32>
        %swap3A_449 = vector.shape_cast %add3A_442 : vector<16xf32> to vector<1x1x16xf32>
        tpu.vector_store %arg7[%swap3A_444, %swap3A_445, %swap3A_446], %swap3A_449 {strides = array<i32>} : memref<4x32x256xf32, #tpu.memory_space<vmem>>, vector<1x1x16xf32>,
        %get3A_450 = arith.constant 1 : i32
        %get3A_451 = arith.index_cast %get3A_450 : i32 to index
        %get3A_452 = arith.index_cast %scan3A_380 : i32 to index
        %get3A_453 = arith.constant 80 : index
        %get3A_454 = tpu.vector_load %arg6[%get3A_451, %get3A_452, %get3A_453] {strides = array<i32>} : memref<4x32x256xf32, #tpu.memory_space<vmem>>, vector<1x1x16xf32>,
        %get3A_455 = vector.shape_cast %get3A_454 : vector<1x1x16xf32> to vector<16xf32>
        %add3A_456 = arith.addf %get3A_455, %get3A_19 : vector<16xf32>
        %swap3A_457 = arith.constant 1 : i32
        %swap3A_458 = arith.index_cast %swap3A_457 : i32 to index
        %swap3A_459 = arith.index_cast %scan3A_380 : i32 to index
        %swap3A_460 = arith.constant 80 : index
        %swap3A_461 = tpu.vector_load %arg7[%swap3A_458, %swap3A_459, %swap3A_460] {strides = array<i32>} : memref<4x32x256xf32, #tpu.memory_space<vmem>>, vector<1x1x16xf32>,
        %swap3A_462 = vector.shape_cast %swap3A_461 : vector<1x1x16xf32> to vector<16xf32>
        %swap3A_463 = vector.shape_cast %add3A_456 : vector<16xf32> to vector<1x1x16xf32>
        tpu.vector_store %arg7[%swap3A_458, %swap3A_459, %swap3A_460], %swap3A_463 {strides = array<i32>} : memref<4x32x256xf32, #tpu.memory_space<vmem>>, vector<1x1x16xf32>,
        %get3A_464 = arith.constant 1 : i32
        %get3A_465 = arith.index_cast %get3A_464 : i32 to index
        %get3A_466 = arith.index_cast %scan3A_380 : i32 to index
        %get3A_467 = arith.constant 96 : index
        %get3A_468 = tpu.vector_load %arg6[%get3A_465, %get3A_466, %get3A_467] {strides = array<i32>} : memref<4x32x256xf32, #tpu.memory_space<vmem>>, vector<1x1x16xf32>,
        %get3A_469 = vector.shape_cast %get3A_468 : vector<1x1x16xf32> to vector<16xf32>
        %add3A_470 = arith.addf %get3A_469, %get3A_22 : vector<16xf32>
        %swap3A_471 = arith.constant 1 : i32
        %swap3A_472 = arith.index_cast %swap3A_471 : i32 to index
        %swap3A_473 = arith.index_cast %scan3A_380 : i32 to index
        %swap3A_474 = arith.constant 96 : index
        %swap3A_475 = tpu.vector_load %arg7[%swap3A_472, %swap3A_473, %swap3A_474] {strides = array<i32>} : memref<4x32x256xf32, #tpu.memory_space<vmem>>, vector<1x1x16xf32>,
        %swap3A_476 = vector.shape_cast %swap3A_475 : vector<1x1x16xf32> to vector<16xf32>
        %swap3A_477 = vector.shape_cast %add3A_470 : vector<16xf32> to vector<1x1x16xf32>
        tpu.vector_store %arg7[%swap3A_472, %swap3A_473, %swap3A_474], %swap3A_477 {strides = array<i32>} : memref<4x32x256xf32, #tpu.memory_space<vmem>>, vector<1x1x16xf32>,
        %get3A_478 = arith.constant 1 : i32
        %get3A_479 = arith.index_cast %get3A_478 : i32 to index
        %get3A_480 = arith.index_cast %scan3A_380 : i32 to index
        %get3A_481 = arith.constant 112 : index
        %get3A_482 = tpu.vector_load %arg6[%get3A_479, %get3A_480, %get3A_481] {strides = array<i32>} : memref<4x32x256xf32, #tpu.memory_space<vmem>>, vector<1x1x16xf32>,
        %get3A_483 = vector.shape_cast %get3A_482 : vector<1x1x16xf32> to vector<16xf32>
        %add3A_484 = arith.addf %get3A_483, %get3A_25 : vector<16xf32>
        %swap3A_485 = arith.constant 1 : i32
        %swap3A_486 = arith.index_cast %swap3A_485 : i32 to index
        %swap3A_487 = arith.index_cast %scan3A_380 : i32 to index
        %swap3A_488 = arith.constant 112 : index
        %swap3A_489 = tpu.vector_load %arg7[%swap3A_486, %swap3A_487, %swap3A_488] {strides = array<i32>} : memref<4x32x256xf32, #tpu.memory_space<vmem>>, vector<1x1x16xf32>,
        %swap3A_490 = vector.shape_cast %swap3A_489 : vector<1x1x16xf32> to vector<16xf32>
        %swap3A_491 = vector.shape_cast %add3A_484 : vector<16xf32> to vector<1x1x16xf32>
        tpu.vector_store %arg7[%swap3A_486, %swap3A_487, %swap3A_488], %swap3A_491 {strides = array<i32>} : memref<4x32x256xf32, #tpu.memory_space<vmem>>, vector<1x1x16xf32>,
        %get3A_492 = arith.constant 1 : i32
        %get3A_493 = arith.index_cast %get3A_492 : i32 to index
        %get3A_494 = arith.index_cast %scan3A_380 : i32 to index
        %get3A_495 = arith.constant 128 : index
        %get3A_496 = tpu.vector_load %arg6[%get3A_493, %get3A_494, %get3A_495] {strides = array<i32>} : memref<4x32x256xf32, #tpu.memory_space<vmem>>, vector<1x1x16xf32>,
        %get3A_497 = vector.shape_cast %get3A_496 : vector<1x1x16xf32> to vector<16xf32>
        %add3A_498 = arith.addf %get3A_497, %get3A_28 : vector<16xf32>
        %swap3A_499 = arith.constant 1 : i32
        %swap3A_500 = arith.index_cast %swap3A_499 : i32 to index
        %swap3A_501 = arith.index_cast %scan3A_380 : i32 to index
        %swap3A_502 = arith.constant 128 : index
        %swap3A_503 = tpu.vector_load %arg7[%swap3A_500, %swap3A_501, %swap3A_502] {strides = array<i32>} : memref<4x32x256xf32, #tpu.memory_space<vmem>>, vector<1x1x16xf32>,
        %swap3A_504 = vector.shape_cast %swap3A_503 : vector<1x1x16xf32> to vector<16xf32>
        %swap3A_505 = vector.shape_cast %add3A_498 : vector<16xf32> to vector<1x1x16xf32>
        tpu.vector_store %arg7[%swap3A_500, %swap3A_501, %swap3A_502], %swap3A_505 {strides = array<i32>} : memref<4x32x256xf32, #tpu.memory_space<vmem>>, vector<1x1x16xf32>,
        %get3A_506 = arith.constant 1 : i32
        %get3A_507 = arith.index_cast %get3A_506 : i32 to index
        %get3A_508 = arith.index_cast %scan3A_380 : i32 to index
        %get3A_509 = arith.constant 144 : index
        %get3A_510 = tpu.vector_load %arg6[%get3A_507, %get3A_508, %get3A_509] {strides = array<i32>} : memref<4x32x256xf32, #tpu.memory_space<vmem>>, vector<1x1x16xf32>,
        %get3A_511 = vector.shape_cast %get3A_510 : vector<1x1x16xf32> to vector<16xf32>
        %add3A_512 = arith.addf %get3A_511, %get3A_31 : vector<16xf32>
        %swap3A_513 = arith.constant 1 : i32
        %swap3A_514 = arith.index_cast %swap3A_513 : i32 to index
        %swap3A_515 = arith.index_cast %scan3A_380 : i32 to index
        %swap3A_516 = arith.constant 144 : index
        %swap3A_517 = tpu.vector_load %arg7[%swap3A_514, %swap3A_515, %swap3A_516] {strides = array<i32>} : memref<4x32x256xf32, #tpu.memory_space<vmem>>, vector<1x1x16xf32>,
        %swap3A_518 = vector.shape_cast %swap3A_517 : vector<1x1x16xf32> to vector<16xf32>
        %swap3A_519 = vector.shape_cast %add3A_512 : vector<16xf32> to vector<1x1x16xf32>
        tpu.vector_store %arg7[%swap3A_514, %swap3A_515, %swap3A_516], %swap3A_519 {strides = array<i32>} : memref<4x32x256xf32, #tpu.memory_space<vmem>>, vector<1x1x16xf32>,
        %get3A_520 = arith.constant 1 : i32
        %get3A_521 = arith.index_cast %get3A_520 : i32 to index
        %get3A_522 = arith.index_cast %scan3A_380 : i32 to index
        %get3A_523 = arith.constant 160 : index
        %get3A_524 = tpu.vector_load %arg6[%get3A_521, %get3A_522, %get3A_523] {strides = array<i32>} : memref<4x32x256xf32, #tpu.memory_space<vmem>>, vector<1x1x16xf32>,
        %get3A_525 = vector.shape_cast %get3A_524 : vector<1x1x16xf32> to vector<16xf32>
        %add3A_526 = arith.addf %get3A_525, %get3A_34 : vector<16xf32>
        %swap3A_527 = arith.constant 1 : i32
        %swap3A_528 = arith.index_cast %swap3A_527 : i32 to index
        %swap3A_529 = arith.index_cast %scan3A_380 : i32 to index
        %swap3A_530 = arith.constant 160 : index
        %swap3A_531 = tpu.vector_load %arg7[%swap3A_528, %swap3A_529, %swap3A_530] {strides = array<i32>} : memref<4x32x256xf32, #tpu.memory_space<vmem>>, vector<1x1x16xf32>,
        %swap3A_532 = vector.shape_cast %swap3A_531 : vector<1x1x16xf32> to vector<16xf32>
        %swap3A_533 = vector.shape_cast %add3A_526 : vector<16xf32> to vector<1x1x16xf32>
        tpu.vector_store %arg7[%swap3A_528, %swap3A_529, %swap3A_530], %swap3A_533 {strides = array<i32>} : memref<4x32x256xf32, #tpu.memory_space<vmem>>, vector<1x1x16xf32>,
        %get3A_534 = arith.constant 1 : i32
        %get3A_535 = arith.index_cast %get3A_534 : i32 to index
        %get3A_536 = arith.index_cast %scan3A_380 : i32 to index
        %get3A_537 = arith.constant 176 : index
        %get3A_538 = tpu.vector_load %arg6[%get3A_535, %get3A_536, %get3A_537] {strides = array<i32>} : memref<4x32x256xf32, #tpu.memory_space<vmem>>, vector<1x1x16xf32>,
        %get3A_539 = vector.shape_cast %get3A_538 : vector<1x1x16xf32> to vector<16xf32>
        %add3A_540 = arith.addf %get3A_539, %get3A_37 : vector<16xf32>
        %swap3A_541 = arith.constant 1 : i32
        %swap3A_542 = arith.index_cast %swap3A_541 : i32 to index
        %swap3A_543 = arith.index_cast %scan3A_380 : i32 to index
        %swap3A_544 = arith.constant 176 : index
        %swap3A_545 = tpu.vector_load %arg7[%swap3A_542, %swap3A_543, %swap3A_544] {strides = array<i32>} : memref<4x32x256xf32, #tpu.memory_space<vmem>>, vector<1x1x16xf32>,
        %swap3A_546 = vector.shape_cast %swap3A_545 : vector<1x1x16xf32> to vector<16xf32>
        %swap3A_547 = vector.shape_cast %add3A_540 : vector<16xf32> to vector<1x1x16xf32>
        tpu.vector_store %arg7[%swap3A_542, %swap3A_543, %swap3A_544], %swap3A_547 {strides = array<i32>} : memref<4x32x256xf32, #tpu.memory_space<vmem>>, vector<1x1x16xf32>,
        %get3A_548 = arith.constant 1 : i32
        %get3A_549 = arith.index_cast %get3A_548 : i32 to index
        %get3A_550 = arith.index_cast %scan3A_380 : i32 to index
        %get3A_551 = arith.constant 192 : index
        %get3A_552 = tpu.vector_load %arg6[%get3A_549, %get3A_550, %get3A_551] {strides = array<i32>} : memref<4x32x256xf32, #tpu.memory_space<vmem>>, vector<1x1x16xf32>,
        %get3A_553 = vector.shape_cast %get3A_552 : vector<1x1x16xf32> to vector<16xf32>
        %add3A_554 = arith.addf %get3A_553, %get3A_40 : vector<16xf32>
        %swap3A_555 = arith.constant 1 : i32
        %swap3A_556 = arith.index_cast %swap3A_555 : i32 to index
        %swap3A_557 = arith.index_cast %scan3A_380 : i32 to index
        %swap3A_558 = arith.constant 192 : index
        %swap3A_559 = tpu.vector_load %arg7[%swap3A_556, %swap3A_557, %swap3A_558] {strides = array<i32>} : memref<4x32x256xf32, #tpu.memory_space<vmem>>, vector<1x1x16xf32>,
        %swap3A_560 = vector.shape_cast %swap3A_559 : vector<1x1x16xf32> to vector<16xf32>
        %swap3A_561 = vector.shape_cast %add3A_554 : vector<16xf32> to vector<1x1x16xf32>
        tpu.vector_store %arg7[%swap3A_556, %swap3A_557, %swap3A_558], %swap3A_561 {strides = array<i32>} : memref<4x32x256xf32, #tpu.memory_space<vmem>>, vector<1x1x16xf32>,
        %get3A_562 = arith.constant 1 : i32
        %get3A_563 = arith.index_cast %get3A_562 : i32 to index
        %get3A_564 = arith.index_cast %scan3A_380 : i32 to index
        %get3A_565 = arith.constant 208 : index
        %get3A_566 = tpu.vector_load %arg6[%get3A_563, %get3A_564, %get3A_565] {strides = array<i32>} : memref<4x32x256xf32, #tpu.memory_space<vmem>>, vector<1x1x16xf32>,
        %get3A_567 = vector.shape_cast %get3A_566 : vector<1x1x16xf32> to vector<16xf32>
        %add3A_568 = arith.addf %get3A_567, %get3A_43 : vector<16xf32>
        %swap3A_569 = arith.constant 1 : i32
        %swap3A_570 = arith.index_cast %swap3A_569 : i32 to index
        %swap3A_571 = arith.index_cast %scan3A_380 : i32 to index
        %swap3A_572 = arith.constant 208 : index
        %swap3A_573 = tpu.vector_load %arg7[%swap3A_570, %swap3A_571, %swap3A_572] {strides = array<i32>} : memref<4x32x256xf32, #tpu.memory_space<vmem>>, vector<1x1x16xf32>,
        %swap3A_574 = vector.shape_cast %swap3A_573 : vector<1x1x16xf32> to vector<16xf32>
        %swap3A_575 = vector.shape_cast %add3A_568 : vector<16xf32> to vector<1x1x16xf32>
        tpu.vector_store %arg7[%swap3A_570, %swap3A_571, %swap3A_572], %swap3A_575 {strides = array<i32>} : memref<4x32x256xf32, #tpu.memory_space<vmem>>, vector<1x1x16xf32>,
        %get3A_576 = arith.constant 1 : i32
        %get3A_577 = arith.index_cast %get3A_576 : i32 to index
        %get3A_578 = arith.index_cast %scan3A_380 : i32 to index
        %get3A_579 = arith.constant 224 : index
        %get3A_580 = tpu.vector_load %arg6[%get3A_577, %get3A_578, %get3A_579] {strides = array<i32>} : memref<4x32x256xf32, #tpu.memory_space<vmem>>, vector<1x1x16xf32>,
        %get3A_581 = vector.shape_cast %get3A_580 : vector<1x1x16xf32> to vector<16xf32>
        %add3A_582 = arith.addf %get3A_581, %get3A_46 : vector<16xf32>
        %swap3A_583 = arith.constant 1 : i32
        %swap3A_584 = arith.index_cast %swap3A_583 : i32 to index
        %swap3A_585 = arith.index_cast %scan3A_380 : i32 to index
        %swap3A_586 = arith.constant 224 : index
        %swap3A_587 = tpu.vector_load %arg7[%swap3A_584, %swap3A_585, %swap3A_586] {strides = array<i32>} : memref<4x32x256xf32, #tpu.memory_space<vmem>>, vector<1x1x16xf32>,
        %swap3A_588 = vector.shape_cast %swap3A_587 : vector<1x1x16xf32> to vector<16xf32>
        %swap3A_589 = vector.shape_cast %add3A_582 : vector<16xf32> to vector<1x1x16xf32>
        tpu.vector_store %arg7[%swap3A_584, %swap3A_585, %swap3A_586], %swap3A_589 {strides = array<i32>} : memref<4x32x256xf32, #tpu.memory_space<vmem>>, vector<1x1x16xf32>,
        %get3A_590 = arith.constant 1 : i32
        %get3A_591 = arith.index_cast %get3A_590 : i32 to index
        %get3A_592 = arith.index_cast %scan3A_380 : i32 to index
        %get3A_593 = arith.constant 240 : index
        %get3A_594 = tpu.vector_load %arg6[%get3A_591, %get3A_592, %get3A_593] {strides = array<i32>} : memref<4x32x256xf32, #tpu.memory_space<vmem>>, vector<1x1x16xf32>,
        %get3A_595 = vector.shape_cast %get3A_594 : vector<1x1x16xf32> to vector<16xf32>
        %add3A_596 = arith.addf %get3A_595, %get3A_49 : vector<16xf32>
        %swap3A_597 = arith.constant 1 : i32
        %swap3A_598 = arith.index_cast %swap3A_597 : i32 to index
        %swap3A_599 = arith.index_cast %scan3A_380 : i32 to index
        %swap3A_600 = arith.constant 240 : index
        %swap3A_601 = tpu.vector_load %arg7[%swap3A_598, %swap3A_599, %swap3A_600] {strides = array<i32>} : memref<4x32x256xf32, #tpu.memory_space<vmem>>, vector<1x1x16xf32>,
        %swap3A_602 = vector.shape_cast %swap3A_601 : vector<1x1x16xf32> to vector<16xf32>
        %swap3A_603 = vector.shape_cast %add3A_596 : vector<16xf32> to vector<1x1x16xf32>
        tpu.vector_store %arg7[%swap3A_598, %swap3A_599, %swap3A_600], %swap3A_603 {strides = array<i32>} : memref<4x32x256xf32, #tpu.memory_space<vmem>>, vector<1x1x16xf32>,
        %scan3A_604 = arith.constant 1 : i32
        %scan3A_605 = arith.addi %scan3A_380, %scan3A_604 : i32
        %get3A_606 = arith.constant 1 : i32
        %get3A_607 = arith.index_cast %get3A_606 : i32 to index
        %get3A_608 = arith.index_cast %scan3A_605 : i32 to index
        %get3A_609 = arith.constant 0 : index
        %get3A_610 = tpu.vector_load %arg6[%get3A_607, %get3A_608, %get3A_609] {strides = array<i32>} : memref<4x32x256xf32, #tpu.memory_space<vmem>>, vector<1x1x16xf32>,
        %get3A_611 = vector.shape_cast %get3A_610 : vector<1x1x16xf32> to vector<16xf32>
        %add3A_612 = arith.addf %get3A_611, %get3A_4 : vector<16xf32>
        %swap3A_613 = arith.constant 1 : i32
        %swap3A_614 = arith.index_cast %swap3A_613 : i32 to index
        %swap3A_615 = arith.index_cast %scan3A_605 : i32 to index
        %swap3A_616 = arith.constant 0 : index
        %swap3A_617 = tpu.vector_load %arg7[%swap3A_614, %swap3A_615, %swap3A_616] {strides = array<i32>} : memref<4x32x256xf32, #tpu.memory_space<vmem>>, vector<1x1x16xf32>,
        %swap3A_618 = vector.shape_cast %swap3A_617 : vector<1x1x16xf32> to vector<16xf32>
        %swap3A_619 = vector.shape_cast %add3A_612 : vector<16xf32> to vector<1x1x16xf32>
        tpu.vector_store %arg7[%swap3A_614, %swap3A_615, %swap3A_616], %swap3A_619 {strides = array<i32>} : memref<4x32x256xf32, #tpu.memory_space<vmem>>, vector<1x1x16xf32>,
        %get3A_620 = arith.constant 1 : i32
        %get3A_621 = arith.index_cast %get3A_620 : i32 to index
        %get3A_622 = arith.index_cast %scan3A_605 : i32 to index
        %get3A_623 = arith.constant 16 : index
        %get3A_624 = tpu.vector_load %arg6[%get3A_621, %get3A_622, %get3A_623] {strides = array<i32>} : memref<4x32x256xf32, #tpu.memory_space<vmem>>, vector<1x1x16xf32>,
        %get3A_625 = vector.shape_cast %get3A_624 : vector<1x1x16xf32> to vector<16xf32>
        %add3A_626 = arith.addf %get3A_625, %get3A_7 : vector<16xf32>
        %swap3A_627 = arith.constant 1 : i32
        %swap3A_628 = arith.index_cast %swap3A_627 : i32 to index
        %swap3A_629 = arith.index_cast %scan3A_605 : i32 to index
        %swap3A_630 = arith.constant 16 : index
        %swap3A_631 = tpu.vector_load %arg7[%swap3A_628, %swap3A_629, %swap3A_630] {strides = array<i32>} : memref<4x32x256xf32, #tpu.memory_space<vmem>>, vector<1x1x16xf32>,
        %swap3A_632 = vector.shape_cast %swap3A_631 : vector<1x1x16xf32> to vector<16xf32>
        %swap3A_633 = vector.shape_cast %add3A_626 : vector<16xf32> to vector<1x1x16xf32>
        tpu.vector_store %arg7[%swap3A_628, %swap3A_629, %swap3A_630], %swap3A_633 {strides = array<i32>} : memref<4x32x256xf32, #tpu.memory_space<vmem>>, vector<1x1x16xf32>,
        %get3A_634 = arith.constant 1 : i32
        %get3A_635 = arith.index_cast %get3A_634 : i32 to index
        %get3A_636 = arith.index_cast %scan3A_605 : i32 to index
        %get3A_637 = arith.constant 32 : index
        %get3A_638 = tpu.vector_load %arg6[%get3A_635, %get3A_636, %get3A_637] {strides = array<i32>} : memref<4x32x256xf32, #tpu.memory_space<vmem>>, vector<1x1x16xf32>,
        %get3A_639 = vector.shape_cast %get3A_638 : vector<1x1x16xf32> to vector<16xf32>
        %add3A_640 = arith.addf %get3A_639, %get3A_10 : vector<16xf32>
        %swap3A_641 = arith.constant 1 : i32
        %swap3A_642 = arith.index_cast %swap3A_641 : i32 to index
        %swap3A_643 = arith.index_cast %scan3A_605 : i32 to index
        %swap3A_644 = arith.constant 32 : index
        %swap3A_645 = tpu.vector_load %arg7[%swap3A_642, %swap3A_643, %swap3A_644] {strides = array<i32>} : memref<4x32x256xf32, #tpu.memory_space<vmem>>, vector<1x1x16xf32>,
        %swap3A_646 = vector.shape_cast %swap3A_645 : vector<1x1x16xf32> to vector<16xf32>
        %swap3A_647 = vector.shape_cast %add3A_640 : vector<16xf32> to vector<1x1x16xf32>
        tpu.vector_store %arg7[%swap3A_642, %swap3A_643, %swap3A_644], %swap3A_647 {strides = array<i32>} : memref<4x32x256xf32, #tpu.memory_space<vmem>>, vector<1x1x16xf32>,
        %get3A_648 = arith.constant 1 : i32
        %get3A_649 = arith.index_cast %get3A_648 : i32 to index
        %get3A_650 = arith.index_cast %scan3A_605 : i32 to index
        %get3A_651 = arith.constant 48 : index
        %get3A_652 = tpu.vector_load %arg6[%get3A_649, %get3A_650, %get3A_651] {strides = array<i32>} : memref<4x32x256xf32, #tpu.memory_space<vmem>>, vector<1x1x16xf32>,
        %get3A_653 = vector.shape_cast %get3A_652 : vector<1x1x16xf32> to vector<16xf32>
        %add3A_654 = arith.addf %get3A_653, %get3A_13 : vector<16xf32>
        %swap3A_655 = arith.constant 1 : i32
        %swap3A_656 = arith.index_cast %swap3A_655 : i32 to index
        %swap3A_657 = arith.index_cast %scan3A_605 : i32 to index
        %swap3A_658 = arith.constant 48 : index
        %swap3A_659 = tpu.vector_load %arg7[%swap3A_656, %swap3A_657, %swap3A_658] {strides = array<i32>} : memref<4x32x256xf32, #tpu.memory_space<vmem>>, vector<1x1x16xf32>,
        %swap3A_660 = vector.shape_cast %swap3A_659 : vector<1x1x16xf32> to vector<16xf32>
        %swap3A_661 = vector.shape_cast %add3A_654 : vector<16xf32> to vector<1x1x16xf32>
        tpu.vector_store %arg7[%swap3A_656, %swap3A_657, %swap3A_658], %swap3A_661 {strides = array<i32>} : memref<4x32x256xf32, #tpu.memory_space<vmem>>, vector<1x1x16xf32>,
        %get3A_662 = arith.constant 1 : i32
        %get3A_663 = arith.index_cast %get3A_662 : i32 to index
        %get3A_664 = arith.index_cast %scan3A_605 : i32 to index
        %get3A_665 = arith.constant 64 : index
        %get3A_666 = tpu.vector_load %arg6[%get3A_663, %get3A_664, %get3A_665] {strides = array<i32>} : memref<4x32x256xf32, #tpu.memory_space<vmem>>, vector<1x1x16xf32>,
        %get3A_667 = vector.shape_cast %get3A_666 : vector<1x1x16xf32> to vector<16xf32>
        %add3A_668 = arith.addf %get3A_667, %get3A_16 : vector<16xf32>
        %swap3A_669 = arith.constant 1 : i32
        %swap3A_670 = arith.index_cast %swap3A_669 : i32 to index
        %swap3A_671 = arith.index_cast %scan3A_605 : i32 to index
        %swap3A_672 = arith.constant 64 : index
        %swap3A_673 = tpu.vector_load %arg7[%swap3A_670, %swap3A_671, %swap3A_672] {strides = array<i32>} : memref<4x32x256xf32, #tpu.memory_space<vmem>>, vector<1x1x16xf32>,
        %swap3A_674 = vector.shape_cast %swap3A_673 : vector<1x1x16xf32> to vector<16xf32>
        %swap3A_675 = vector.shape_cast %add3A_668 : vector<16xf32> to vector<1x1x16xf32>
        tpu.vector_store %arg7[%swap3A_670, %swap3A_671, %swap3A_672], %swap3A_675 {strides = array<i32>} : memref<4x32x256xf32, #tpu.memory_space<vmem>>, vector<1x1x16xf32>,
        %get3A_676 = arith.constant 1 : i32
        %get3A_677 = arith.index_cast %get3A_676 : i32 to index
        %get3A_678 = arith.index_cast %scan3A_605 : i32 to index
        %get3A_679 = arith.constant 80 : index
        %get3A_680 = tpu.vector_load %arg6[%get3A_677, %get3A_678, %get3A_679] {strides = array<i32>} : memref<4x32x256xf32, #tpu.memory_space<vmem>>, vector<1x1x16xf32>,
        %get3A_681 = vector.shape_cast %get3A_680 : vector<1x1x16xf32> to vector<16xf32>
        %add3A_682 = arith.addf %get3A_681, %get3A_19 : vector<16xf32>
        %swap3A_683 = arith.constant 1 : i32
        %swap3A_684 = arith.index_cast %swap3A_683 : i32 to index
        %swap3A_685 = arith.index_cast %scan3A_605 : i32 to index
        %swap3A_686 = arith.constant 80 : index
        %swap3A_687 = tpu.vector_load %arg7[%swap3A_684, %swap3A_685, %swap3A_686] {strides = array<i32>} : memref<4x32x256xf32, #tpu.memory_space<vmem>>, vector<1x1x16xf32>,
        %swap3A_688 = vector.shape_cast %swap3A_687 : vector<1x1x16xf32> to vector<16xf32>
        %swap3A_689 = vector.shape_cast %add3A_682 : vector<16xf32> to vector<1x1x16xf32>
        tpu.vector_store %arg7[%swap3A_684, %swap3A_685, %swap3A_686], %swap3A_689 {strides = array<i32>} : memref<4x32x256xf32, #tpu.memory_space<vmem>>, vector<1x1x16xf32>,
        %get3A_690 = arith.constant 1 : i32
        %get3A_691 = arith.index_cast %get3A_690 : i32 to index
        %get3A_692 = arith.index_cast %scan3A_605 : i32 to index
        %get3A_693 = arith.constant 96 : index
        %get3A_694 = tpu.vector_load %arg6[%get3A_691, %get3A_692, %get3A_693] {strides = array<i32>} : memref<4x32x256xf32, #tpu.memory_space<vmem>>, vector<1x1x16xf32>,
        %get3A_695 = vector.shape_cast %get3A_694 : vector<1x1x16xf32> to vector<16xf32>
        %add3A_696 = arith.addf %get3A_695, %get3A_22 : vector<16xf32>
        %swap3A_697 = arith.constant 1 : i32
        %swap3A_698 = arith.index_cast %swap3A_697 : i32 to index
        %swap3A_699 = arith.index_cast %scan3A_605 : i32 to index
        %swap3A_700 = arith.constant 96 : index
        %swap3A_701 = tpu.vector_load %arg7[%swap3A_698, %swap3A_699, %swap3A_700] {strides = array<i32>} : memref<4x32x256xf32, #tpu.memory_space<vmem>>, vector<1x1x16xf32>,
        %swap3A_702 = vector.shape_cast %swap3A_701 : vector<1x1x16xf32> to vector<16xf32>
        %swap3A_703 = vector.shape_cast %add3A_696 : vector<16xf32> to vector<1x1x16xf32>
        tpu.vector_store %arg7[%swap3A_698, %swap3A_699, %swap3A_700], %swap3A_703 {strides = array<i32>} : memref<4x32x256xf32, #tpu.memory_space<vmem>>, vector<1x1x16xf32>,
        %get3A_704 = arith.constant 1 : i32
        %get3A_705 = arith.index_cast %get3A_704 : i32 to index
        %get3A_706 = arith.index_cast %scan3A_605 : i32 to index
        %get3A_707 = arith.constant 112 : index
        %get3A_708 = tpu.vector_load %arg6[%get3A_705, %get3A_706, %get3A_707] {strides = array<i32>} : memref<4x32x256xf32, #tpu.memory_space<vmem>>, vector<1x1x16xf32>,
        %get3A_709 = vector.shape_cast %get3A_708 : vector<1x1x16xf32> to vector<16xf32>
        %add3A_710 = arith.addf %get3A_709, %get3A_25 : vector<16xf32>
        %swap3A_711 = arith.constant 1 : i32
        %swap3A_712 = arith.index_cast %swap3A_711 : i32 to index
        %swap3A_713 = arith.index_cast %scan3A_605 : i32 to index
        %swap3A_714 = arith.constant 112 : index
        %swap3A_715 = tpu.vector_load %arg7[%swap3A_712, %swap3A_713, %swap3A_714] {strides = array<i32>} : memref<4x32x256xf32, #tpu.memory_space<vmem>>, vector<1x1x16xf32>,
        %swap3A_716 = vector.shape_cast %swap3A_715 : vector<1x1x16xf32> to vector<16xf32>
        %swap3A_717 = vector.shape_cast %add3A_710 : vector<16xf32> to vector<1x1x16xf32>
        tpu.vector_store %arg7[%swap3A_712, %swap3A_713, %swap3A_714], %swap3A_717 {strides = array<i32>} : memref<4x32x256xf32, #tpu.memory_space<vmem>>, vector<1x1x16xf32>,
        %get3A_718 = arith.constant 1 : i32
        %get3A_719 = arith.index_cast %get3A_718 : i32 to index
        %get3A_720 = arith.index_cast %scan3A_605 : i32 to index
        %get3A_721 = arith.constant 128 : index
        %get3A_722 = tpu.vector_load %arg6[%get3A_719, %get3A_720, %get3A_721] {strides = array<i32>} : memref<4x32x256xf32, #tpu.memory_space<vmem>>, vector<1x1x16xf32>,
        %get3A_723 = vector.shape_cast %get3A_722 : vector<1x1x16xf32> to vector<16xf32>
        %add3A_724 = arith.addf %get3A_723, %get3A_28 : vector<16xf32>
        %swap3A_725 = arith.constant 1 : i32
        %swap3A_726 = arith.index_cast %swap3A_725 : i32 to index
        %swap3A_727 = arith.index_cast %scan3A_605 : i32 to index
        %swap3A_728 = arith.constant 128 : index
        %swap3A_729 = tpu.vector_load %arg7[%swap3A_726, %swap3A_727, %swap3A_728] {strides = array<i32>} : memref<4x32x256xf32, #tpu.memory_space<vmem>>, vector<1x1x16xf32>,
        %swap3A_730 = vector.shape_cast %swap3A_729 : vector<1x1x16xf32> to vector<16xf32>
        %swap3A_731 = vector.shape_cast %add3A_724 : vector<16xf32> to vector<1x1x16xf32>
        tpu.vector_store %arg7[%swap3A_726, %swap3A_727, %swap3A_728], %swap3A_731 {strides = array<i32>} : memref<4x32x256xf32, #tpu.memory_space<vmem>>, vector<1x1x16xf32>,
        %get3A_732 = arith.constant 1 : i32
        %get3A_733 = arith.index_cast %get3A_732 : i32 to index
        %get3A_734 = arith.index_cast %scan3A_605 : i32 to index
        %get3A_735 = arith.constant 144 : index
        %get3A_736 = tpu.vector_load %arg6[%get3A_733, %get3A_734, %get3A_735] {strides = array<i32>} : memref<4x32x256xf32, #tpu.memory_space<vmem>>, vector<1x1x16xf32>,
        %get3A_737 = vector.shape_cast %get3A_736 : vector<1x1x16xf32> to vector<16xf32>
        %add3A_738 = arith.addf %get3A_737, %get3A_31 : vector<16xf32>
        %swap3A_739 = arith.constant 1 : i32
        %swap3A_740 = arith.index_cast %swap3A_739 : i32 to index
        %swap3A_741 = arith.index_cast %scan3A_605 : i32 to index
        %swap3A_742 = arith.constant 144 : index
        %swap3A_743 = tpu.vector_load %arg7[%swap3A_740, %swap3A_741, %swap3A_742] {strides = array<i32>} : memref<4x32x256xf32, #tpu.memory_space<vmem>>, vector<1x1x16xf32>,
        %swap3A_744 = vector.shape_cast %swap3A_743 : vector<1x1x16xf32> to vector<16xf32>
        %swap3A_745 = vector.shape_cast %add3A_738 : vector<16xf32> to vector<1x1x16xf32>
        tpu.vector_store %arg7[%swap3A_740, %swap3A_741, %swap3A_742], %swap3A_745 {strides = array<i32>} : memref<4x32x256xf32, #tpu.memory_space<vmem>>, vector<1x1x16xf32>,
        %get3A_746 = arith.constant 1 : i32
        %get3A_747 = arith.index_cast %get3A_746 : i32 to index
        %get3A_748 = arith.index_cast %scan3A_605 : i32 to index
        %get3A_749 = arith.constant 160 : index
        %get3A_750 = tpu.vector_load %arg6[%get3A_747, %get3A_748, %get3A_749] {strides = array<i32>} : memref<4x32x256xf32, #tpu.memory_space<vmem>>, vector<1x1x16xf32>,
        %get3A_751 = vector.shape_cast %get3A_750 : vector<1x1x16xf32> to vector<16xf32>
        %add3A_752 = arith.addf %get3A_751, %get3A_34 : vector<16xf32>
        %swap3A_753 = arith.constant 1 : i32
        %swap3A_754 = arith.index_cast %swap3A_753 : i32 to index
        %swap3A_755 = arith.index_cast %scan3A_605 : i32 to index
        %swap3A_756 = arith.constant 160 : index
        %swap3A_757 = tpu.vector_load %arg7[%swap3A_754, %swap3A_755, %swap3A_756] {strides = array<i32>} : memref<4x32x256xf32, #tpu.memory_space<vmem>>, vector<1x1x16xf32>,
        %swap3A_758 = vector.shape_cast %swap3A_757 : vector<1x1x16xf32> to vector<16xf32>
        %swap3A_759 = vector.shape_cast %add3A_752 : vector<16xf32> to vector<1x1x16xf32>
        tpu.vector_store %arg7[%swap3A_754, %swap3A_755, %swap3A_756], %swap3A_759 {strides = array<i32>} : memref<4x32x256xf32, #tpu.memory_space<vmem>>, vector<1x1x16xf32>,
        %get3A_760 = arith.constant 1 : i32
        %get3A_761 = arith.index_cast %get3A_760 : i32 to index
        %get3A_762 = arith.index_cast %scan3A_605 : i32 to index
        %get3A_763 = arith.constant 176 : index
        %get3A_764 = tpu.vector_load %arg6[%get3A_761, %get3A_762, %get3A_763] {strides = array<i32>} : memref<4x32x256xf32, #tpu.memory_space<vmem>>, vector<1x1x16xf32>,
        %get3A_765 = vector.shape_cast %get3A_764 : vector<1x1x16xf32> to vector<16xf32>
        %add3A_766 = arith.addf %get3A_765, %get3A_37 : vector<16xf32>
        %swap3A_767 = arith.constant 1 : i32
        %swap3A_768 = arith.index_cast %swap3A_767 : i32 to index
        %swap3A_769 = arith.index_cast %scan3A_605 : i32 to index
        %swap3A_770 = arith.constant 176 : index
        %swap3A_771 = tpu.vector_load %arg7[%swap3A_768, %swap3A_769, %swap3A_770] {strides = array<i32>} : memref<4x32x256xf32, #tpu.memory_space<vmem>>, vector<1x1x16xf32>,
        %swap3A_772 = vector.shape_cast %swap3A_771 : vector<1x1x16xf32> to vector<16xf32>
        %swap3A_773 = vector.shape_cast %add3A_766 : vector<16xf32> to vector<1x1x16xf32>
        tpu.vector_store %arg7[%swap3A_768, %swap3A_769, %swap3A_770], %swap3A_773 {strides = array<i32>} : memref<4x32x256xf32, #tpu.memory_space<vmem>>, vector<1x1x16xf32>,
        %get3A_774 = arith.constant 1 : i32
        %get3A_775 = arith.index_cast %get3A_774 : i32 to index
        %get3A_776 = arith.index_cast %scan3A_605 : i32 to index
        %get3A_777 = arith.constant 192 : index
        %get3A_778 = tpu.vector_load %arg6[%get3A_775, %get3A_776, %get3A_777] {strides = array<i32>} : memref<4x32x256xf32, #tpu.memory_space<vmem>>, vector<1x1x16xf32>,
        %get3A_779 = vector.shape_cast %get3A_778 : vector<1x1x16xf32> to vector<16xf32>
        %add3A_780 = arith.addf %get3A_779, %get3A_40 : vector<16xf32>
        %swap3A_781 = arith.constant 1 : i32
        %swap3A_782 = arith.index_cast %swap3A_781 : i32 to index
        %swap3A_783 = arith.index_cast %scan3A_605 : i32 to index
        %swap3A_784 = arith.constant 192 : index
        %swap3A_785 = tpu.vector_load %arg7[%swap3A_782, %swap3A_783, %swap3A_784] {strides = array<i32>} : memref<4x32x256xf32, #tpu.memory_space<vmem>>, vector<1x1x16xf32>,
        %swap3A_786 = vector.shape_cast %swap3A_785 : vector<1x1x16xf32> to vector<16xf32>
        %swap3A_787 = vector.shape_cast %add3A_780 : vector<16xf32> to vector<1x1x16xf32>
        tpu.vector_store %arg7[%swap3A_782, %swap3A_783, %swap3A_784], %swap3A_787 {strides = array<i32>} : memref<4x32x256xf32, #tpu.memory_space<vmem>>, vector<1x1x16xf32>,
        %get3A_788 = arith.constant 1 : i32
        %get3A_789 = arith.index_cast %get3A_788 : i32 to index
        %get3A_790 = arith.index_cast %scan3A_605 : i32 to index
        %get3A_791 = arith.constant 208 : index
        %get3A_792 = tpu.vector_load %arg6[%get3A_789, %get3A_790, %get3A_791] {strides = array<i32>} : memref<4x32x256xf32, #tpu.memory_space<vmem>>, vector<1x1x16xf32>,
        %get3A_793 = vector.shape_cast %get3A_792 : vector<1x1x16xf32> to vector<16xf32>
        %add3A_794 = arith.addf %get3A_793, %get3A_43 : vector<16xf32>
        %swap3A_795 = arith.constant 1 : i32
        %swap3A_796 = arith.index_cast %swap3A_795 : i32 to index
        %swap3A_797 = arith.index_cast %scan3A_605 : i32 to index
        %swap3A_798 = arith.constant 208 : index
        %swap3A_799 = tpu.vector_load %arg7[%swap3A_796, %swap3A_797, %swap3A_798] {strides = array<i32>} : memref<4x32x256xf32, #tpu.memory_space<vmem>>, vector<1x1x16xf32>,
        %swap3A_800 = vector.shape_cast %swap3A_799 : vector<1x1x16xf32> to vector<16xf32>
        %swap3A_801 = vector.shape_cast %add3A_794 : vector<16xf32> to vector<1x1x16xf32>
        tpu.vector_store %arg7[%swap3A_796, %swap3A_797, %swap3A_798], %swap3A_801 {strides = array<i32>} : memref<4x32x256xf32, #tpu.memory_space<vmem>>, vector<1x1x16xf32>,
        %get3A_802 = arith.constant 1 : i32
        %get3A_803 = arith.index_cast %get3A_802 : i32 to index
        %get3A_804 = arith.index_cast %scan3A_605 : i32 to index
        %get3A_805 = arith.constant 224 : index
        %get3A_806 = tpu.vector_load %arg6[%get3A_803, %get3A_804, %get3A_805] {strides = array<i32>} : memref<4x32x256xf32, #tpu.memory_space<vmem>>, vector<1x1x16xf32>,
        %get3A_807 = vector.shape_cast %get3A_806 : vector<1x1x16xf32> to vector<16xf32>
        %add3A_808 = arith.addf %get3A_807, %get3A_46 : vector<16xf32>
        %swap3A_809 = arith.constant 1 : i32
        %swap3A_810 = arith.index_cast %swap3A_809 : i32 to index
        %swap3A_811 = arith.index_cast %scan3A_605 : i32 to index
        %swap3A_812 = arith.constant 224 : index
        %swap3A_813 = tpu.vector_load %arg7[%swap3A_810, %swap3A_811, %swap3A_812] {strides = array<i32>} : memref<4x32x256xf32, #tpu.memory_space<vmem>>, vector<1x1x16xf32>,
        %swap3A_814 = vector.shape_cast %swap3A_813 : vector<1x1x16xf32> to vector<16xf32>
        %swap3A_815 = vector.shape_cast %add3A_808 : vector<16xf32> to vector<1x1x16xf32>
        tpu.vector_store %arg7[%swap3A_810, %swap3A_811, %swap3A_812], %swap3A_815 {strides = array<i32>} : memref<4x32x256xf32, #tpu.memory_space<vmem>>, vector<1x1x16xf32>,
        %get3A_816 = arith.constant 1 : i32
        %get3A_817 = arith.index_cast %get3A_816 : i32 to index
        %get3A_818 = arith.index_cast %scan3A_605 : i32 to index
        %get3A_819 = arith.constant 240 : index
        %get3A_820 = tpu.vector_load %arg6[%get3A_817, %get3A_818, %get3A_819] {strides = array<i32>} : memref<4x32x256xf32, #tpu.memory_space<vmem>>, vector<1x1x16xf32>,
        %get3A_821 = vector.shape_cast %get3A_820 : vector<1x1x16xf32> to vector<16xf32>
        %add3A_822 = arith.addf %get3A_821, %get3A_49 : vector<16xf32>
        %swap3A_823 = arith.constant 1 : i32
        %swap3A_824 = arith.index_cast %swap3A_823 : i32 to index
        %swap3A_825 = arith.index_cast %scan3A_605 : i32 to index
        %swap3A_826 = arith.constant 240 : index
        %swap3A_827 = tpu.vector_load %arg7[%swap3A_824, %swap3A_825, %swap3A_826] {strides = array<i32>} : memref<4x32x256xf32, #tpu.memory_space<vmem>>, vector<1x1x16xf32>,
        %swap3A_828 = vector.shape_cast %swap3A_827 : vector<1x1x16xf32> to vector<16xf32>
        %swap3A_829 = vector.shape_cast %add3A_822 : vector<16xf32> to vector<1x1x16xf32>
        tpu.vector_store %arg7[%swap3A_824, %swap3A_825, %swap3A_826], %swap3A_829 {strides = array<i32>} : memref<4x32x256xf32, #tpu.memory_space<vmem>>, vector<1x1x16xf32>,
      }
      %scan3A_252 = arith.constant 32 : i32
      %mul3A_253 = arith.constant 32 : i32
      %mul3A_254 = arith.muli %add3A_225, %mul3A_253 : i32
      %add3A_255 = arith.addi %mul3A_2, %mul3A_254 : i32
      %dma_start3A_256 = arith.constant 1 : i32
      %dma_start3A_257 = arith.constant 0 : i32
      %dma_start3A_258 = arith.constant 0 : i32
      %dma_start3A_259 = tpu.memref_slice %arg7[%dma_start3A_256, %dma_start3A_257, %dma_start3A_258] : memref<4x32x256xf32, #tpu.memory_space<vmem>> -> memref<1x32x256xf32, #tpu.memory_space<vmem>>
      %dma_start3A_260 = tpu.memref_squeeze %dma_start3A_259 : memref<1x32x256xf32, #tpu.memory_space<vmem>> -> memref<32x256xf32, #tpu.memory_space<vmem>>
      %dma_start3A_261 = arith.constant 0 : i32
      %dma_start3A_262 = tpu.memref_slice %arg4[%add3A_255, %dma_start3A_261] : memref<65536x256xf32, #tpu.memory_space<hbm>> -> memref<32x256xf32, #tpu.memory_space<hbm>>
      %dma_start3A_263 = arith.constant 0 : i32
      %dma_start3A_264 = tpu.memref_slice %arg4[%add3A_255, %dma_start3A_263] : memref<65536x256xf32, #tpu.memory_space<hbm>> -> memref<32x256xf32, #tpu.memory_space<hbm>>
      %dma_start3A_265 = arith.constant 0 : i32
      %dma_start3A_266 = arith.constant 0 : i32
      %dma_start3A_267 = tpu.memref_slice %arg7[%dma_start3A_256, %dma_start3A_265, %dma_start3A_266] : memref<4x32x256xf32, #tpu.memory_space<vmem>> -> memref<1x32x256xf32, #tpu.memory_space<vmem>>
      %dma_start3A_268 = tpu.memref_squeeze %dma_start3A_267 : memref<1x32x256xf32, #tpu.memory_space<vmem>> -> memref<32x256xf32, #tpu.memory_space<vmem>>
      tpu.enqueue_dma source(%dma_start3A_268 : memref<32x256xf32, #tpu.memory_space<vmem>>) target(%dma_start3A_264 : memref<32x256xf32, #tpu.memory_space<hbm>>) target_semaphore(%arg13 : memref<!tpu.dma_semaphore, #tpu.memory_space<semaphore_mem>>)
      %add3A_269 = arith.constant 4 : i32
      %add3A_270 = arith.addi %add3A_225, %add3A_269 : i32
      %lt3A_271 = arith.constant 64 : i32
      %lt3A_272 = arith.cmpi slt, %add3A_270, %lt3A_271 : i32
      %convert_element_type3A_273 = arith.extui %lt3A_272 : i1 to i32
      %cond3A_274 = arith.constant 0 : i32
      %cond3A_275 = arith.cmpi ne, %convert_element_type3A_273, %cond3A_274 : i32
      scf.if %cond3A_275 {
        %add3A_380 = arith.constant 4 : i32
        %add3A_381 = arith.addi %add3A_225, %add3A_380 : i32
        %mul3A_382 = arith.constant 32 : i32
        %mul3A_383 = arith.muli %add3A_381, %mul3A_382 : i32
        %add3A_384 = arith.addi %mul3A_2, %mul3A_383 : i32
        %dma_start3A_385 = arith.constant 1 : i32
        %dma_start3A_386 = arith.constant 0 : i32
        %dma_start3A_387 = arith.constant 0 : i32
        %dma_start3A_388 = tpu.memref_slice %arg6[%dma_start3A_385, %dma_start3A_386, %dma_start3A_387] : memref<4x32x256xf32, #tpu.memory_space<vmem>> -> memref<1x32x256xf32, #tpu.memory_space<vmem>>
        %dma_start3A_389 = tpu.memref_squeeze %dma_start3A_388 : memref<1x32x256xf32, #tpu.memory_space<vmem>> -> memref<32x256xf32, #tpu.memory_space<vmem>>
        %dma_start3A_390 = arith.constant 0 : i32
        %dma_start3A_391 = tpu.memref_slice %arg3[%add3A_384, %dma_start3A_390] : memref<65536x256xf32, #tpu.memory_space<hbm>> -> memref<32x256xf32, #tpu.memory_space<hbm>>
        %dma_start3A_392 = arith.constant 0 : i32
        %dma_start3A_393 = arith.constant 0 : i32
        %dma_start3A_394 = tpu.memref_slice %arg6[%dma_start3A_385, %dma_start3A_392, %dma_start3A_393] : memref<4x32x256xf32, #tpu.memory_space<vmem>> -> memref<1x32x256xf32, #tpu.memory_space<vmem>>
        %dma_start3A_395 = tpu.memref_squeeze %dma_start3A_394 : memref<1x32x256xf32, #tpu.memory_space<vmem>> -> memref<32x256xf32, #tpu.memory_space<vmem>>
        %dma_start3A_396 = arith.constant 0 : i32
        %dma_start3A_397 = tpu.memref_slice %arg3[%add3A_384, %dma_start3A_396] : memref<65536x256xf32, #tpu.memory_space<hbm>> -> memref<32x256xf32, #tpu.memory_space<hbm>>
        tpu.enqueue_dma source(%dma_start3A_397 : memref<32x256xf32, #tpu.memory_space<hbm>>) target(%dma_start3A_395 : memref<32x256xf32, #tpu.memory_space<vmem>>) target_semaphore(%arg9 : memref<!tpu.dma_semaphore, #tpu.memory_space<semaphore_mem>>)
      } else {
      }
      %add3A_276 = arith.constant 2 : i32
      %add3A_277 = arith.addi %mul3A_175, %add3A_276 : i32
      %mul3A_278 = arith.constant 32 : i32
      %mul3A_279 = arith.muli %add3A_277, %mul3A_278 : i32
      %add3A_280 = arith.addi %mul3A_2, %mul3A_279 : i32
      %dma_wait3A_281 = arith.constant 2 : i32
      %dma_wait3A_282 = arith.constant 0 : i32
      %dma_wait3A_283 = arith.constant 0 : i32
      %dma_wait3A_284 = tpu.memref_slice %arg6[%dma_wait3A_281, %dma_wait3A_282, %dma_wait3A_283] : memref<4x32x256xf32, #tpu.memory_space<vmem>> -> memref<1x32x256xf32, #tpu.memory_space<vmem>>
      %dma_wait3A_285 = tpu.memref_squeeze %dma_wait3A_284 : memref<1x32x256xf32, #tpu.memory_space<vmem>> -> memref<32x256xf32, #tpu.memory_space<vmem>>
      %dma_wait3A_286 = arith.constant 0 : i32
      %dma_wait3A_287 = tpu.memref_slice %arg3[%add3A_280, %dma_wait3A_286] : memref<65536x256xf32, #tpu.memory_space<hbm>> -> memref<32x256xf32, #tpu.memory_space<hbm>>
      %dma_wait3A_288 = arith.constant 0 : i32
      %dma_wait3A_289 = arith.constant 0 : i32
      %dma_wait3A_290 = tpu.memref_slice %arg6[%dma_wait3A_281, %dma_wait3A_288, %dma_wait3A_289] : memref<4x32x256xf32, #tpu.memory_space<vmem>> -> memref<1x32x256xf32, #tpu.memory_space<vmem>>
      %dma_wait3A_291 = tpu.memref_squeeze %dma_wait3A_290 : memref<1x32x256xf32, #tpu.memory_space<vmem>> -> memref<32x256xf32, #tpu.memory_space<vmem>>
      %dma_wait3A_292 = arith.constant 0 : i32
      %dma_wait3A_293 = tpu.memref_slice %arg3[%add3A_280, %dma_wait3A_292] : memref<65536x256xf32, #tpu.memory_space<hbm>> -> memref<32x256xf32, #tpu.memory_space<hbm>>
      tpu.wait_dma2 semaphore(%arg10 : memref<!tpu.dma_semaphore, #tpu.memory_space<semaphore_mem>>) src(%dma_wait3A_293 : memref<32x256xf32, #tpu.memory_space<hbm>>) dst(%dma_wait3A_291 : memref<32x256xf32, #tpu.memory_space<vmem>>)
      %ge3A_294 = arith.constant 4 : i32
      %ge3A_295 = arith.cmpi sge, %add3A_277, %ge3A_294 : i32
      %convert_element_type3A_296 = arith.extui %ge3A_295 : i1 to i32
      %cond3A_297 = arith.constant 0 : i32
      %cond3A_298 = arith.cmpi ne, %convert_element_type3A_296, %cond3A_297 : i32
      scf.if %cond3A_298 {
        %mul3A_380 = arith.constant 32 : i32
        %mul3A_381 = arith.muli %add3A_277, %mul3A_380 : i32
        %add3A_382 = arith.addi %mul3A_2, %mul3A_381 : i32
        %dma_wait3A_383 = arith.constant 2 : i32
        %dma_wait3A_384 = arith.constant 0 : i32
        %dma_wait3A_385 = arith.constant 0 : i32
        %dma_wait3A_386 = tpu.memref_slice %arg7[%dma_wait3A_383, %dma_wait3A_384, %dma_wait3A_385] : memref<4x32x256xf32, #tpu.memory_space<vmem>> -> memref<1x32x256xf32, #tpu.memory_space<vmem>>
        %dma_wait3A_387 = tpu.memref_squeeze %dma_wait3A_386 : memref<1x32x256xf32, #tpu.memory_space<vmem>> -> memref<32x256xf32, #tpu.memory_space<vmem>>
        %dma_wait3A_388 = arith.constant 0 : i32
        %dma_wait3A_389 = tpu.memref_slice %arg4[%add3A_382, %dma_wait3A_388] : memref<65536x256xf32, #tpu.memory_space<hbm>> -> memref<32x256xf32, #tpu.memory_space<hbm>>
        %dma_wait3A_390 = arith.constant 0 : i32
        %dma_wait3A_391 = tpu.memref_slice %arg4[%add3A_382, %dma_wait3A_390] : memref<65536x256xf32, #tpu.memory_space<hbm>> -> memref<32x256xf32, #tpu.memory_space<hbm>>
        %dma_wait3A_392 = arith.constant 0 : i32
        %dma_wait3A_393 = arith.constant 0 : i32
        %dma_wait3A_394 = tpu.memref_slice %arg7[%dma_wait3A_383, %dma_wait3A_392, %dma_wait3A_393] : memref<4x32x256xf32, #tpu.memory_space<vmem>> -> memref<1x32x256xf32, #tpu.memory_space<vmem>>
        %dma_wait3A_395 = tpu.memref_squeeze %dma_wait3A_394 : memref<1x32x256xf32, #tpu.memory_space<vmem>> -> memref<32x256xf32, #tpu.memory_space<vmem>>
        tpu.wait_dma2 semaphore(%arg14 : memref<!tpu.dma_semaphore, #tpu.memory_space<semaphore_mem>>) src(%dma_wait3A_395 : memref<32x256xf32, #tpu.memory_space<vmem>>) dst(%dma_wait3A_391 : memref<32x256xf32, #tpu.memory_space<hbm>>)
      } else {
      }
      %scan3A_299 = arith.constant 0 : i32
      %scan3A_300 = arith.constant 0 : i32
      %scan3A_301 = arith.constant 32 : i32
      %scan3A_302 = arith.addi %scan3A_300, %scan3A_301 : i32
      %scan3A_303 = arith.constant 2 : i32
      scf.for %scan3A_380 = %scan3A_300 to %scan3A_302 step %scan3A_303  : i32 {
        %get3A_381 = arith.constant 2 : i32
        %get3A_382 = arith.index_cast %get3A_381 : i32 to index
        %get3A_383 = arith.index_cast %scan3A_380 : i32 to index
        %get3A_384 = arith.constant 0 : index
        %get3A_385 = tpu.vector_load %arg6[%get3A_382, %get3A_383, %get3A_384] {strides = array<i32>} : memref<4x32x256xf32, #tpu.memory_space<vmem>>, vector<1x1x16xf32>,
        %get3A_386 = vector.shape_cast %get3A_385 : vector<1x1x16xf32> to vector<16xf32>
        %add3A_387 = arith.addf %get3A_386, %get3A_4 : vector<16xf32>
        %swap3A = arith.constant 2 : i32
        %swap3A_388 = arith.index_cast %swap3A : i32 to index
        %swap3A_389 = arith.index_cast %scan3A_380 : i32 to index
        %swap3A_390 = arith.constant 0 : index
        %swap3A_391 = tpu.vector_load %arg7[%swap3A_388, %swap3A_389, %swap3A_390] {strides = array<i32>} : memref<4x32x256xf32, #tpu.memory_space<vmem>>, vector<1x1x16xf32>,
        %swap3A_392 = vector.shape_cast %swap3A_391 : vector<1x1x16xf32> to vector<16xf32>
        %swap3A_393 = vector.shape_cast %add3A_387 : vector<16xf32> to vector<1x1x16xf32>
        tpu.vector_store %arg7[%swap3A_388, %swap3A_389, %swap3A_390], %swap3A_393 {strides = array<i32>} : memref<4x32x256xf32, #tpu.memory_space<vmem>>, vector<1x1x16xf32>,
        %get3A_394 = arith.constant 2 : i32
        %get3A_395 = arith.index_cast %get3A_394 : i32 to index
        %get3A_396 = arith.index_cast %scan3A_380 : i32 to index
        %get3A_397 = arith.constant 16 : index
        %get3A_398 = tpu.vector_load %arg6[%get3A_395, %get3A_396, %get3A_397] {strides = array<i32>} : memref<4x32x256xf32, #tpu.memory_space<vmem>>, vector<1x1x16xf32>,
        %get3A_399 = vector.shape_cast %get3A_398 : vector<1x1x16xf32> to vector<16xf32>
        %add3A_400 = arith.addf %get3A_399, %get3A_7 : vector<16xf32>
        %swap3A_401 = arith.constant 2 : i32
        %swap3A_402 = arith.index_cast %swap3A_401 : i32 to index
        %swap3A_403 = arith.index_cast %scan3A_380 : i32 to index
        %swap3A_404 = arith.constant 16 : index
        %swap3A_405 = tpu.vector_load %arg7[%swap3A_402, %swap3A_403, %swap3A_404] {strides = array<i32>} : memref<4x32x256xf32, #tpu.memory_space<vmem>>, vector<1x1x16xf32>,
        %swap3A_406 = vector.shape_cast %swap3A_405 : vector<1x1x16xf32> to vector<16xf32>
        %swap3A_407 = vector.shape_cast %add3A_400 : vector<16xf32> to vector<1x1x16xf32>
        tpu.vector_store %arg7[%swap3A_402, %swap3A_403, %swap3A_404], %swap3A_407 {strides = array<i32>} : memref<4x32x256xf32, #tpu.memory_space<vmem>>, vector<1x1x16xf32>,
        %get3A_408 = arith.constant 2 : i32
        %get3A_409 = arith.index_cast %get3A_408 : i32 to index
        %get3A_410 = arith.index_cast %scan3A_380 : i32 to index
        %get3A_411 = arith.constant 32 : index
        %get3A_412 = tpu.vector_load %arg6[%get3A_409, %get3A_410, %get3A_411] {strides = array<i32>} : memref<4x32x256xf32, #tpu.memory_space<vmem>>, vector<1x1x16xf32>,
        %get3A_413 = vector.shape_cast %get3A_412 : vector<1x1x16xf32> to vector<16xf32>
        %add3A_414 = arith.addf %get3A_413, %get3A_10 : vector<16xf32>
        %swap3A_415 = arith.constant 2 : i32
        %swap3A_416 = arith.index_cast %swap3A_415 : i32 to index
        %swap3A_417 = arith.index_cast %scan3A_380 : i32 to index
        %swap3A_418 = arith.constant 32 : index
        %swap3A_419 = tpu.vector_load %arg7[%swap3A_416, %swap3A_417, %swap3A_418] {strides = array<i32>} : memref<4x32x256xf32, #tpu.memory_space<vmem>>, vector<1x1x16xf32>,
        %swap3A_420 = vector.shape_cast %swap3A_419 : vector<1x1x16xf32> to vector<16xf32>
        %swap3A_421 = vector.shape_cast %add3A_414 : vector<16xf32> to vector<1x1x16xf32>
        tpu.vector_store %arg7[%swap3A_416, %swap3A_417, %swap3A_418], %swap3A_421 {strides = array<i32>} : memref<4x32x256xf32, #tpu.memory_space<vmem>>, vector<1x1x16xf32>,
        %get3A_422 = arith.constant 2 : i32
        %get3A_423 = arith.index_cast %get3A_422 : i32 to index
        %get3A_424 = arith.index_cast %scan3A_380 : i32 to index
        %get3A_425 = arith.constant 48 : index
        %get3A_426 = tpu.vector_load %arg6[%get3A_423, %get3A_424, %get3A_425] {strides = array<i32>} : memref<4x32x256xf32, #tpu.memory_space<vmem>>, vector<1x1x16xf32>,
        %get3A_427 = vector.shape_cast %get3A_426 : vector<1x1x16xf32> to vector<16xf32>
        %add3A_428 = arith.addf %get3A_427, %get3A_13 : vector<16xf32>
        %swap3A_429 = arith.constant 2 : i32
        %swap3A_430 = arith.index_cast %swap3A_429 : i32 to index
        %swap3A_431 = arith.index_cast %scan3A_380 : i32 to index
        %swap3A_432 = arith.constant 48 : index
        %swap3A_433 = tpu.vector_load %arg7[%swap3A_430, %swap3A_431, %swap3A_432] {strides = array<i32>} : memref<4x32x256xf32, #tpu.memory_space<vmem>>, vector<1x1x16xf32>,
        %swap3A_434 = vector.shape_cast %swap3A_433 : vector<1x1x16xf32> to vector<16xf32>
        %swap3A_435 = vector.shape_cast %add3A_428 : vector<16xf32> to vector<1x1x16xf32>
        tpu.vector_store %arg7[%swap3A_430, %swap3A_431, %swap3A_432], %swap3A_435 {strides = array<i32>} : memref<4x32x256xf32, #tpu.memory_space<vmem>>, vector<1x1x16xf32>,
        %get3A_436 = arith.constant 2 : i32
        %get3A_437 = arith.index_cast %get3A_436 : i32 to index
        %get3A_438 = arith.index_cast %scan3A_380 : i32 to index
        %get3A_439 = arith.constant 64 : index
        %get3A_440 = tpu.vector_load %arg6[%get3A_437, %get3A_438, %get3A_439] {strides = array<i32>} : memref<4x32x256xf32, #tpu.memory_space<vmem>>, vector<1x1x16xf32>,
        %get3A_441 = vector.shape_cast %get3A_440 : vector<1x1x16xf32> to vector<16xf32>
        %add3A_442 = arith.addf %get3A_441, %get3A_16 : vector<16xf32>
        %swap3A_443 = arith.constant 2 : i32
        %swap3A_444 = arith.index_cast %swap3A_443 : i32 to index
        %swap3A_445 = arith.index_cast %scan3A_380 : i32 to index
        %swap3A_446 = arith.constant 64 : index
        %swap3A_447 = tpu.vector_load %arg7[%swap3A_444, %swap3A_445, %swap3A_446] {strides = array<i32>} : memref<4x32x256xf32, #tpu.memory_space<vmem>>, vector<1x1x16xf32>,
        %swap3A_448 = vector.shape_cast %swap3A_447 : vector<1x1x16xf32> to vector<16xf32>
        %swap3A_449 = vector.shape_cast %add3A_442 : vector<16xf32> to vector<1x1x16xf32>
        tpu.vector_store %arg7[%swap3A_444, %swap3A_445, %swap3A_446], %swap3A_449 {strides = array<i32>} : memref<4x32x256xf32, #tpu.memory_space<vmem>>, vector<1x1x16xf32>,
        %get3A_450 = arith.constant 2 : i32
        %get3A_451 = arith.index_cast %get3A_450 : i32 to index
        %get3A_452 = arith.index_cast %scan3A_380 : i32 to index
        %get3A_453 = arith.constant 80 : index
        %get3A_454 = tpu.vector_load %arg6[%get3A_451, %get3A_452, %get3A_453] {strides = array<i32>} : memref<4x32x256xf32, #tpu.memory_space<vmem>>, vector<1x1x16xf32>,
        %get3A_455 = vector.shape_cast %get3A_454 : vector<1x1x16xf32> to vector<16xf32>
        %add3A_456 = arith.addf %get3A_455, %get3A_19 : vector<16xf32>
        %swap3A_457 = arith.constant 2 : i32
        %swap3A_458 = arith.index_cast %swap3A_457 : i32 to index
        %swap3A_459 = arith.index_cast %scan3A_380 : i32 to index
        %swap3A_460 = arith.constant 80 : index
        %swap3A_461 = tpu.vector_load %arg7[%swap3A_458, %swap3A_459, %swap3A_460] {strides = array<i32>} : memref<4x32x256xf32, #tpu.memory_space<vmem>>, vector<1x1x16xf32>,
        %swap3A_462 = vector.shape_cast %swap3A_461 : vector<1x1x16xf32> to vector<16xf32>
        %swap3A_463 = vector.shape_cast %add3A_456 : vector<16xf32> to vector<1x1x16xf32>
        tpu.vector_store %arg7[%swap3A_458, %swap3A_459, %swap3A_460], %swap3A_463 {strides = array<i32>} : memref<4x32x256xf32, #tpu.memory_space<vmem>>, vector<1x1x16xf32>,
        %get3A_464 = arith.constant 2 : i32
        %get3A_465 = arith.index_cast %get3A_464 : i32 to index
        %get3A_466 = arith.index_cast %scan3A_380 : i32 to index
        %get3A_467 = arith.constant 96 : index
        %get3A_468 = tpu.vector_load %arg6[%get3A_465, %get3A_466, %get3A_467] {strides = array<i32>} : memref<4x32x256xf32, #tpu.memory_space<vmem>>, vector<1x1x16xf32>,
        %get3A_469 = vector.shape_cast %get3A_468 : vector<1x1x16xf32> to vector<16xf32>
        %add3A_470 = arith.addf %get3A_469, %get3A_22 : vector<16xf32>
        %swap3A_471 = arith.constant 2 : i32
        %swap3A_472 = arith.index_cast %swap3A_471 : i32 to index
        %swap3A_473 = arith.index_cast %scan3A_380 : i32 to index
        %swap3A_474 = arith.constant 96 : index
        %swap3A_475 = tpu.vector_load %arg7[%swap3A_472, %swap3A_473, %swap3A_474] {strides = array<i32>} : memref<4x32x256xf32, #tpu.memory_space<vmem>>, vector<1x1x16xf32>,
        %swap3A_476 = vector.shape_cast %swap3A_475 : vector<1x1x16xf32> to vector<16xf32>
        %swap3A_477 = vector.shape_cast %add3A_470 : vector<16xf32> to vector<1x1x16xf32>
        tpu.vector_store %arg7[%swap3A_472, %swap3A_473, %swap3A_474], %swap3A_477 {strides = array<i32>} : memref<4x32x256xf32, #tpu.memory_space<vmem>>, vector<1x1x16xf32>,
        %get3A_478 = arith.constant 2 : i32
        %get3A_479 = arith.index_cast %get3A_478 : i32 to index
        %get3A_480 = arith.index_cast %scan3A_380 : i32 to index
        %get3A_481 = arith.constant 112 : index
        %get3A_482 = tpu.vector_load %arg6[%get3A_479, %get3A_480, %get3A_481] {strides = array<i32>} : memref<4x32x256xf32, #tpu.memory_space<vmem>>, vector<1x1x16xf32>,
        %get3A_483 = vector.shape_cast %get3A_482 : vector<1x1x16xf32> to vector<16xf32>
        %add3A_484 = arith.addf %get3A_483, %get3A_25 : vector<16xf32>
        %swap3A_485 = arith.constant 2 : i32
        %swap3A_486 = arith.index_cast %swap3A_485 : i32 to index
        %swap3A_487 = arith.index_cast %scan3A_380 : i32 to index
        %swap3A_488 = arith.constant 112 : index
        %swap3A_489 = tpu.vector_load %arg7[%swap3A_486, %swap3A_487, %swap3A_488] {strides = array<i32>} : memref<4x32x256xf32, #tpu.memory_space<vmem>>, vector<1x1x16xf32>,
        %swap3A_490 = vector.shape_cast %swap3A_489 : vector<1x1x16xf32> to vector<16xf32>
        %swap3A_491 = vector.shape_cast %add3A_484 : vector<16xf32> to vector<1x1x16xf32>
        tpu.vector_store %arg7[%swap3A_486, %swap3A_487, %swap3A_488], %swap3A_491 {strides = array<i32>} : memref<4x32x256xf32, #tpu.memory_space<vmem>>, vector<1x1x16xf32>,
        %get3A_492 = arith.constant 2 : i32
        %get3A_493 = arith.index_cast %get3A_492 : i32 to index
        %get3A_494 = arith.index_cast %scan3A_380 : i32 to index
        %get3A_495 = arith.constant 128 : index
        %get3A_496 = tpu.vector_load %arg6[%get3A_493, %get3A_494, %get3A_495] {strides = array<i32>} : memref<4x32x256xf32, #tpu.memory_space<vmem>>, vector<1x1x16xf32>,
        %get3A_497 = vector.shape_cast %get3A_496 : vector<1x1x16xf32> to vector<16xf32>
        %add3A_498 = arith.addf %get3A_497, %get3A_28 : vector<16xf32>
        %swap3A_499 = arith.constant 2 : i32
        %swap3A_500 = arith.index_cast %swap3A_499 : i32 to index
        %swap3A_501 = arith.index_cast %scan3A_380 : i32 to index
        %swap3A_502 = arith.constant 128 : index
        %swap3A_503 = tpu.vector_load %arg7[%swap3A_500, %swap3A_501, %swap3A_502] {strides = array<i32>} : memref<4x32x256xf32, #tpu.memory_space<vmem>>, vector<1x1x16xf32>,
        %swap3A_504 = vector.shape_cast %swap3A_503 : vector<1x1x16xf32> to vector<16xf32>
        %swap3A_505 = vector.shape_cast %add3A_498 : vector<16xf32> to vector<1x1x16xf32>
        tpu.vector_store %arg7[%swap3A_500, %swap3A_501, %swap3A_502], %swap3A_505 {strides = array<i32>} : memref<4x32x256xf32, #tpu.memory_space<vmem>>, vector<1x1x16xf32>,
        %get3A_506 = arith.constant 2 : i32
        %get3A_507 = arith.index_cast %get3A_506 : i32 to index
        %get3A_508 = arith.index_cast %scan3A_380 : i32 to index
        %get3A_509 = arith.constant 144 : index
        %get3A_510 = tpu.vector_load %arg6[%get3A_507, %get3A_508, %get3A_509] {strides = array<i32>} : memref<4x32x256xf32, #tpu.memory_space<vmem>>, vector<1x1x16xf32>,
        %get3A_511 = vector.shape_cast %get3A_510 : vector<1x1x16xf32> to vector<16xf32>
        %add3A_512 = arith.addf %get3A_511, %get3A_31 : vector<16xf32>
        %swap3A_513 = arith.constant 2 : i32
        %swap3A_514 = arith.index_cast %swap3A_513 : i32 to index
        %swap3A_515 = arith.index_cast %scan3A_380 : i32 to index
        %swap3A_516 = arith.constant 144 : index
        %swap3A_517 = tpu.vector_load %arg7[%swap3A_514, %swap3A_515, %swap3A_516] {strides = array<i32>} : memref<4x32x256xf32, #tpu.memory_space<vmem>>, vector<1x1x16xf32>,
        %swap3A_518 = vector.shape_cast %swap3A_517 : vector<1x1x16xf32> to vector<16xf32>
        %swap3A_519 = vector.shape_cast %add3A_512 : vector<16xf32> to vector<1x1x16xf32>
        tpu.vector_store %arg7[%swap3A_514, %swap3A_515, %swap3A_516], %swap3A_519 {strides = array<i32>} : memref<4x32x256xf32, #tpu.memory_space<vmem>>, vector<1x1x16xf32>,
        %get3A_520 = arith.constant 2 : i32
        %get3A_521 = arith.index_cast %get3A_520 : i32 to index
        %get3A_522 = arith.index_cast %scan3A_380 : i32 to index
        %get3A_523 = arith.constant 160 : index
        %get3A_524 = tpu.vector_load %arg6[%get3A_521, %get3A_522, %get3A_523] {strides = array<i32>} : memref<4x32x256xf32, #tpu.memory_space<vmem>>, vector<1x1x16xf32>,
        %get3A_525 = vector.shape_cast %get3A_524 : vector<1x1x16xf32> to vector<16xf32>
        %add3A_526 = arith.addf %get3A_525, %get3A_34 : vector<16xf32>
        %swap3A_527 = arith.constant 2 : i32
        %swap3A_528 = arith.index_cast %swap3A_527 : i32 to index
        %swap3A_529 = arith.index_cast %scan3A_380 : i32 to index
        %swap3A_530 = arith.constant 160 : index
        %swap3A_531 = tpu.vector_load %arg7[%swap3A_528, %swap3A_529, %swap3A_530] {strides = array<i32>} : memref<4x32x256xf32, #tpu.memory_space<vmem>>, vector<1x1x16xf32>,
        %swap3A_532 = vector.shape_cast %swap3A_531 : vector<1x1x16xf32> to vector<16xf32>
        %swap3A_533 = vector.shape_cast %add3A_526 : vector<16xf32> to vector<1x1x16xf32>
        tpu.vector_store %arg7[%swap3A_528, %swap3A_529, %swap3A_530], %swap3A_533 {strides = array<i32>} : memref<4x32x256xf32, #tpu.memory_space<vmem>>, vector<1x1x16xf32>,
        %get3A_534 = arith.constant 2 : i32
        %get3A_535 = arith.index_cast %get3A_534 : i32 to index
        %get3A_536 = arith.index_cast %scan3A_380 : i32 to index
        %get3A_537 = arith.constant 176 : index
        %get3A_538 = tpu.vector_load %arg6[%get3A_535, %get3A_536, %get3A_537] {strides = array<i32>} : memref<4x32x256xf32, #tpu.memory_space<vmem>>, vector<1x1x16xf32>,
        %get3A_539 = vector.shape_cast %get3A_538 : vector<1x1x16xf32> to vector<16xf32>
        %add3A_540 = arith.addf %get3A_539, %get3A_37 : vector<16xf32>
        %swap3A_541 = arith.constant 2 : i32
        %swap3A_542 = arith.index_cast %swap3A_541 : i32 to index
        %swap3A_543 = arith.index_cast %scan3A_380 : i32 to index
        %swap3A_544 = arith.constant 176 : index
        %swap3A_545 = tpu.vector_load %arg7[%swap3A_542, %swap3A_543, %swap3A_544] {strides = array<i32>} : memref<4x32x256xf32, #tpu.memory_space<vmem>>, vector<1x1x16xf32>,
        %swap3A_546 = vector.shape_cast %swap3A_545 : vector<1x1x16xf32> to vector<16xf32>
        %swap3A_547 = vector.shape_cast %add3A_540 : vector<16xf32> to vector<1x1x16xf32>
        tpu.vector_store %arg7[%swap3A_542, %swap3A_543, %swap3A_544], %swap3A_547 {strides = array<i32>} : memref<4x32x256xf32, #tpu.memory_space<vmem>>, vector<1x1x16xf32>,
        %get3A_548 = arith.constant 2 : i32
        %get3A_549 = arith.index_cast %get3A_548 : i32 to index
        %get3A_550 = arith.index_cast %scan3A_380 : i32 to index
        %get3A_551 = arith.constant 192 : index
        %get3A_552 = tpu.vector_load %arg6[%get3A_549, %get3A_550, %get3A_551] {strides = array<i32>} : memref<4x32x256xf32, #tpu.memory_space<vmem>>, vector<1x1x16xf32>,
        %get3A_553 = vector.shape_cast %get3A_552 : vector<1x1x16xf32> to vector<16xf32>
        %add3A_554 = arith.addf %get3A_553, %get3A_40 : vector<16xf32>
        %swap3A_555 = arith.constant 2 : i32
        %swap3A_556 = arith.index_cast %swap3A_555 : i32 to index
        %swap3A_557 = arith.index_cast %scan3A_380 : i32 to index
        %swap3A_558 = arith.constant 192 : index
        %swap3A_559 = tpu.vector_load %arg7[%swap3A_556, %swap3A_557, %swap3A_558] {strides = array<i32>} : memref<4x32x256xf32, #tpu.memory_space<vmem>>, vector<1x1x16xf32>,
        %swap3A_560 = vector.shape_cast %swap3A_559 : vector<1x1x16xf32> to vector<16xf32>
        %swap3A_561 = vector.shape_cast %add3A_554 : vector<16xf32> to vector<1x1x16xf32>
        tpu.vector_store %arg7[%swap3A_556, %swap3A_557, %swap3A_558], %swap3A_561 {strides = array<i32>} : memref<4x32x256xf32, #tpu.memory_space<vmem>>, vector<1x1x16xf32>,
        %get3A_562 = arith.constant 2 : i32
        %get3A_563 = arith.index_cast %get3A_562 : i32 to index
        %get3A_564 = arith.index_cast %scan3A_380 : i32 to index
        %get3A_565 = arith.constant 208 : index
        %get3A_566 = tpu.vector_load %arg6[%get3A_563, %get3A_564, %get3A_565] {strides = array<i32>} : memref<4x32x256xf32, #tpu.memory_space<vmem>>, vector<1x1x16xf32>,
        %get3A_567 = vector.shape_cast %get3A_566 : vector<1x1x16xf32> to vector<16xf32>
        %add3A_568 = arith.addf %get3A_567, %get3A_43 : vector<16xf32>
        %swap3A_569 = arith.constant 2 : i32
        %swap3A_570 = arith.index_cast %swap3A_569 : i32 to index
        %swap3A_571 = arith.index_cast %scan3A_380 : i32 to index
        %swap3A_572 = arith.constant 208 : index
        %swap3A_573 = tpu.vector_load %arg7[%swap3A_570, %swap3A_571, %swap3A_572] {strides = array<i32>} : memref<4x32x256xf32, #tpu.memory_space<vmem>>, vector<1x1x16xf32>,
        %swap3A_574 = vector.shape_cast %swap3A_573 : vector<1x1x16xf32> to vector<16xf32>
        %swap3A_575 = vector.shape_cast %add3A_568 : vector<16xf32> to vector<1x1x16xf32>
        tpu.vector_store %arg7[%swap3A_570, %swap3A_571, %swap3A_572], %swap3A_575 {strides = array<i32>} : memref<4x32x256xf32, #tpu.memory_space<vmem>>, vector<1x1x16xf32>,
        %get3A_576 = arith.constant 2 : i32
        %get3A_577 = arith.index_cast %get3A_576 : i32 to index
        %get3A_578 = arith.index_cast %scan3A_380 : i32 to index
        %get3A_579 = arith.constant 224 : index
        %get3A_580 = tpu.vector_load %arg6[%get3A_577, %get3A_578, %get3A_579] {strides = array<i32>} : memref<4x32x256xf32, #tpu.memory_space<vmem>>, vector<1x1x16xf32>,
        %get3A_581 = vector.shape_cast %get3A_580 : vector<1x1x16xf32> to vector<16xf32>
        %add3A_582 = arith.addf %get3A_581, %get3A_46 : vector<16xf32>
        %swap3A_583 = arith.constant 2 : i32
        %swap3A_584 = arith.index_cast %swap3A_583 : i32 to index
        %swap3A_585 = arith.index_cast %scan3A_380 : i32 to index
        %swap3A_586 = arith.constant 224 : index
        %swap3A_587 = tpu.vector_load %arg7[%swap3A_584, %swap3A_585, %swap3A_586] {strides = array<i32>} : memref<4x32x256xf32, #tpu.memory_space<vmem>>, vector<1x1x16xf32>,
        %swap3A_588 = vector.shape_cast %swap3A_587 : vector<1x1x16xf32> to vector<16xf32>
        %swap3A_589 = vector.shape_cast %add3A_582 : vector<16xf32> to vector<1x1x16xf32>
        tpu.vector_store %arg7[%swap3A_584, %swap3A_585, %swap3A_586], %swap3A_589 {strides = array<i32>} : memref<4x32x256xf32, #tpu.memory_space<vmem>>, vector<1x1x16xf32>,
        %get3A_590 = arith.constant 2 : i32
        %get3A_591 = arith.index_cast %get3A_590 : i32 to index
        %get3A_592 = arith.index_cast %scan3A_380 : i32 to index
        %get3A_593 = arith.constant 240 : index
        %get3A_594 = tpu.vector_load %arg6[%get3A_591, %get3A_592, %get3A_593] {strides = array<i32>} : memref<4x32x256xf32, #tpu.memory_space<vmem>>, vector<1x1x16xf32>,
        %get3A_595 = vector.shape_cast %get3A_594 : vector<1x1x16xf32> to vector<16xf32>
        %add3A_596 = arith.addf %get3A_595, %get3A_49 : vector<16xf32>
        %swap3A_597 = arith.constant 2 : i32
        %swap3A_598 = arith.index_cast %swap3A_597 : i32 to index
        %swap3A_599 = arith.index_cast %scan3A_380 : i32 to index
        %swap3A_600 = arith.constant 240 : index
        %swap3A_601 = tpu.vector_load %arg7[%swap3A_598, %swap3A_599, %swap3A_600] {strides = array<i32>} : memref<4x32x256xf32, #tpu.memory_space<vmem>>, vector<1x1x16xf32>,
        %swap3A_602 = vector.shape_cast %swap3A_601 : vector<1x1x16xf32> to vector<16xf32>
        %swap3A_603 = vector.shape_cast %add3A_596 : vector<16xf32> to vector<1x1x16xf32>
        tpu.vector_store %arg7[%swap3A_598, %swap3A_599, %swap3A_600], %swap3A_603 {strides = array<i32>} : memref<4x32x256xf32, #tpu.memory_space<vmem>>, vector<1x1x16xf32>,
        %scan3A_604 = arith.constant 1 : i32
        %scan3A_605 = arith.addi %scan3A_380, %scan3A_604 : i32
        %get3A_606 = arith.constant 2 : i32
        %get3A_607 = arith.index_cast %get3A_606 : i32 to index
        %get3A_608 = arith.index_cast %scan3A_605 : i32 to index
        %get3A_609 = arith.constant 0 : index
        %get3A_610 = tpu.vector_load %arg6[%get3A_607, %get3A_608, %get3A_609] {strides = array<i32>} : memref<4x32x256xf32, #tpu.memory_space<vmem>>, vector<1x1x16xf32>,
        %get3A_611 = vector.shape_cast %get3A_610 : vector<1x1x16xf32> to vector<16xf32>
        %add3A_612 = arith.addf %get3A_611, %get3A_4 : vector<16xf32>
        %swap3A_613 = arith.constant 2 : i32
        %swap3A_614 = arith.index_cast %swap3A_613 : i32 to index
        %swap3A_615 = arith.index_cast %scan3A_605 : i32 to index
        %swap3A_616 = arith.constant 0 : index
        %swap3A_617 = tpu.vector_load %arg7[%swap3A_614, %swap3A_615, %swap3A_616] {strides = array<i32>} : memref<4x32x256xf32, #tpu.memory_space<vmem>>, vector<1x1x16xf32>,
        %swap3A_618 = vector.shape_cast %swap3A_617 : vector<1x1x16xf32> to vector<16xf32>
        %swap3A_619 = vector.shape_cast %add3A_612 : vector<16xf32> to vector<1x1x16xf32>
        tpu.vector_store %arg7[%swap3A_614, %swap3A_615, %swap3A_616], %swap3A_619 {strides = array<i32>} : memref<4x32x256xf32, #tpu.memory_space<vmem>>, vector<1x1x16xf32>,
        %get3A_620 = arith.constant 2 : i32
        %get3A_621 = arith.index_cast %get3A_620 : i32 to index
        %get3A_622 = arith.index_cast %scan3A_605 : i32 to index
        %get3A_623 = arith.constant 16 : index
        %get3A_624 = tpu.vector_load %arg6[%get3A_621, %get3A_622, %get3A_623] {strides = array<i32>} : memref<4x32x256xf32, #tpu.memory_space<vmem>>, vector<1x1x16xf32>,
        %get3A_625 = vector.shape_cast %get3A_624 : vector<1x1x16xf32> to vector<16xf32>
        %add3A_626 = arith.addf %get3A_625, %get3A_7 : vector<16xf32>
        %swap3A_627 = arith.constant 2 : i32
        %swap3A_628 = arith.index_cast %swap3A_627 : i32 to index
        %swap3A_629 = arith.index_cast %scan3A_605 : i32 to index
        %swap3A_630 = arith.constant 16 : index
        %swap3A_631 = tpu.vector_load %arg7[%swap3A_628, %swap3A_629, %swap3A_630] {strides = array<i32>} : memref<4x32x256xf32, #tpu.memory_space<vmem>>, vector<1x1x16xf32>,
        %swap3A_632 = vector.shape_cast %swap3A_631 : vector<1x1x16xf32> to vector<16xf32>
        %swap3A_633 = vector.shape_cast %add3A_626 : vector<16xf32> to vector<1x1x16xf32>
        tpu.vector_store %arg7[%swap3A_628, %swap3A_629, %swap3A_630], %swap3A_633 {strides = array<i32>} : memref<4x32x256xf32, #tpu.memory_space<vmem>>, vector<1x1x16xf32>,
        %get3A_634 = arith.constant 2 : i32
        %get3A_635 = arith.index_cast %get3A_634 : i32 to index
        %get3A_636 = arith.index_cast %scan3A_605 : i32 to index
        %get3A_637 = arith.constant 32 : index
        %get3A_638 = tpu.vector_load %arg6[%get3A_635, %get3A_636, %get3A_637] {strides = array<i32>} : memref<4x32x256xf32, #tpu.memory_space<vmem>>, vector<1x1x16xf32>,
        %get3A_639 = vector.shape_cast %get3A_638 : vector<1x1x16xf32> to vector<16xf32>
        %add3A_640 = arith.addf %get3A_639, %get3A_10 : vector<16xf32>
        %swap3A_641 = arith.constant 2 : i32
        %swap3A_642 = arith.index_cast %swap3A_641 : i32 to index
        %swap3A_643 = arith.index_cast %scan3A_605 : i32 to index
        %swap3A_644 = arith.constant 32 : index
        %swap3A_645 = tpu.vector_load %arg7[%swap3A_642, %swap3A_643, %swap3A_644] {strides = array<i32>} : memref<4x32x256xf32, #tpu.memory_space<vmem>>, vector<1x1x16xf32>,
        %swap3A_646 = vector.shape_cast %swap3A_645 : vector<1x1x16xf32> to vector<16xf32>
        %swap3A_647 = vector.shape_cast %add3A_640 : vector<16xf32> to vector<1x1x16xf32>
        tpu.vector_store %arg7[%swap3A_642, %swap3A_643, %swap3A_644], %swap3A_647 {strides = array<i32>} : memref<4x32x256xf32, #tpu.memory_space<vmem>>, vector<1x1x16xf32>,
        %get3A_648 = arith.constant 2 : i32
        %get3A_649 = arith.index_cast %get3A_648 : i32 to index
        %get3A_650 = arith.index_cast %scan3A_605 : i32 to index
        %get3A_651 = arith.constant 48 : index
        %get3A_652 = tpu.vector_load %arg6[%get3A_649, %get3A_650, %get3A_651] {strides = array<i32>} : memref<4x32x256xf32, #tpu.memory_space<vmem>>, vector<1x1x16xf32>,
        %get3A_653 = vector.shape_cast %get3A_652 : vector<1x1x16xf32> to vector<16xf32>
        %add3A_654 = arith.addf %get3A_653, %get3A_13 : vector<16xf32>
        %swap3A_655 = arith.constant 2 : i32
        %swap3A_656 = arith.index_cast %swap3A_655 : i32 to index
        %swap3A_657 = arith.index_cast %scan3A_605 : i32 to index
        %swap3A_658 = arith.constant 48 : index
        %swap3A_659 = tpu.vector_load %arg7[%swap3A_656, %swap3A_657, %swap3A_658] {strides = array<i32>} : memref<4x32x256xf32, #tpu.memory_space<vmem>>, vector<1x1x16xf32>,
        %swap3A_660 = vector.shape_cast %swap3A_659 : vector<1x1x16xf32> to vector<16xf32>
        %swap3A_661 = vector.shape_cast %add3A_654 : vector<16xf32> to vector<1x1x16xf32>
        tpu.vector_store %arg7[%swap3A_656, %swap3A_657, %swap3A_658], %swap3A_661 {strides = array<i32>} : memref<4x32x256xf32, #tpu.memory_space<vmem>>, vector<1x1x16xf32>,
        %get3A_662 = arith.constant 2 : i32
        %get3A_663 = arith.index_cast %get3A_662 : i32 to index
        %get3A_664 = arith.index_cast %scan3A_605 : i32 to index
        %get3A_665 = arith.constant 64 : index
        %get3A_666 = tpu.vector_load %arg6[%get3A_663, %get3A_664, %get3A_665] {strides = array<i32>} : memref<4x32x256xf32, #tpu.memory_space<vmem>>, vector<1x1x16xf32>,
        %get3A_667 = vector.shape_cast %get3A_666 : vector<1x1x16xf32> to vector<16xf32>
        %add3A_668 = arith.addf %get3A_667, %get3A_16 : vector<16xf32>
        %swap3A_669 = arith.constant 2 : i32
        %swap3A_670 = arith.index_cast %swap3A_669 : i32 to index
        %swap3A_671 = arith.index_cast %scan3A_605 : i32 to index
        %swap3A_672 = arith.constant 64 : index
        %swap3A_673 = tpu.vector_load %arg7[%swap3A_670, %swap3A_671, %swap3A_672] {strides = array<i32>} : memref<4x32x256xf32, #tpu.memory_space<vmem>>, vector<1x1x16xf32>,
        %swap3A_674 = vector.shape_cast %swap3A_673 : vector<1x1x16xf32> to vector<16xf32>
        %swap3A_675 = vector.shape_cast %add3A_668 : vector<16xf32> to vector<1x1x16xf32>
        tpu.vector_store %arg7[%swap3A_670, %swap3A_671, %swap3A_672], %swap3A_675 {strides = array<i32>} : memref<4x32x256xf32, #tpu.memory_space<vmem>>, vector<1x1x16xf32>,
        %get3A_676 = arith.constant 2 : i32
        %get3A_677 = arith.index_cast %get3A_676 : i32 to index
        %get3A_678 = arith.index_cast %scan3A_605 : i32 to index
        %get3A_679 = arith.constant 80 : index
        %get3A_680 = tpu.vector_load %arg6[%get3A_677, %get3A_678, %get3A_679] {strides = array<i32>} : memref<4x32x256xf32, #tpu.memory_space<vmem>>, vector<1x1x16xf32>,
        %get3A_681 = vector.shape_cast %get3A_680 : vector<1x1x16xf32> to vector<16xf32>
        %add3A_682 = arith.addf %get3A_681, %get3A_19 : vector<16xf32>
        %swap3A_683 = arith.constant 2 : i32
        %swap3A_684 = arith.index_cast %swap3A_683 : i32 to index
        %swap3A_685 = arith.index_cast %scan3A_605 : i32 to index
        %swap3A_686 = arith.constant 80 : index
        %swap3A_687 = tpu.vector_load %arg7[%swap3A_684, %swap3A_685, %swap3A_686] {strides = array<i32>} : memref<4x32x256xf32, #tpu.memory_space<vmem>>, vector<1x1x16xf32>,
        %swap3A_688 = vector.shape_cast %swap3A_687 : vector<1x1x16xf32> to vector<16xf32>
        %swap3A_689 = vector.shape_cast %add3A_682 : vector<16xf32> to vector<1x1x16xf32>
        tpu.vector_store %arg7[%swap3A_684, %swap3A_685, %swap3A_686], %swap3A_689 {strides = array<i32>} : memref<4x32x256xf32, #tpu.memory_space<vmem>>, vector<1x1x16xf32>,
        %get3A_690 = arith.constant 2 : i32
        %get3A_691 = arith.index_cast %get3A_690 : i32 to index
        %get3A_692 = arith.index_cast %scan3A_605 : i32 to index
        %get3A_693 = arith.constant 96 : index
        %get3A_694 = tpu.vector_load %arg6[%get3A_691, %get3A_692, %get3A_693] {strides = array<i32>} : memref<4x32x256xf32, #tpu.memory_space<vmem>>, vector<1x1x16xf32>,
        %get3A_695 = vector.shape_cast %get3A_694 : vector<1x1x16xf32> to vector<16xf32>
        %add3A_696 = arith.addf %get3A_695, %get3A_22 : vector<16xf32>
        %swap3A_697 = arith.constant 2 : i32
        %swap3A_698 = arith.index_cast %swap3A_697 : i32 to index
        %swap3A_699 = arith.index_cast %scan3A_605 : i32 to index
        %swap3A_700 = arith.constant 96 : index
        %swap3A_701 = tpu.vector_load %arg7[%swap3A_698, %swap3A_699, %swap3A_700] {strides = array<i32>} : memref<4x32x256xf32, #tpu.memory_space<vmem>>, vector<1x1x16xf32>,
        %swap3A_702 = vector.shape_cast %swap3A_701 : vector<1x1x16xf32> to vector<16xf32>
        %swap3A_703 = vector.shape_cast %add3A_696 : vector<16xf32> to vector<1x1x16xf32>
        tpu.vector_store %arg7[%swap3A_698, %swap3A_699, %swap3A_700], %swap3A_703 {strides = array<i32>} : memref<4x32x256xf32, #tpu.memory_space<vmem>>, vector<1x1x16xf32>,
        %get3A_704 = arith.constant 2 : i32
        %get3A_705 = arith.index_cast %get3A_704 : i32 to index
        %get3A_706 = arith.index_cast %scan3A_605 : i32 to index
        %get3A_707 = arith.constant 112 : index
        %get3A_708 = tpu.vector_load %arg6[%get3A_705, %get3A_706, %get3A_707] {strides = array<i32>} : memref<4x32x256xf32, #tpu.memory_space<vmem>>, vector<1x1x16xf32>,
        %get3A_709 = vector.shape_cast %get3A_708 : vector<1x1x16xf32> to vector<16xf32>
        %add3A_710 = arith.addf %get3A_709, %get3A_25 : vector<16xf32>
        %swap3A_711 = arith.constant 2 : i32
        %swap3A_712 = arith.index_cast %swap3A_711 : i32 to index
        %swap3A_713 = arith.index_cast %scan3A_605 : i32 to index
        %swap3A_714 = arith.constant 112 : index
        %swap3A_715 = tpu.vector_load %arg7[%swap3A_712, %swap3A_713, %swap3A_714] {strides = array<i32>} : memref<4x32x256xf32, #tpu.memory_space<vmem>>, vector<1x1x16xf32>,
        %swap3A_716 = vector.shape_cast %swap3A_715 : vector<1x1x16xf32> to vector<16xf32>
        %swap3A_717 = vector.shape_cast %add3A_710 : vector<16xf32> to vector<1x1x16xf32>
        tpu.vector_store %arg7[%swap3A_712, %swap3A_713, %swap3A_714], %swap3A_717 {strides = array<i32>} : memref<4x32x256xf32, #tpu.memory_space<vmem>>, vector<1x1x16xf32>,
        %get3A_718 = arith.constant 2 : i32
        %get3A_719 = arith.index_cast %get3A_718 : i32 to index
        %get3A_720 = arith.index_cast %scan3A_605 : i32 to index
        %get3A_721 = arith.constant 128 : index
        %get3A_722 = tpu.vector_load %arg6[%get3A_719, %get3A_720, %get3A_721] {strides = array<i32>} : memref<4x32x256xf32, #tpu.memory_space<vmem>>, vector<1x1x16xf32>,
        %get3A_723 = vector.shape_cast %get3A_722 : vector<1x1x16xf32> to vector<16xf32>
        %add3A_724 = arith.addf %get3A_723, %get3A_28 : vector<16xf32>
        %swap3A_725 = arith.constant 2 : i32
        %swap3A_726 = arith.index_cast %swap3A_725 : i32 to index
        %swap3A_727 = arith.index_cast %scan3A_605 : i32 to index
        %swap3A_728 = arith.constant 128 : index
        %swap3A_729 = tpu.vector_load %arg7[%swap3A_726, %swap3A_727, %swap3A_728] {strides = array<i32>} : memref<4x32x256xf32, #tpu.memory_space<vmem>>, vector<1x1x16xf32>,
        %swap3A_730 = vector.shape_cast %swap3A_729 : vector<1x1x16xf32> to vector<16xf32>
        %swap3A_731 = vector.shape_cast %add3A_724 : vector<16xf32> to vector<1x1x16xf32>
        tpu.vector_store %arg7[%swap3A_726, %swap3A_727, %swap3A_728], %swap3A_731 {strides = array<i32>} : memref<4x32x256xf32, #tpu.memory_space<vmem>>, vector<1x1x16xf32>,
        %get3A_732 = arith.constant 2 : i32
        %get3A_733 = arith.index_cast %get3A_732 : i32 to index
        %get3A_734 = arith.index_cast %scan3A_605 : i32 to index
        %get3A_735 = arith.constant 144 : index
        %get3A_736 = tpu.vector_load %arg6[%get3A_733, %get3A_734, %get3A_735] {strides = array<i32>} : memref<4x32x256xf32, #tpu.memory_space<vmem>>, vector<1x1x16xf32>,
        %get3A_737 = vector.shape_cast %get3A_736 : vector<1x1x16xf32> to vector<16xf32>
        %add3A_738 = arith.addf %get3A_737, %get3A_31 : vector<16xf32>
        %swap3A_739 = arith.constant 2 : i32
        %swap3A_740 = arith.index_cast %swap3A_739 : i32 to index
        %swap3A_741 = arith.index_cast %scan3A_605 : i32 to index
        %swap3A_742 = arith.constant 144 : index
        %swap3A_743 = tpu.vector_load %arg7[%swap3A_740, %swap3A_741, %swap3A_742] {strides = array<i32>} : memref<4x32x256xf32, #tpu.memory_space<vmem>>, vector<1x1x16xf32>,
        %swap3A_744 = vector.shape_cast %swap3A_743 : vector<1x1x16xf32> to vector<16xf32>
        %swap3A_745 = vector.shape_cast %add3A_738 : vector<16xf32> to vector<1x1x16xf32>
        tpu.vector_store %arg7[%swap3A_740, %swap3A_741, %swap3A_742], %swap3A_745 {strides = array<i32>} : memref<4x32x256xf32, #tpu.memory_space<vmem>>, vector<1x1x16xf32>,
        %get3A_746 = arith.constant 2 : i32
        %get3A_747 = arith.index_cast %get3A_746 : i32 to index
        %get3A_748 = arith.index_cast %scan3A_605 : i32 to index
        %get3A_749 = arith.constant 160 : index
        %get3A_750 = tpu.vector_load %arg6[%get3A_747, %get3A_748, %get3A_749] {strides = array<i32>} : memref<4x32x256xf32, #tpu.memory_space<vmem>>, vector<1x1x16xf32>,
        %get3A_751 = vector.shape_cast %get3A_750 : vector<1x1x16xf32> to vector<16xf32>
        %add3A_752 = arith.addf %get3A_751, %get3A_34 : vector<16xf32>
        %swap3A_753 = arith.constant 2 : i32
        %swap3A_754 = arith.index_cast %swap3A_753 : i32 to index
        %swap3A_755 = arith.index_cast %scan3A_605 : i32 to index
        %swap3A_756 = arith.constant 160 : index
        %swap3A_757 = tpu.vector_load %arg7[%swap3A_754, %swap3A_755, %swap3A_756] {strides = array<i32>} : memref<4x32x256xf32, #tpu.memory_space<vmem>>, vector<1x1x16xf32>,
        %swap3A_758 = vector.shape_cast %swap3A_757 : vector<1x1x16xf32> to vector<16xf32>
        %swap3A_759 = vector.shape_cast %add3A_752 : vector<16xf32> to vector<1x1x16xf32>
        tpu.vector_store %arg7[%swap3A_754, %swap3A_755, %swap3A_756], %swap3A_759 {strides = array<i32>} : memref<4x32x256xf32, #tpu.memory_space<vmem>>, vector<1x1x16xf32>,
        %get3A_760 = arith.constant 2 : i32
        %get3A_761 = arith.index_cast %get3A_760 : i32 to index
        %get3A_762 = arith.index_cast %scan3A_605 : i32 to index
        %get3A_763 = arith.constant 176 : index
        %get3A_764 = tpu.vector_load %arg6[%get3A_761, %get3A_762, %get3A_763] {strides = array<i32>} : memref<4x32x256xf32, #tpu.memory_space<vmem>>, vector<1x1x16xf32>,
        %get3A_765 = vector.shape_cast %get3A_764 : vector<1x1x16xf32> to vector<16xf32>
        %add3A_766 = arith.addf %get3A_765, %get3A_37 : vector<16xf32>
        %swap3A_767 = arith.constant 2 : i32
        %swap3A_768 = arith.index_cast %swap3A_767 : i32 to index
        %swap3A_769 = arith.index_cast %scan3A_605 : i32 to index
        %swap3A_770 = arith.constant 176 : index
        %swap3A_771 = tpu.vector_load %arg7[%swap3A_768, %swap3A_769, %swap3A_770] {strides = array<i32>} : memref<4x32x256xf32, #tpu.memory_space<vmem>>, vector<1x1x16xf32>,
        %swap3A_772 = vector.shape_cast %swap3A_771 : vector<1x1x16xf32> to vector<16xf32>
        %swap3A_773 = vector.shape_cast %add3A_766 : vector<16xf32> to vector<1x1x16xf32>
        tpu.vector_store %arg7[%swap3A_768, %swap3A_769, %swap3A_770], %swap3A_773 {strides = array<i32>} : memref<4x32x256xf32, #tpu.memory_space<vmem>>, vector<1x1x16xf32>,
        %get3A_774 = arith.constant 2 : i32
        %get3A_775 = arith.index_cast %get3A_774 : i32 to index
        %get3A_776 = arith.index_cast %scan3A_605 : i32 to index
        %get3A_777 = arith.constant 192 : index
        %get3A_778 = tpu.vector_load %arg6[%get3A_775, %get3A_776, %get3A_777] {strides = array<i32>} : memref<4x32x256xf32, #tpu.memory_space<vmem>>, vector<1x1x16xf32>,
        %get3A_779 = vector.shape_cast %get3A_778 : vector<1x1x16xf32> to vector<16xf32>
        %add3A_780 = arith.addf %get3A_779, %get3A_40 : vector<16xf32>
        %swap3A_781 = arith.constant 2 : i32
        %swap3A_782 = arith.index_cast %swap3A_781 : i32 to index
        %swap3A_783 = arith.index_cast %scan3A_605 : i32 to index
        %swap3A_784 = arith.constant 192 : index
        %swap3A_785 = tpu.vector_load %arg7[%swap3A_782, %swap3A_783, %swap3A_784] {strides = array<i32>} : memref<4x32x256xf32, #tpu.memory_space<vmem>>, vector<1x1x16xf32>,
        %swap3A_786 = vector.shape_cast %swap3A_785 : vector<1x1x16xf32> to vector<16xf32>
        %swap3A_787 = vector.shape_cast %add3A_780 : vector<16xf32> to vector<1x1x16xf32>
        tpu.vector_store %arg7[%swap3A_782, %swap3A_783, %swap3A_784], %swap3A_787 {strides = array<i32>} : memref<4x32x256xf32, #tpu.memory_space<vmem>>, vector<1x1x16xf32>,
        %get3A_788 = arith.constant 2 : i32
        %get3A_789 = arith.index_cast %get3A_788 : i32 to index
        %get3A_790 = arith.index_cast %scan3A_605 : i32 to index
        %get3A_791 = arith.constant 208 : index
        %get3A_792 = tpu.vector_load %arg6[%get3A_789, %get3A_790, %get3A_791] {strides = array<i32>} : memref<4x32x256xf32, #tpu.memory_space<vmem>>, vector<1x1x16xf32>,
        %get3A_793 = vector.shape_cast %get3A_792 : vector<1x1x16xf32> to vector<16xf32>
        %add3A_794 = arith.addf %get3A_793, %get3A_43 : vector<16xf32>
        %swap3A_795 = arith.constant 2 : i32
        %swap3A_796 = arith.index_cast %swap3A_795 : i32 to index
        %swap3A_797 = arith.index_cast %scan3A_605 : i32 to index
        %swap3A_798 = arith.constant 208 : index
        %swap3A_799 = tpu.vector_load %arg7[%swap3A_796, %swap3A_797, %swap3A_798] {strides = array<i32>} : memref<4x32x256xf32, #tpu.memory_space<vmem>>, vector<1x1x16xf32>,
        %swap3A_800 = vector.shape_cast %swap3A_799 : vector<1x1x16xf32> to vector<16xf32>
        %swap3A_801 = vector.shape_cast %add3A_794 : vector<16xf32> to vector<1x1x16xf32>
        tpu.vector_store %arg7[%swap3A_796, %swap3A_797, %swap3A_798], %swap3A_801 {strides = array<i32>} : memref<4x32x256xf32, #tpu.memory_space<vmem>>, vector<1x1x16xf32>,
        %get3A_802 = arith.constant 2 : i32
        %get3A_803 = arith.index_cast %get3A_802 : i32 to index
        %get3A_804 = arith.index_cast %scan3A_605 : i32 to index
        %get3A_805 = arith.constant 224 : index
        %get3A_806 = tpu.vector_load %arg6[%get3A_803, %get3A_804, %get3A_805] {strides = array<i32>} : memref<4x32x256xf32, #tpu.memory_space<vmem>>, vector<1x1x16xf32>,
        %get3A_807 = vector.shape_cast %get3A_806 : vector<1x1x16xf32> to vector<16xf32>
        %add3A_808 = arith.addf %get3A_807, %get3A_46 : vector<16xf32>
        %swap3A_809 = arith.constant 2 : i32
        %swap3A_810 = arith.index_cast %swap3A_809 : i32 to index
        %swap3A_811 = arith.index_cast %scan3A_605 : i32 to index
        %swap3A_812 = arith.constant 224 : index
        %swap3A_813 = tpu.vector_load %arg7[%swap3A_810, %swap3A_811, %swap3A_812] {strides = array<i32>} : memref<4x32x256xf32, #tpu.memory_space<vmem>>, vector<1x1x16xf32>,
        %swap3A_814 = vector.shape_cast %swap3A_813 : vector<1x1x16xf32> to vector<16xf32>
        %swap3A_815 = vector.shape_cast %add3A_808 : vector<16xf32> to vector<1x1x16xf32>
        tpu.vector_store %arg7[%swap3A_810, %swap3A_811, %swap3A_812], %swap3A_815 {strides = array<i32>} : memref<4x32x256xf32, #tpu.memory_space<vmem>>, vector<1x1x16xf32>,
        %get3A_816 = arith.constant 2 : i32
        %get3A_817 = arith.index_cast %get3A_816 : i32 to index
        %get3A_818 = arith.index_cast %scan3A_605 : i32 to index
        %get3A_819 = arith.constant 240 : index
        %get3A_820 = tpu.vector_load %arg6[%get3A_817, %get3A_818, %get3A_819] {strides = array<i32>} : memref<4x32x256xf32, #tpu.memory_space<vmem>>, vector<1x1x16xf32>,
        %get3A_821 = vector.shape_cast %get3A_820 : vector<1x1x16xf32> to vector<16xf32>
        %add3A_822 = arith.addf %get3A_821, %get3A_49 : vector<16xf32>
        %swap3A_823 = arith.constant 2 : i32
        %swap3A_824 = arith.index_cast %swap3A_823 : i32 to index
        %swap3A_825 = arith.index_cast %scan3A_605 : i32 to index
        %swap3A_826 = arith.constant 240 : index
        %swap3A_827 = tpu.vector_load %arg7[%swap3A_824, %swap3A_825, %swap3A_826] {strides = array<i32>} : memref<4x32x256xf32, #tpu.memory_space<vmem>>, vector<1x1x16xf32>,
        %swap3A_828 = vector.shape_cast %swap3A_827 : vector<1x1x16xf32> to vector<16xf32>
        %swap3A_829 = vector.shape_cast %add3A_822 : vector<16xf32> to vector<1x1x16xf32>
        tpu.vector_store %arg7[%swap3A_824, %swap3A_825, %swap3A_826], %swap3A_829 {strides = array<i32>} : memref<4x32x256xf32, #tpu.memory_space<vmem>>, vector<1x1x16xf32>,
      }
      %scan3A_304 = arith.constant 32 : i32
      %mul3A_305 = arith.constant 32 : i32
      %mul3A_306 = arith.muli %add3A_277, %mul3A_305 : i32
      %add3A_307 = arith.addi %mul3A_2, %mul3A_306 : i32
      %dma_start3A_308 = arith.constant 2 : i32
      %dma_start3A_309 = arith.constant 0 : i32
      %dma_start3A_310 = arith.constant 0 : i32
      %dma_start3A_311 = tpu.memref_slice %arg7[%dma_start3A_308, %dma_start3A_309, %dma_start3A_310] : memref<4x32x256xf32, #tpu.memory_space<vmem>> -> memref<1x32x256xf32, #tpu.memory_space<vmem>>
      %dma_start3A_312 = tpu.memref_squeeze %dma_start3A_311 : memref<1x32x256xf32, #tpu.memory_space<vmem>> -> memref<32x256xf32, #tpu.memory_space<vmem>>
      %dma_start3A_313 = arith.constant 0 : i32
      %dma_start3A_314 = tpu.memref_slice %arg4[%add3A_307, %dma_start3A_313] : memref<65536x256xf32, #tpu.memory_space<hbm>> -> memref<32x256xf32, #tpu.memory_space<hbm>>
      %dma_start3A_315 = arith.constant 0 : i32
      %dma_start3A_316 = tpu.memref_slice %arg4[%add3A_307, %dma_start3A_315] : memref<65536x256xf32, #tpu.memory_space<hbm>> -> memref<32x256xf32, #tpu.memory_space<hbm>>
      %dma_start3A_317 = arith.constant 0 : i32
      %dma_start3A_318 = arith.constant 0 : i32
      %dma_start3A_319 = tpu.memref_slice %arg7[%dma_start3A_308, %dma_start3A_317, %dma_start3A_318] : memref<4x32x256xf32, #tpu.memory_space<vmem>> -> memref<1x32x256xf32, #tpu.memory_space<vmem>>
      %dma_start3A_320 = tpu.memref_squeeze %dma_start3A_319 : memref<1x32x256xf32, #tpu.memory_space<vmem>> -> memref<32x256xf32, #tpu.memory_space<vmem>>
      tpu.enqueue_dma source(%dma_start3A_320 : memref<32x256xf32, #tpu.memory_space<vmem>>) target(%dma_start3A_316 : memref<32x256xf32, #tpu.memory_space<hbm>>) target_semaphore(%arg14 : memref<!tpu.dma_semaphore, #tpu.memory_space<semaphore_mem>>)
      %add3A_321 = arith.constant 4 : i32
      %add3A_322 = arith.addi %add3A_277, %add3A_321 : i32
      %lt3A_323 = arith.constant 64 : i32
      %lt3A_324 = arith.cmpi slt, %add3A_322, %lt3A_323 : i32
      %convert_element_type3A_325 = arith.extui %lt3A_324 : i1 to i32
      %cond3A_326 = arith.constant 0 : i32
      %cond3A_327 = arith.cmpi ne, %convert_element_type3A_325, %cond3A_326 : i32
      scf.if %cond3A_327 {
        %add3A_380 = arith.constant 4 : i32
        %add3A_381 = arith.addi %add3A_277, %add3A_380 : i32
        %mul3A_382 = arith.constant 32 : i32
        %mul3A_383 = arith.muli %add3A_381, %mul3A_382 : i32
        %add3A_384 = arith.addi %mul3A_2, %mul3A_383 : i32
        %dma_start3A_385 = arith.constant 2 : i32
        %dma_start3A_386 = arith.constant 0 : i32
        %dma_start3A_387 = arith.constant 0 : i32
        %dma_start3A_388 = tpu.memref_slice %arg6[%dma_start3A_385, %dma_start3A_386, %dma_start3A_387] : memref<4x32x256xf32, #tpu.memory_space<vmem>> -> memref<1x32x256xf32, #tpu.memory_space<vmem>>
        %dma_start3A_389 = tpu.memref_squeeze %dma_start3A_388 : memref<1x32x256xf32, #tpu.memory_space<vmem>> -> memref<32x256xf32, #tpu.memory_space<vmem>>
        %dma_start3A_390 = arith.constant 0 : i32
        %dma_start3A_391 = tpu.memref_slice %arg3[%add3A_384, %dma_start3A_390] : memref<65536x256xf32, #tpu.memory_space<hbm>> -> memref<32x256xf32, #tpu.memory_space<hbm>>
        %dma_start3A_392 = arith.constant 0 : i32
        %dma_start3A_393 = arith.constant 0 : i32
        %dma_start3A_394 = tpu.memref_slice %arg6[%dma_start3A_385, %dma_start3A_392, %dma_start3A_393] : memref<4x32x256xf32, #tpu.memory_space<vmem>> -> memref<1x32x256xf32, #tpu.memory_space<vmem>>
        %dma_start3A_395 = tpu.memref_squeeze %dma_start3A_394 : memref<1x32x256xf32, #tpu.memory_space<vmem>> -> memref<32x256xf32, #tpu.memory_space<vmem>>
        %dma_start3A_396 = arith.constant 0 : i32
        %dma_start3A_397 = tpu.memref_slice %arg3[%add3A_384, %dma_start3A_396] : memref<65536x256xf32, #tpu.memory_space<hbm>> -> memref<32x256xf32, #tpu.memory_space<hbm>>
        tpu.enqueue_dma source(%dma_start3A_397 : memref<32x256xf32, #tpu.memory_space<hbm>>) target(%dma_start3A_395 : memref<32x256xf32, #tpu.memory_space<vmem>>) target_semaphore(%arg10 : memref<!tpu.dma_semaphore, #tpu.memory_space<semaphore_mem>>)
      } else {
      }
      %add3A_328 = arith.constant 3 : i32
      %add3A_329 = arith.addi %mul3A_175, %add3A_328 : i32
      %mul3A_330 = arith.constant 32 : i32
      %mul3A_331 = arith.muli %add3A_329, %mul3A_330 : i32
      %add3A_332 = arith.addi %mul3A_2, %mul3A_331 : i32
      %dma_wait3A_333 = arith.constant 3 : i32
      %dma_wait3A_334 = arith.constant 0 : i32
      %dma_wait3A_335 = arith.constant 0 : i32
      %dma_wait3A_336 = tpu.memref_slice %arg6[%dma_wait3A_333, %dma_wait3A_334, %dma_wait3A_335] : memref<4x32x256xf32, #tpu.memory_space<vmem>> -> memref<1x32x256xf32, #tpu.memory_space<vmem>>
      %dma_wait3A_337 = tpu.memref_squeeze %dma_wait3A_336 : memref<1x32x256xf32, #tpu.memory_space<vmem>> -> memref<32x256xf32, #tpu.memory_space<vmem>>
      %dma_wait3A_338 = arith.constant 0 : i32
      %dma_wait3A_339 = tpu.memref_slice %arg3[%add3A_332, %dma_wait3A_338] : memref<65536x256xf32, #tpu.memory_space<hbm>> -> memref<32x256xf32, #tpu.memory_space<hbm>>
      %dma_wait3A_340 = arith.constant 0 : i32
      %dma_wait3A_341 = arith.constant 0 : i32
      %dma_wait3A_342 = tpu.memref_slice %arg6[%dma_wait3A_333, %dma_wait3A_340, %dma_wait3A_341] : memref<4x32x256xf32, #tpu.memory_space<vmem>> -> memref<1x32x256xf32, #tpu.memory_space<vmem>>
      %dma_wait3A_343 = tpu.memref_squeeze %dma_wait3A_342 : memref<1x32x256xf32, #tpu.memory_space<vmem>> -> memref<32x256xf32, #tpu.memory_space<vmem>>
      %dma_wait3A_344 = arith.constant 0 : i32
      %dma_wait3A_345 = tpu.memref_slice %arg3[%add3A_332, %dma_wait3A_344] : memref<65536x256xf32, #tpu.memory_space<hbm>> -> memref<32x256xf32, #tpu.memory_space<hbm>>
      tpu.wait_dma2 semaphore(%arg11 : memref<!tpu.dma_semaphore, #tpu.memory_space<semaphore_mem>>) src(%dma_wait3A_345 : memref<32x256xf32, #tpu.memory_space<hbm>>) dst(%dma_wait3A_343 : memref<32x256xf32, #tpu.memory_space<vmem>>)
      %ge3A_346 = arith.constant 4 : i32
      %ge3A_347 = arith.cmpi sge, %add3A_329, %ge3A_346 : i32
      %convert_element_type3A_348 = arith.extui %ge3A_347 : i1 to i32
      %cond3A_349 = arith.constant 0 : i32
      %cond3A_350 = arith.cmpi ne, %convert_element_type3A_348, %cond3A_349 : i32
      scf.if %cond3A_350 {
        %mul3A_380 = arith.constant 32 : i32
        %mul3A_381 = arith.muli %add3A_329, %mul3A_380 : i32
        %add3A_382 = arith.addi %mul3A_2, %mul3A_381 : i32
        %dma_wait3A_383 = arith.constant 3 : i32
        %dma_wait3A_384 = arith.constant 0 : i32
        %dma_wait3A_385 = arith.constant 0 : i32
        %dma_wait3A_386 = tpu.memref_slice %arg7[%dma_wait3A_383, %dma_wait3A_384, %dma_wait3A_385] : memref<4x32x256xf32, #tpu.memory_space<vmem>> -> memref<1x32x256xf32, #tpu.memory_space<vmem>>
        %dma_wait3A_387 = tpu.memref_squeeze %dma_wait3A_386 : memref<1x32x256xf32, #tpu.memory_space<vmem>> -> memref<32x256xf32, #tpu.memory_space<vmem>>
        %dma_wait3A_388 = arith.constant 0 : i32
        %dma_wait3A_389 = tpu.memref_slice %arg4[%add3A_382, %dma_wait3A_388] : memref<65536x256xf32, #tpu.memory_space<hbm>> -> memref<32x256xf32, #tpu.memory_space<hbm>>
        %dma_wait3A_390 = arith.constant 0 : i32
        %dma_wait3A_391 = tpu.memref_slice %arg4[%add3A_382, %dma_wait3A_390] : memref<65536x256xf32, #tpu.memory_space<hbm>> -> memref<32x256xf32, #tpu.memory_space<hbm>>
        %dma_wait3A_392 = arith.constant 0 : i32
        %dma_wait3A_393 = arith.constant 0 : i32
        %dma_wait3A_394 = tpu.memref_slice %arg7[%dma_wait3A_383, %dma_wait3A_392, %dma_wait3A_393] : memref<4x32x256xf32, #tpu.memory_space<vmem>> -> memref<1x32x256xf32, #tpu.memory_space<vmem>>
        %dma_wait3A_395 = tpu.memref_squeeze %dma_wait3A_394 : memref<1x32x256xf32, #tpu.memory_space<vmem>> -> memref<32x256xf32, #tpu.memory_space<vmem>>
        tpu.wait_dma2 semaphore(%arg15 : memref<!tpu.dma_semaphore, #tpu.memory_space<semaphore_mem>>) src(%dma_wait3A_395 : memref<32x256xf32, #tpu.memory_space<vmem>>) dst(%dma_wait3A_391 : memref<32x256xf32, #tpu.memory_space<hbm>>)
      } else {
      }
      %scan3A_351 = arith.constant 0 : i32
      %scan3A_352 = arith.constant 0 : i32
      %scan3A_353 = arith.constant 32 : i32
      %scan3A_354 = arith.addi %scan3A_352, %scan3A_353 : i32
      %scan3A_355 = arith.constant 2 : i32
      scf.for %scan3A_380 = %scan3A_352 to %scan3A_354 step %scan3A_355  : i32 {
        %get3A_381 = arith.constant 3 : i32
        %get3A_382 = arith.index_cast %get3A_381 : i32 to index
        %get3A_383 = arith.index_cast %scan3A_380 : i32 to index
        %get3A_384 = arith.constant 0 : index
        %get3A_385 = tpu.vector_load %arg6[%get3A_382, %get3A_383, %get3A_384] {strides = array<i32>} : memref<4x32x256xf32, #tpu.memory_space<vmem>>, vector<1x1x16xf32>,
        %get3A_386 = vector.shape_cast %get3A_385 : vector<1x1x16xf32> to vector<16xf32>
        %add3A_387 = arith.addf %get3A_386, %get3A_4 : vector<16xf32>
        %swap3A = arith.constant 3 : i32
        %swap3A_388 = arith.index_cast %swap3A : i32 to index
        %swap3A_389 = arith.index_cast %scan3A_380 : i32 to index
        %swap3A_390 = arith.constant 0 : index
        %swap3A_391 = tpu.vector_load %arg7[%swap3A_388, %swap3A_389, %swap3A_390] {strides = array<i32>} : memref<4x32x256xf32, #tpu.memory_space<vmem>>, vector<1x1x16xf32>,
        %swap3A_392 = vector.shape_cast %swap3A_391 : vector<1x1x16xf32> to vector<16xf32>
        %swap3A_393 = vector.shape_cast %add3A_387 : vector<16xf32> to vector<1x1x16xf32>
        tpu.vector_store %arg7[%swap3A_388, %swap3A_389, %swap3A_390], %swap3A_393 {strides = array<i32>} : memref<4x32x256xf32, #tpu.memory_space<vmem>>, vector<1x1x16xf32>,
        %get3A_394 = arith.constant 3 : i32
        %get3A_395 = arith.index_cast %get3A_394 : i32 to index
        %get3A_396 = arith.index_cast %scan3A_380 : i32 to index
        %get3A_397 = arith.constant 16 : index
        %get3A_398 = tpu.vector_load %arg6[%get3A_395, %get3A_396, %get3A_397] {strides = array<i32>} : memref<4x32x256xf32, #tpu.memory_space<vmem>>, vector<1x1x16xf32>,
        %get3A_399 = vector.shape_cast %get3A_398 : vector<1x1x16xf32> to vector<16xf32>
        %add3A_400 = arith.addf %get3A_399, %get3A_7 : vector<16xf32>
        %swap3A_401 = arith.constant 3 : i32
        %swap3A_402 = arith.index_cast %swap3A_401 : i32 to index
        %swap3A_403 = arith.index_cast %scan3A_380 : i32 to index
        %swap3A_404 = arith.constant 16 : index
        %swap3A_405 = tpu.vector_load %arg7[%swap3A_402, %swap3A_403, %swap3A_404] {strides = array<i32>} : memref<4x32x256xf32, #tpu.memory_space<vmem>>, vector<1x1x16xf32>,
        %swap3A_406 = vector.shape_cast %swap3A_405 : vector<1x1x16xf32> to vector<16xf32>
        %swap3A_407 = vector.shape_cast %add3A_400 : vector<16xf32> to vector<1x1x16xf32>
        tpu.vector_store %arg7[%swap3A_402, %swap3A_403, %swap3A_404], %swap3A_407 {strides = array<i32>} : memref<4x32x256xf32, #tpu.memory_space<vmem>>, vector<1x1x16xf32>,
        %get3A_408 = arith.constant 3 : i32
        %get3A_409 = arith.index_cast %get3A_408 : i32 to index
        %get3A_410 = arith.index_cast %scan3A_380 : i32 to index
        %get3A_411 = arith.constant 32 : index
        %get3A_412 = tpu.vector_load %arg6[%get3A_409, %get3A_410, %get3A_411] {strides = array<i32>} : memref<4x32x256xf32, #tpu.memory_space<vmem>>, vector<1x1x16xf32>,
        %get3A_413 = vector.shape_cast %get3A_412 : vector<1x1x16xf32> to vector<16xf32>
        %add3A_414 = arith.addf %get3A_413, %get3A_10 : vector<16xf32>
        %swap3A_415 = arith.constant 3 : i32
        %swap3A_416 = arith.index_cast %swap3A_415 : i32 to index
        %swap3A_417 = arith.index_cast %scan3A_380 : i32 to index
        %swap3A_418 = arith.constant 32 : index
        %swap3A_419 = tpu.vector_load %arg7[%swap3A_416, %swap3A_417, %swap3A_418] {strides = array<i32>} : memref<4x32x256xf32, #tpu.memory_space<vmem>>, vector<1x1x16xf32>,
        %swap3A_420 = vector.shape_cast %swap3A_419 : vector<1x1x16xf32> to vector<16xf32>
        %swap3A_421 = vector.shape_cast %add3A_414 : vector<16xf32> to vector<1x1x16xf32>
        tpu.vector_store %arg7[%swap3A_416, %swap3A_417, %swap3A_418], %swap3A_421 {strides = array<i32>} : memref<4x32x256xf32, #tpu.memory_space<vmem>>, vector<1x1x16xf32>,
        %get3A_422 = arith.constant 3 : i32
        %get3A_423 = arith.index_cast %get3A_422 : i32 to index
        %get3A_424 = arith.index_cast %scan3A_380 : i32 to index
        %get3A_425 = arith.constant 48 : index
        %get3A_426 = tpu.vector_load %arg6[%get3A_423, %get3A_424, %get3A_425] {strides = array<i32>} : memref<4x32x256xf32, #tpu.memory_space<vmem>>, vector<1x1x16xf32>,
        %get3A_427 = vector.shape_cast %get3A_426 : vector<1x1x16xf32> to vector<16xf32>
        %add3A_428 = arith.addf %get3A_427, %get3A_13 : vector<16xf32>
        %swap3A_429 = arith.constant 3 : i32
        %swap3A_430 = arith.index_cast %swap3A_429 : i32 to index
        %swap3A_431 = arith.index_cast %scan3A_380 : i32 to index
        %swap3A_432 = arith.constant 48 : index
        %swap3A_433 = tpu.vector_load %arg7[%swap3A_430, %swap3A_431, %swap3A_432] {strides = array<i32>} : memref<4x32x256xf32, #tpu.memory_space<vmem>>, vector<1x1x16xf32>,
        %swap3A_434 = vector.shape_cast %swap3A_433 : vector<1x1x16xf32> to vector<16xf32>
        %swap3A_435 = vector.shape_cast %add3A_428 : vector<16xf32> to vector<1x1x16xf32>
        tpu.vector_store %arg7[%swap3A_430, %swap3A_431, %swap3A_432], %swap3A_435 {strides = array<i32>} : memref<4x32x256xf32, #tpu.memory_space<vmem>>, vector<1x1x16xf32>,
        %get3A_436 = arith.constant 3 : i32
        %get3A_437 = arith.index_cast %get3A_436 : i32 to index
        %get3A_438 = arith.index_cast %scan3A_380 : i32 to index
        %get3A_439 = arith.constant 64 : index
        %get3A_440 = tpu.vector_load %arg6[%get3A_437, %get3A_438, %get3A_439] {strides = array<i32>} : memref<4x32x256xf32, #tpu.memory_space<vmem>>, vector<1x1x16xf32>,
        %get3A_441 = vector.shape_cast %get3A_440 : vector<1x1x16xf32> to vector<16xf32>
        %add3A_442 = arith.addf %get3A_441, %get3A_16 : vector<16xf32>
        %swap3A_443 = arith.constant 3 : i32
        %swap3A_444 = arith.index_cast %swap3A_443 : i32 to index
        %swap3A_445 = arith.index_cast %scan3A_380 : i32 to index
        %swap3A_446 = arith.constant 64 : index
        %swap3A_447 = tpu.vector_load %arg7[%swap3A_444, %swap3A_445, %swap3A_446] {strides = array<i32>} : memref<4x32x256xf32, #tpu.memory_space<vmem>>, vector<1x1x16xf32>,
        %swap3A_448 = vector.shape_cast %swap3A_447 : vector<1x1x16xf32> to vector<16xf32>
        %swap3A_449 = vector.shape_cast %add3A_442 : vector<16xf32> to vector<1x1x16xf32>
        tpu.vector_store %arg7[%swap3A_444, %swap3A_445, %swap3A_446], %swap3A_449 {strides = array<i32>} : memref<4x32x256xf32, #tpu.memory_space<vmem>>, vector<1x1x16xf32>,
        %get3A_450 = arith.constant 3 : i32
        %get3A_451 = arith.index_cast %get3A_450 : i32 to index
        %get3A_452 = arith.index_cast %scan3A_380 : i32 to index
        %get3A_453 = arith.constant 80 : index
        %get3A_454 = tpu.vector_load %arg6[%get3A_451, %get3A_452, %get3A_453] {strides = array<i32>} : memref<4x32x256xf32, #tpu.memory_space<vmem>>, vector<1x1x16xf32>,
        %get3A_455 = vector.shape_cast %get3A_454 : vector<1x1x16xf32> to vector<16xf32>
        %add3A_456 = arith.addf %get3A_455, %get3A_19 : vector<16xf32>
        %swap3A_457 = arith.constant 3 : i32
        %swap3A_458 = arith.index_cast %swap3A_457 : i32 to index
        %swap3A_459 = arith.index_cast %scan3A_380 : i32 to index
        %swap3A_460 = arith.constant 80 : index
        %swap3A_461 = tpu.vector_load %arg7[%swap3A_458, %swap3A_459, %swap3A_460] {strides = array<i32>} : memref<4x32x256xf32, #tpu.memory_space<vmem>>, vector<1x1x16xf32>,
        %swap3A_462 = vector.shape_cast %swap3A_461 : vector<1x1x16xf32> to vector<16xf32>
        %swap3A_463 = vector.shape_cast %add3A_456 : vector<16xf32> to vector<1x1x16xf32>
        tpu.vector_store %arg7[%swap3A_458, %swap3A_459, %swap3A_460], %swap3A_463 {strides = array<i32>} : memref<4x32x256xf32, #tpu.memory_space<vmem>>, vector<1x1x16xf32>,
        %get3A_464 = arith.constant 3 : i32
        %get3A_465 = arith.index_cast %get3A_464 : i32 to index
        %get3A_466 = arith.index_cast %scan3A_380 : i32 to index
        %get3A_467 = arith.constant 96 : index
        %get3A_468 = tpu.vector_load %arg6[%get3A_465, %get3A_466, %get3A_467] {strides = array<i32>} : memref<4x32x256xf32, #tpu.memory_space<vmem>>, vector<1x1x16xf32>,
        %get3A_469 = vector.shape_cast %get3A_468 : vector<1x1x16xf32> to vector<16xf32>
        %add3A_470 = arith.addf %get3A_469, %get3A_22 : vector<16xf32>
        %swap3A_471 = arith.constant 3 : i32
        %swap3A_472 = arith.index_cast %swap3A_471 : i32 to index
        %swap3A_473 = arith.index_cast %scan3A_380 : i32 to index
        %swap3A_474 = arith.constant 96 : index
        %swap3A_475 = tpu.vector_load %arg7[%swap3A_472, %swap3A_473, %swap3A_474] {strides = array<i32>} : memref<4x32x256xf32, #tpu.memory_space<vmem>>, vector<1x1x16xf32>,
        %swap3A_476 = vector.shape_cast %swap3A_475 : vector<1x1x16xf32> to vector<16xf32>
        %swap3A_477 = vector.shape_cast %add3A_470 : vector<16xf32> to vector<1x1x16xf32>
        tpu.vector_store %arg7[%swap3A_472, %swap3A_473, %swap3A_474], %swap3A_477 {strides = array<i32>} : memref<4x32x256xf32, #tpu.memory_space<vmem>>, vector<1x1x16xf32>,
        %get3A_478 = arith.constant 3 : i32
        %get3A_479 = arith.index_cast %get3A_478 : i32 to index
        %get3A_480 = arith.index_cast %scan3A_380 : i32 to index
        %get3A_481 = arith.constant 112 : index
        %get3A_482 = tpu.vector_load %arg6[%get3A_479, %get3A_480, %get3A_481] {strides = array<i32>} : memref<4x32x256xf32, #tpu.memory_space<vmem>>, vector<1x1x16xf32>,
        %get3A_483 = vector.shape_cast %get3A_482 : vector<1x1x16xf32> to vector<16xf32>
        %add3A_484 = arith.addf %get3A_483, %get3A_25 : vector<16xf32>
        %swap3A_485 = arith.constant 3 : i32
        %swap3A_486 = arith.index_cast %swap3A_485 : i32 to index
        %swap3A_487 = arith.index_cast %scan3A_380 : i32 to index
        %swap3A_488 = arith.constant 112 : index
        %swap3A_489 = tpu.vector_load %arg7[%swap3A_486, %swap3A_487, %swap3A_488] {strides = array<i32>} : memref<4x32x256xf32, #tpu.memory_space<vmem>>, vector<1x1x16xf32>,
        %swap3A_490 = vector.shape_cast %swap3A_489 : vector<1x1x16xf32> to vector<16xf32>
        %swap3A_491 = vector.shape_cast %add3A_484 : vector<16xf32> to vector<1x1x16xf32>
        tpu.vector_store %arg7[%swap3A_486, %swap3A_487, %swap3A_488], %swap3A_491 {strides = array<i32>} : memref<4x32x256xf32, #tpu.memory_space<vmem>>, vector<1x1x16xf32>,
        %get3A_492 = arith.constant 3 : i32
        %get3A_493 = arith.index_cast %get3A_492 : i32 to index
        %get3A_494 = arith.index_cast %scan3A_380 : i32 to index
        %get3A_495 = arith.constant 128 : index
        %get3A_496 = tpu.vector_load %arg6[%get3A_493, %get3A_494, %get3A_495] {strides = array<i32>} : memref<4x32x256xf32, #tpu.memory_space<vmem>>, vector<1x1x16xf32>,
        %get3A_497 = vector.shape_cast %get3A_496 : vector<1x1x16xf32> to vector<16xf32>
        %add3A_498 = arith.addf %get3A_497, %get3A_28 : vector<16xf32>
        %swap3A_499 = arith.constant 3 : i32
        %swap3A_500 = arith.index_cast %swap3A_499 : i32 to index
        %swap3A_501 = arith.index_cast %scan3A_380 : i32 to index
        %swap3A_502 = arith.constant 128 : index
        %swap3A_503 = tpu.vector_load %arg7[%swap3A_500, %swap3A_501, %swap3A_502] {strides = array<i32>} : memref<4x32x256xf32, #tpu.memory_space<vmem>>, vector<1x1x16xf32>,
        %swap3A_504 = vector.shape_cast %swap3A_503 : vector<1x1x16xf32> to vector<16xf32>
        %swap3A_505 = vector.shape_cast %add3A_498 : vector<16xf32> to vector<1x1x16xf32>
        tpu.vector_store %arg7[%swap3A_500, %swap3A_501, %swap3A_502], %swap3A_505 {strides = array<i32>} : memref<4x32x256xf32, #tpu.memory_space<vmem>>, vector<1x1x16xf32>,
        %get3A_506 = arith.constant 3 : i32
        %get3A_507 = arith.index_cast %get3A_506 : i32 to index
        %get3A_508 = arith.index_cast %scan3A_380 : i32 to index
        %get3A_509 = arith.constant 144 : index
        %get3A_510 = tpu.vector_load %arg6[%get3A_507, %get3A_508, %get3A_509] {strides = array<i32>} : memref<4x32x256xf32, #tpu.memory_space<vmem>>, vector<1x1x16xf32>,
        %get3A_511 = vector.shape_cast %get3A_510 : vector<1x1x16xf32> to vector<16xf32>
        %add3A_512 = arith.addf %get3A_511, %get3A_31 : vector<16xf32>
        %swap3A_513 = arith.constant 3 : i32
        %swap3A_514 = arith.index_cast %swap3A_513 : i32 to index
        %swap3A_515 = arith.index_cast %scan3A_380 : i32 to index
        %swap3A_516 = arith.constant 144 : index
        %swap3A_517 = tpu.vector_load %arg7[%swap3A_514, %swap3A_515, %swap3A_516] {strides = array<i32>} : memref<4x32x256xf32, #tpu.memory_space<vmem>>, vector<1x1x16xf32>,
        %swap3A_518 = vector.shape_cast %swap3A_517 : vector<1x1x16xf32> to vector<16xf32>
        %swap3A_519 = vector.shape_cast %add3A_512 : vector<16xf32> to vector<1x1x16xf32>
        tpu.vector_store %arg7[%swap3A_514, %swap3A_515, %swap3A_516], %swap3A_519 {strides = array<i32>} : memref<4x32x256xf32, #tpu.memory_space<vmem>>, vector<1x1x16xf32>,
        %get3A_520 = arith.constant 3 : i32
        %get3A_521 = arith.index_cast %get3A_520 : i32 to index
        %get3A_522 = arith.index_cast %scan3A_380 : i32 to index
        %get3A_523 = arith.constant 160 : index
        %get3A_524 = tpu.vector_load %arg6[%get3A_521, %get3A_522, %get3A_523] {strides = array<i32>} : memref<4x32x256xf32, #tpu.memory_space<vmem>>, vector<1x1x16xf32>,
        %get3A_525 = vector.shape_cast %get3A_524 : vector<1x1x16xf32> to vector<16xf32>
        %add3A_526 = arith.addf %get3A_525, %get3A_34 : vector<16xf32>
        %swap3A_527 = arith.constant 3 : i32
        %swap3A_528 = arith.index_cast %swap3A_527 : i32 to index
        %swap3A_529 = arith.index_cast %scan3A_380 : i32 to index
        %swap3A_530 = arith.constant 160 : index
        %swap3A_531 = tpu.vector_load %arg7[%swap3A_528, %swap3A_529, %swap3A_530] {strides = array<i32>} : memref<4x32x256xf32, #tpu.memory_space<vmem>>, vector<1x1x16xf32>,
        %swap3A_532 = vector.shape_cast %swap3A_531 : vector<1x1x16xf32> to vector<16xf32>
        %swap3A_533 = vector.shape_cast %add3A_526 : vector<16xf32> to vector<1x1x16xf32>
        tpu.vector_store %arg7[%swap3A_528, %swap3A_529, %swap3A_530], %swap3A_533 {strides = array<i32>} : memref<4x32x256xf32, #tpu.memory_space<vmem>>, vector<1x1x16xf32>,
        %get3A_534 = arith.constant 3 : i32
        %get3A_535 = arith.index_cast %get3A_534 : i32 to index
        %get3A_536 = arith.index_cast %scan3A_380 : i32 to index
        %get3A_537 = arith.constant 176 : index
        %get3A_538 = tpu.vector_load %arg6[%get3A_535, %get3A_536, %get3A_537] {strides = array<i32>} : memref<4x32x256xf32, #tpu.memory_space<vmem>>, vector<1x1x16xf32>,
        %get3A_539 = vector.shape_cast %get3A_538 : vector<1x1x16xf32> to vector<16xf32>
        %add3A_540 = arith.addf %get3A_539, %get3A_37 : vector<16xf32>
        %swap3A_541 = arith.constant 3 : i32
        %swap3A_542 = arith.index_cast %swap3A_541 : i32 to index
        %swap3A_543 = arith.index_cast %scan3A_380 : i32 to index
        %swap3A_544 = arith.constant 176 : index
        %swap3A_545 = tpu.vector_load %arg7[%swap3A_542, %swap3A_543, %swap3A_544] {strides = array<i32>} : memref<4x32x256xf32, #tpu.memory_space<vmem>>, vector<1x1x16xf32>,
        %swap3A_546 = vector.shape_cast %swap3A_545 : vector<1x1x16xf32> to vector<16xf32>
        %swap3A_547 = vector.shape_cast %add3A_540 : vector<16xf32> to vector<1x1x16xf32>
        tpu.vector_store %arg7[%swap3A_542, %swap3A_543, %swap3A_544], %swap3A_547 {strides = array<i32>} : memref<4x32x256xf32, #tpu.memory_space<vmem>>, vector<1x1x16xf32>,
        %get3A_548 = arith.constant 3 : i32
        %get3A_549 = arith.index_cast %get3A_548 : i32 to index
        %get3A_550 = arith.index_cast %scan3A_380 : i32 to index
        %get3A_551 = arith.constant 192 : index
        %get3A_552 = tpu.vector_load %arg6[%get3A_549, %get3A_550, %get3A_551] {strides = array<i32>} : memref<4x32x256xf32, #tpu.memory_space<vmem>>, vector<1x1x16xf32>,
        %get3A_553 = vector.shape_cast %get3A_552 : vector<1x1x16xf32> to vector<16xf32>
        %add3A_554 = arith.addf %get3A_553, %get3A_40 : vector<16xf32>
        %swap3A_555 = arith.constant 3 : i32
        %swap3A_556 = arith.index_cast %swap3A_555 : i32 to index
        %swap3A_557 = arith.index_cast %scan3A_380 : i32 to index
        %swap3A_558 = arith.constant 192 : index
        %swap3A_559 = tpu.vector_load %arg7[%swap3A_556, %swap3A_557, %swap3A_558] {strides = array<i32>} : memref<4x32x256xf32, #tpu.memory_space<vmem>>, vector<1x1x16xf32>,
        %swap3A_560 = vector.shape_cast %swap3A_559 : vector<1x1x16xf32> to vector<16xf32>
        %swap3A_561 = vector.shape_cast %add3A_554 : vector<16xf32> to vector<1x1x16xf32>
        tpu.vector_store %arg7[%swap3A_556, %swap3A_557, %swap3A_558], %swap3A_561 {strides = array<i32>} : memref<4x32x256xf32, #tpu.memory_space<vmem>>, vector<1x1x16xf32>,
        %get3A_562 = arith.constant 3 : i32
        %get3A_563 = arith.index_cast %get3A_562 : i32 to index
        %get3A_564 = arith.index_cast %scan3A_380 : i32 to index
        %get3A_565 = arith.constant 208 : index
        %get3A_566 = tpu.vector_load %arg6[%get3A_563, %get3A_564, %get3A_565] {strides = array<i32>} : memref<4x32x256xf32, #tpu.memory_space<vmem>>, vector<1x1x16xf32>,
        %get3A_567 = vector.shape_cast %get3A_566 : vector<1x1x16xf32> to vector<16xf32>
        %add3A_568 = arith.addf %get3A_567, %get3A_43 : vector<16xf32>
        %swap3A_569 = arith.constant 3 : i32
        %swap3A_570 = arith.index_cast %swap3A_569 : i32 to index
        %swap3A_571 = arith.index_cast %scan3A_380 : i32 to index
        %swap3A_572 = arith.constant 208 : index
        %swap3A_573 = tpu.vector_load %arg7[%swap3A_570, %swap3A_571, %swap3A_572] {strides = array<i32>} : memref<4x32x256xf32, #tpu.memory_space<vmem>>, vector<1x1x16xf32>,
        %swap3A_574 = vector.shape_cast %swap3A_573 : vector<1x1x16xf32> to vector<16xf32>
        %swap3A_575 = vector.shape_cast %add3A_568 : vector<16xf32> to vector<1x1x16xf32>
        tpu.vector_store %arg7[%swap3A_570, %swap3A_571, %swap3A_572], %swap3A_575 {strides = array<i32>} : memref<4x32x256xf32, #tpu.memory_space<vmem>>, vector<1x1x16xf32>,
        %get3A_576 = arith.constant 3 : i32
        %get3A_577 = arith.index_cast %get3A_576 : i32 to index
        %get3A_578 = arith.index_cast %scan3A_380 : i32 to index
        %get3A_579 = arith.constant 224 : index
        %get3A_580 = tpu.vector_load %arg6[%get3A_577, %get3A_578, %get3A_579] {strides = array<i32>} : memref<4x32x256xf32, #tpu.memory_space<vmem>>, vector<1x1x16xf32>,
        %get3A_581 = vector.shape_cast %get3A_580 : vector<1x1x16xf32> to vector<16xf32>
        %add3A_582 = arith.addf %get3A_581, %get3A_46 : vector<16xf32>
        %swap3A_583 = arith.constant 3 : i32
        %swap3A_584 = arith.index_cast %swap3A_583 : i32 to index
        %swap3A_585 = arith.index_cast %scan3A_380 : i32 to index
        %swap3A_586 = arith.constant 224 : index
        %swap3A_587 = tpu.vector_load %arg7[%swap3A_584, %swap3A_585, %swap3A_586] {strides = array<i32>} : memref<4x32x256xf32, #tpu.memory_space<vmem>>, vector<1x1x16xf32>,
        %swap3A_588 = vector.shape_cast %swap3A_587 : vector<1x1x16xf32> to vector<16xf32>
        %swap3A_589 = vector.shape_cast %add3A_582 : vector<16xf32> to vector<1x1x16xf32>
        tpu.vector_store %arg7[%swap3A_584, %swap3A_585, %swap3A_586], %swap3A_589 {strides = array<i32>} : memref<4x32x256xf32, #tpu.memory_space<vmem>>, vector<1x1x16xf32>,
        %get3A_590 = arith.constant 3 : i32
        %get3A_591 = arith.index_cast %get3A_590 : i32 to index
        %get3A_592 = arith.index_cast %scan3A_380 : i32 to index
        %get3A_593 = arith.constant 240 : index
        %get3A_594 = tpu.vector_load %arg6[%get3A_591, %get3A_592, %get3A_593] {strides = array<i32>} : memref<4x32x256xf32, #tpu.memory_space<vmem>>, vector<1x1x16xf32>,
        %get3A_595 = vector.shape_cast %get3A_594 : vector<1x1x16xf32> to vector<16xf32>
        %add3A_596 = arith.addf %get3A_595, %get3A_49 : vector<16xf32>
        %swap3A_597 = arith.constant 3 : i32
        %swap3A_598 = arith.index_cast %swap3A_597 : i32 to index
        %swap3A_599 = arith.index_cast %scan3A_380 : i32 to index
        %swap3A_600 = arith.constant 240 : index
        %swap3A_601 = tpu.vector_load %arg7[%swap3A_598, %swap3A_599, %swap3A_600] {strides = array<i32>} : memref<4x32x256xf32, #tpu.memory_space<vmem>>, vector<1x1x16xf32>,
        %swap3A_602 = vector.shape_cast %swap3A_601 : vector<1x1x16xf32> to vector<16xf32>
        %swap3A_603 = vector.shape_cast %add3A_596 : vector<16xf32> to vector<1x1x16xf32>
        tpu.vector_store %arg7[%swap3A_598, %swap3A_599, %swap3A_600], %swap3A_603 {strides = array<i32>} : memref<4x32x256xf32, #tpu.memory_space<vmem>>, vector<1x1x16xf32>,
        %scan3A_604 = arith.constant 1 : i32
        %scan3A_605 = arith.addi %scan3A_380, %scan3A_604 : i32
        %get3A_606 = arith.constant 3 : i32
        %get3A_607 = arith.index_cast %get3A_606 : i32 to index
        %get3A_608 = arith.index_cast %scan3A_605 : i32 to index
        %get3A_609 = arith.constant 0 : index
        %get3A_610 = tpu.vector_load %arg6[%get3A_607, %get3A_608, %get3A_609] {strides = array<i32>} : memref<4x32x256xf32, #tpu.memory_space<vmem>>, vector<1x1x16xf32>,
        %get3A_611 = vector.shape_cast %get3A_610 : vector<1x1x16xf32> to vector<16xf32>
        %add3A_612 = arith.addf %get3A_611, %get3A_4 : vector<16xf32>
        %swap3A_613 = arith.constant 3 : i32
        %swap3A_614 = arith.index_cast %swap3A_613 : i32 to index
        %swap3A_615 = arith.index_cast %scan3A_605 : i32 to index
        %swap3A_616 = arith.constant 0 : index
        %swap3A_617 = tpu.vector_load %arg7[%swap3A_614, %swap3A_615, %swap3A_616] {strides = array<i32>} : memref<4x32x256xf32, #tpu.memory_space<vmem>>, vector<1x1x16xf32>,
        %swap3A_618 = vector.shape_cast %swap3A_617 : vector<1x1x16xf32> to vector<16xf32>
        %swap3A_619 = vector.shape_cast %add3A_612 : vector<16xf32> to vector<1x1x16xf32>
        tpu.vector_store %arg7[%swap3A_614, %swap3A_615, %swap3A_616], %swap3A_619 {strides = array<i32>} : memref<4x32x256xf32, #tpu.memory_space<vmem>>, vector<1x1x16xf32>,
        %get3A_620 = arith.constant 3 : i32
        %get3A_621 = arith.index_cast %get3A_620 : i32 to index
        %get3A_622 = arith.index_cast %scan3A_605 : i32 to index
        %get3A_623 = arith.constant 16 : index
        %get3A_624 = tpu.vector_load %arg6[%get3A_621, %get3A_622, %get3A_623] {strides = array<i32>} : memref<4x32x256xf32, #tpu.memory_space<vmem>>, vector<1x1x16xf32>,
        %get3A_625 = vector.shape_cast %get3A_624 : vector<1x1x16xf32> to vector<16xf32>
        %add3A_626 = arith.addf %get3A_625, %get3A_7 : vector<16xf32>
        %swap3A_627 = arith.constant 3 : i32
        %swap3A_628 = arith.index_cast %swap3A_627 : i32 to index
        %swap3A_629 = arith.index_cast %scan3A_605 : i32 to index
        %swap3A_630 = arith.constant 16 : index
        %swap3A_631 = tpu.vector_load %arg7[%swap3A_628, %swap3A_629, %swap3A_630] {strides = array<i32>} : memref<4x32x256xf32, #tpu.memory_space<vmem>>, vector<1x1x16xf32>,
        %swap3A_632 = vector.shape_cast %swap3A_631 : vector<1x1x16xf32> to vector<16xf32>
        %swap3A_633 = vector.shape_cast %add3A_626 : vector<16xf32> to vector<1x1x16xf32>
        tpu.vector_store %arg7[%swap3A_628, %swap3A_629, %swap3A_630], %swap3A_633 {strides = array<i32>} : memref<4x32x256xf32, #tpu.memory_space<vmem>>, vector<1x1x16xf32>,
        %get3A_634 = arith.constant 3 : i32
        %get3A_635 = arith.index_cast %get3A_634 : i32 to index
        %get3A_636 = arith.index_cast %scan3A_605 : i32 to index
        %get3A_637 = arith.constant 32 : index
        %get3A_638 = tpu.vector_load %arg6[%get3A_635, %get3A_636, %get3A_637] {strides = array<i32>} : memref<4x32x256xf32, #tpu.memory_space<vmem>>, vector<1x1x16xf32>,
        %get3A_639 = vector.shape_cast %get3A_638 : vector<1x1x16xf32> to vector<16xf32>
        %add3A_640 = arith.addf %get3A_639, %get3A_10 : vector<16xf32>
        %swap3A_641 = arith.constant 3 : i32
        %swap3A_642 = arith.index_cast %swap3A_641 : i32 to index
        %swap3A_643 = arith.index_cast %scan3A_605 : i32 to index
        %swap3A_644 = arith.constant 32 : index
        %swap3A_645 = tpu.vector_load %arg7[%swap3A_642, %swap3A_643, %swap3A_644] {strides = array<i32>} : memref<4x32x256xf32, #tpu.memory_space<vmem>>, vector<1x1x16xf32>,
        %swap3A_646 = vector.shape_cast %swap3A_645 : vector<1x1x16xf32> to vector<16xf32>
        %swap3A_647 = vector.shape_cast %add3A_640 : vector<16xf32> to vector<1x1x16xf32>
        tpu.vector_store %arg7[%swap3A_642, %swap3A_643, %swap3A_644], %swap3A_647 {strides = array<i32>} : memref<4x32x256xf32, #tpu.memory_space<vmem>>, vector<1x1x16xf32>,
        %get3A_648 = arith.constant 3 : i32
        %get3A_649 = arith.index_cast %get3A_648 : i32 to index
        %get3A_650 = arith.index_cast %scan3A_605 : i32 to index
        %get3A_651 = arith.constant 48 : index
        %get3A_652 = tpu.vector_load %arg6[%get3A_649, %get3A_650, %get3A_651] {strides = array<i32>} : memref<4x32x256xf32, #tpu.memory_space<vmem>>, vector<1x1x16xf32>,
        %get3A_653 = vector.shape_cast %get3A_652 : vector<1x1x16xf32> to vector<16xf32>
        %add3A_654 = arith.addf %get3A_653, %get3A_13 : vector<16xf32>
        %swap3A_655 = arith.constant 3 : i32
        %swap3A_656 = arith.index_cast %swap3A_655 : i32 to index
        %swap3A_657 = arith.index_cast %scan3A_605 : i32 to index
        %swap3A_658 = arith.constant 48 : index
        %swap3A_659 = tpu.vector_load %arg7[%swap3A_656, %swap3A_657, %swap3A_658] {strides = array<i32>} : memref<4x32x256xf32, #tpu.memory_space<vmem>>, vector<1x1x16xf32>,
        %swap3A_660 = vector.shape_cast %swap3A_659 : vector<1x1x16xf32> to vector<16xf32>
        %swap3A_661 = vector.shape_cast %add3A_654 : vector<16xf32> to vector<1x1x16xf32>
        tpu.vector_store %arg7[%swap3A_656, %swap3A_657, %swap3A_658], %swap3A_661 {strides = array<i32>} : memref<4x32x256xf32, #tpu.memory_space<vmem>>, vector<1x1x16xf32>,
        %get3A_662 = arith.constant 3 : i32
        %get3A_663 = arith.index_cast %get3A_662 : i32 to index
        %get3A_664 = arith.index_cast %scan3A_605 : i32 to index
        %get3A_665 = arith.constant 64 : index
        %get3A_666 = tpu.vector_load %arg6[%get3A_663, %get3A_664, %get3A_665] {strides = array<i32>} : memref<4x32x256xf32, #tpu.memory_space<vmem>>, vector<1x1x16xf32>,
        %get3A_667 = vector.shape_cast %get3A_666 : vector<1x1x16xf32> to vector<16xf32>
        %add3A_668 = arith.addf %get3A_667, %get3A_16 : vector<16xf32>
        %swap3A_669 = arith.constant 3 : i32
        %swap3A_670 = arith.index_cast %swap3A_669 : i32 to index
        %swap3A_671 = arith.index_cast %scan3A_605 : i32 to index
        %swap3A_672 = arith.constant 64 : index
        %swap3A_673 = tpu.vector_load %arg7[%swap3A_670, %swap3A_671, %swap3A_672] {strides = array<i32>} : memref<4x32x256xf32, #tpu.memory_space<vmem>>, vector<1x1x16xf32>,
        %swap3A_674 = vector.shape_cast %swap3A_673 : vector<1x1x16xf32> to vector<16xf32>
        %swap3A_675 = vector.shape_cast %add3A_668 : vector<16xf32> to vector<1x1x16xf32>
        tpu.vector_store %arg7[%swap3A_670, %swap3A_671, %swap3A_672], %swap3A_675 {strides = array<i32>} : memref<4x32x256xf32, #tpu.memory_space<vmem>>, vector<1x1x16xf32>,
        %get3A_676 = arith.constant 3 : i32
        %get3A_677 = arith.index_cast %get3A_676 : i32 to index
        %get3A_678 = arith.index_cast %scan3A_605 : i32 to index
        %get3A_679 = arith.constant 80 : index
        %get3A_680 = tpu.vector_load %arg6[%get3A_677, %get3A_678, %get3A_679] {strides = array<i32>} : memref<4x32x256xf32, #tpu.memory_space<vmem>>, vector<1x1x16xf32>,
        %get3A_681 = vector.shape_cast %get3A_680 : vector<1x1x16xf32> to vector<16xf32>
        %add3A_682 = arith.addf %get3A_681, %get3A_19 : vector<16xf32>
        %swap3A_683 = arith.constant 3 : i32
        %swap3A_684 = arith.index_cast %swap3A_683 : i32 to index
        %swap3A_685 = arith.index_cast %scan3A_605 : i32 to index
        %swap3A_686 = arith.constant 80 : index
        %swap3A_687 = tpu.vector_load %arg7[%swap3A_684, %swap3A_685, %swap3A_686] {strides = array<i32>} : memref<4x32x256xf32, #tpu.memory_space<vmem>>, vector<1x1x16xf32>,
        %swap3A_688 = vector.shape_cast %swap3A_687 : vector<1x1x16xf32> to vector<16xf32>
        %swap3A_689 = vector.shape_cast %add3A_682 : vector<16xf32> to vector<1x1x16xf32>
        tpu.vector_store %arg7[%swap3A_684, %swap3A_685, %swap3A_686], %swap3A_689 {strides = array<i32>} : memref<4x32x256xf32, #tpu.memory_space<vmem>>, vector<1x1x16xf32>,
        %get3A_690 = arith.constant 3 : i32
        %get3A_691 = arith.index_cast %get3A_690 : i32 to index
        %get3A_692 = arith.index_cast %scan3A_605 : i32 to index
        %get3A_693 = arith.constant 96 : index
        %get3A_694 = tpu.vector_load %arg6[%get3A_691, %get3A_692, %get3A_693] {strides = array<i32>} : memref<4x32x256xf32, #tpu.memory_space<vmem>>, vector<1x1x16xf32>,
        %get3A_695 = vector.shape_cast %get3A_694 : vector<1x1x16xf32> to vector<16xf32>
        %add3A_696 = arith.addf %get3A_695, %get3A_22 : vector<16xf32>
        %swap3A_697 = arith.constant 3 : i32
        %swap3A_698 = arith.index_cast %swap3A_697 : i32 to index
        %swap3A_699 = arith.index_cast %scan3A_605 : i32 to index
        %swap3A_700 = arith.constant 96 : index
        %swap3A_701 = tpu.vector_load %arg7[%swap3A_698, %swap3A_699, %swap3A_700] {strides = array<i32>} : memref<4x32x256xf32, #tpu.memory_space<vmem>>, vector<1x1x16xf32>,
        %swap3A_702 = vector.shape_cast %swap3A_701 : vector<1x1x16xf32> to vector<16xf32>
        %swap3A_703 = vector.shape_cast %add3A_696 : vector<16xf32> to vector<1x1x16xf32>
        tpu.vector_store %arg7[%swap3A_698, %swap3A_699, %swap3A_700], %swap3A_703 {strides = array<i32>} : memref<4x32x256xf32, #tpu.memory_space<vmem>>, vector<1x1x16xf32>,
        %get3A_704 = arith.constant 3 : i32
        %get3A_705 = arith.index_cast %get3A_704 : i32 to index
        %get3A_706 = arith.index_cast %scan3A_605 : i32 to index
        %get3A_707 = arith.constant 112 : index
        %get3A_708 = tpu.vector_load %arg6[%get3A_705, %get3A_706, %get3A_707] {strides = array<i32>} : memref<4x32x256xf32, #tpu.memory_space<vmem>>, vector<1x1x16xf32>,
        %get3A_709 = vector.shape_cast %get3A_708 : vector<1x1x16xf32> to vector<16xf32>
        %add3A_710 = arith.addf %get3A_709, %get3A_25 : vector<16xf32>
        %swap3A_711 = arith.constant 3 : i32
        %swap3A_712 = arith.index_cast %swap3A_711 : i32 to index
        %swap3A_713 = arith.index_cast %scan3A_605 : i32 to index
        %swap3A_714 = arith.constant 112 : index
        %swap3A_715 = tpu.vector_load %arg7[%swap3A_712, %swap3A_713, %swap3A_714] {strides = array<i32>} : memref<4x32x256xf32, #tpu.memory_space<vmem>>, vector<1x1x16xf32>,
        %swap3A_716 = vector.shape_cast %swap3A_715 : vector<1x1x16xf32> to vector<16xf32>
        %swap3A_717 = vector.shape_cast %add3A_710 : vector<16xf32> to vector<1x1x16xf32>
        tpu.vector_store %arg7[%swap3A_712, %swap3A_713, %swap3A_714], %swap3A_717 {strides = array<i32>} : memref<4x32x256xf32, #tpu.memory_space<vmem>>, vector<1x1x16xf32>,
        %get3A_718 = arith.constant 3 : i32
        %get3A_719 = arith.index_cast %get3A_718 : i32 to index
        %get3A_720 = arith.index_cast %scan3A_605 : i32 to index
        %get3A_721 = arith.constant 128 : index
        %get3A_722 = tpu.vector_load %arg6[%get3A_719, %get3A_720, %get3A_721] {strides = array<i32>} : memref<4x32x256xf32, #tpu.memory_space<vmem>>, vector<1x1x16xf32>,
        %get3A_723 = vector.shape_cast %get3A_722 : vector<1x1x16xf32> to vector<16xf32>
        %add3A_724 = arith.addf %get3A_723, %get3A_28 : vector<16xf32>
        %swap3A_725 = arith.constant 3 : i32
        %swap3A_726 = arith.index_cast %swap3A_725 : i32 to index
        %swap3A_727 = arith.index_cast %scan3A_605 : i32 to index
        %swap3A_728 = arith.constant 128 : index
        %swap3A_729 = tpu.vector_load %arg7[%swap3A_726, %swap3A_727, %swap3A_728] {strides = array<i32>} : memref<4x32x256xf32, #tpu.memory_space<vmem>>, vector<1x1x16xf32>,
        %swap3A_730 = vector.shape_cast %swap3A_729 : vector<1x1x16xf32> to vector<16xf32>
        %swap3A_731 = vector.shape_cast %add3A_724 : vector<16xf32> to vector<1x1x16xf32>
        tpu.vector_store %arg7[%swap3A_726, %swap3A_727, %swap3A_728], %swap3A_731 {strides = array<i32>} : memref<4x32x256xf32, #tpu.memory_space<vmem>>, vector<1x1x16xf32>,
        %get3A_732 = arith.constant 3 : i32
        %get3A_733 = arith.index_cast %get3A_732 : i32 to index
        %get3A_734 = arith.index_cast %scan3A_605 : i32 to index
        %get3A_735 = arith.constant 144 : index
        %get3A_736 = tpu.vector_load %arg6[%get3A_733, %get3A_734, %get3A_735] {strides = array<i32>} : memref<4x32x256xf32, #tpu.memory_space<vmem>>, vector<1x1x16xf32>,
        %get3A_737 = vector.shape_cast %get3A_736 : vector<1x1x16xf32> to vector<16xf32>
        %add3A_738 = arith.addf %get3A_737, %get3A_31 : vector<16xf32>
        %swap3A_739 = arith.constant 3 : i32
        %swap3A_740 = arith.index_cast %swap3A_739 : i32 to index
        %swap3A_741 = arith.index_cast %scan3A_605 : i32 to index
        %swap3A_742 = arith.constant 144 : index
        %swap3A_743 = tpu.vector_load %arg7[%swap3A_740, %swap3A_741, %swap3A_742] {strides = array<i32>} : memref<4x32x256xf32, #tpu.memory_space<vmem>>, vector<1x1x16xf32>,
        %swap3A_744 = vector.shape_cast %swap3A_743 : vector<1x1x16xf32> to vector<16xf32>
        %swap3A_745 = vector.shape_cast %add3A_738 : vector<16xf32> to vector<1x1x16xf32>
        tpu.vector_store %arg7[%swap3A_740, %swap3A_741, %swap3A_742], %swap3A_745 {strides = array<i32>} : memref<4x32x256xf32, #tpu.memory_space<vmem>>, vector<1x1x16xf32>,
        %get3A_746 = arith.constant 3 : i32
        %get3A_747 = arith.index_cast %get3A_746 : i32 to index
        %get3A_748 = arith.index_cast %scan3A_605 : i32 to index
        %get3A_749 = arith.constant 160 : index
        %get3A_750 = tpu.vector_load %arg6[%get3A_747, %get3A_748, %get3A_749] {strides = array<i32>} : memref<4x32x256xf32, #tpu.memory_space<vmem>>, vector<1x1x16xf32>,
        %get3A_751 = vector.shape_cast %get3A_750 : vector<1x1x16xf32> to vector<16xf32>
        %add3A_752 = arith.addf %get3A_751, %get3A_34 : vector<16xf32>
        %swap3A_753 = arith.constant 3 : i32
        %swap3A_754 = arith.index_cast %swap3A_753 : i32 to index
        %swap3A_755 = arith.index_cast %scan3A_605 : i32 to index
        %swap3A_756 = arith.constant 160 : index
        %swap3A_757 = tpu.vector_load %arg7[%swap3A_754, %swap3A_755, %swap3A_756] {strides = array<i32>} : memref<4x32x256xf32, #tpu.memory_space<vmem>>, vector<1x1x16xf32>,
        %swap3A_758 = vector.shape_cast %swap3A_757 : vector<1x1x16xf32> to vector<16xf32>
        %swap3A_759 = vector.shape_cast %add3A_752 : vector<16xf32> to vector<1x1x16xf32>
        tpu.vector_store %arg7[%swap3A_754, %swap3A_755, %swap3A_756], %swap3A_759 {strides = array<i32>} : memref<4x32x256xf32, #tpu.memory_space<vmem>>, vector<1x1x16xf32>,
        %get3A_760 = arith.constant 3 : i32
        %get3A_761 = arith.index_cast %get3A_760 : i32 to index
        %get3A_762 = arith.index_cast %scan3A_605 : i32 to index
        %get3A_763 = arith.constant 176 : index
        %get3A_764 = tpu.vector_load %arg6[%get3A_761, %get3A_762, %get3A_763] {strides = array<i32>} : memref<4x32x256xf32, #tpu.memory_space<vmem>>, vector<1x1x16xf32>,
        %get3A_765 = vector.shape_cast %get3A_764 : vector<1x1x16xf32> to vector<16xf32>
        %add3A_766 = arith.addf %get3A_765, %get3A_37 : vector<16xf32>
        %swap3A_767 = arith.constant 3 : i32
        %swap3A_768 = arith.index_cast %swap3A_767 : i32 to index
        %swap3A_769 = arith.index_cast %scan3A_605 : i32 to index
        %swap3A_770 = arith.constant 176 : index
        %swap3A_771 = tpu.vector_load %arg7[%swap3A_768, %swap3A_769, %swap3A_770] {strides = array<i32>} : memref<4x32x256xf32, #tpu.memory_space<vmem>>, vector<1x1x16xf32>,
        %swap3A_772 = vector.shape_cast %swap3A_771 : vector<1x1x16xf32> to vector<16xf32>
        %swap3A_773 = vector.shape_cast %add3A_766 : vector<16xf32> to vector<1x1x16xf32>
        tpu.vector_store %arg7[%swap3A_768, %swap3A_769, %swap3A_770], %swap3A_773 {strides = array<i32>} : memref<4x32x256xf32, #tpu.memory_space<vmem>>, vector<1x1x16xf32>,
        %get3A_774 = arith.constant 3 : i32
        %get3A_775 = arith.index_cast %get3A_774 : i32 to index
        %get3A_776 = arith.index_cast %scan3A_605 : i32 to index
        %get3A_777 = arith.constant 192 : index
        %get3A_778 = tpu.vector_load %arg6[%get3A_775, %get3A_776, %get3A_777] {strides = array<i32>} : memref<4x32x256xf32, #tpu.memory_space<vmem>>, vector<1x1x16xf32>,
        %get3A_779 = vector.shape_cast %get3A_778 : vector<1x1x16xf32> to vector<16xf32>
        %add3A_780 = arith.addf %get3A_779, %get3A_40 : vector<16xf32>
        %swap3A_781 = arith.constant 3 : i32
        %swap3A_782 = arith.index_cast %swap3A_781 : i32 to index
        %swap3A_783 = arith.index_cast %scan3A_605 : i32 to index
        %swap3A_784 = arith.constant 192 : index
        %swap3A_785 = tpu.vector_load %arg7[%swap3A_782, %swap3A_783, %swap3A_784] {strides = array<i32>} : memref<4x32x256xf32, #tpu.memory_space<vmem>>, vector<1x1x16xf32>,
        %swap3A_786 = vector.shape_cast %swap3A_785 : vector<1x1x16xf32> to vector<16xf32>
        %swap3A_787 = vector.shape_cast %add3A_780 : vector<16xf32> to vector<1x1x16xf32>
        tpu.vector_store %arg7[%swap3A_782, %swap3A_783, %swap3A_784], %swap3A_787 {strides = array<i32>} : memref<4x32x256xf32, #tpu.memory_space<vmem>>, vector<1x1x16xf32>,
        %get3A_788 = arith.constant 3 : i32
        %get3A_789 = arith.index_cast %get3A_788 : i32 to index
        %get3A_790 = arith.index_cast %scan3A_605 : i32 to index
        %get3A_791 = arith.constant 208 : index
        %get3A_792 = tpu.vector_load %arg6[%get3A_789, %get3A_790, %get3A_791] {strides = array<i32>} : memref<4x32x256xf32, #tpu.memory_space<vmem>>, vector<1x1x16xf32>,
        %get3A_793 = vector.shape_cast %get3A_792 : vector<1x1x16xf32> to vector<16xf32>
        %add3A_794 = arith.addf %get3A_793, %get3A_43 : vector<16xf32>
        %swap3A_795 = arith.constant 3 : i32
        %swap3A_796 = arith.index_cast %swap3A_795 : i32 to index
        %swap3A_797 = arith.index_cast %scan3A_605 : i32 to index
        %swap3A_798 = arith.constant 208 : index
        %swap3A_799 = tpu.vector_load %arg7[%swap3A_796, %swap3A_797, %swap3A_798] {strides = array<i32>} : memref<4x32x256xf32, #tpu.memory_space<vmem>>, vector<1x1x16xf32>,
        %swap3A_800 = vector.shape_cast %swap3A_799 : vector<1x1x16xf32> to vector<16xf32>
        %swap3A_801 = vector.shape_cast %add3A_794 : vector<16xf32> to vector<1x1x16xf32>
        tpu.vector_store %arg7[%swap3A_796, %swap3A_797, %swap3A_798], %swap3A_801 {strides = array<i32>} : memref<4x32x256xf32, #tpu.memory_space<vmem>>, vector<1x1x16xf32>,
        %get3A_802 = arith.constant 3 : i32
        %get3A_803 = arith.index_cast %get3A_802 : i32 to index
        %get3A_804 = arith.index_cast %scan3A_605 : i32 to index
        %get3A_805 = arith.constant 224 : index
        %get3A_806 = tpu.vector_load %arg6[%get3A_803, %get3A_804, %get3A_805] {strides = array<i32>} : memref<4x32x256xf32, #tpu.memory_space<vmem>>, vector<1x1x16xf32>,
        %get3A_807 = vector.shape_cast %get3A_806 : vector<1x1x16xf32> to vector<16xf32>
        %add3A_808 = arith.addf %get3A_807, %get3A_46 : vector<16xf32>
        %swap3A_809 = arith.constant 3 : i32
        %swap3A_810 = arith.index_cast %swap3A_809 : i32 to index
        %swap3A_811 = arith.index_cast %scan3A_605 : i32 to index
        %swap3A_812 = arith.constant 224 : index
        %swap3A_813 = tpu.vector_load %arg7[%swap3A_810, %swap3A_811, %swap3A_812] {strides = array<i32>} : memref<4x32x256xf32, #tpu.memory_space<vmem>>, vector<1x1x16xf32>,
        %swap3A_814 = vector.shape_cast %swap3A_813 : vector<1x1x16xf32> to vector<16xf32>
        %swap3A_815 = vector.shape_cast %add3A_808 : vector<16xf32> to vector<1x1x16xf32>
        tpu.vector_store %arg7[%swap3A_810, %swap3A_811, %swap3A_812], %swap3A_815 {strides = array<i32>} : memref<4x32x256xf32, #tpu.memory_space<vmem>>, vector<1x1x16xf32>,
        %get3A_816 = arith.constant 3 : i32
        %get3A_817 = arith.index_cast %get3A_816 : i32 to index
        %get3A_818 = arith.index_cast %scan3A_605 : i32 to index
        %get3A_819 = arith.constant 240 : index
        %get3A_820 = tpu.vector_load %arg6[%get3A_817, %get3A_818, %get3A_819] {strides = array<i32>} : memref<4x32x256xf32, #tpu.memory_space<vmem>>, vector<1x1x16xf32>,
        %get3A_821 = vector.shape_cast %get3A_820 : vector<1x1x16xf32> to vector<16xf32>
        %add3A_822 = arith.addf %get3A_821, %get3A_49 : vector<16xf32>
        %swap3A_823 = arith.constant 3 : i32
        %swap3A_824 = arith.index_cast %swap3A_823 : i32 to index
        %swap3A_825 = arith.index_cast %scan3A_605 : i32 to index
        %swap3A_826 = arith.constant 240 : index
        %swap3A_827 = tpu.vector_load %arg7[%swap3A_824, %swap3A_825, %swap3A_826] {strides = array<i32>} : memref<4x32x256xf32, #tpu.memory_space<vmem>>, vector<1x1x16xf32>,
        %swap3A_828 = vector.shape_cast %swap3A_827 : vector<1x1x16xf32> to vector<16xf32>
        %swap3A_829 = vector.shape_cast %add3A_822 : vector<16xf32> to vector<1x1x16xf32>
        tpu.vector_store %arg7[%swap3A_824, %swap3A_825, %swap3A_826], %swap3A_829 {strides = array<i32>} : memref<4x32x256xf32, #tpu.memory_space<vmem>>, vector<1x1x16xf32>,
      }
      %scan3A_356 = arith.constant 32 : i32
      %mul3A_357 = arith.constant 32 : i32
      %mul3A_358 = arith.muli %add3A_329, %mul3A_357 : i32
      %add3A_359 = arith.addi %mul3A_2, %mul3A_358 : i32
      %dma_start3A_360 = arith.constant 3 : i32
      %dma_start3A_361 = arith.constant 0 : i32
      %dma_start3A_362 = arith.constant 0 : i32
      %dma_start3A_363 = tpu.memref_slice %arg7[%dma_start3A_360, %dma_start3A_361, %dma_start3A_362] : memref<4x32x256xf32, #tpu.memory_space<vmem>> -> memref<1x32x256xf32, #tpu.memory_space<vmem>>
      %dma_start3A_364 = tpu.memref_squeeze %dma_start3A_363 : memref<1x32x256xf32, #tpu.memory_space<vmem>> -> memref<32x256xf32, #tpu.memory_space<vmem>>
      %dma_start3A_365 = arith.constant 0 : i32
      %dma_start3A_366 = tpu.memref_slice %arg4[%add3A_359, %dma_start3A_365] : memref<65536x256xf32, #tpu.memory_space<hbm>> -> memref<32x256xf32, #tpu.memory_space<hbm>>
      %dma_start3A_367 = arith.constant 0 : i32
      %dma_start3A_368 = tpu.memref_slice %arg4[%add3A_359, %dma_start3A_367] : memref<65536x256xf32, #tpu.memory_space<hbm>> -> memref<32x256xf32, #tpu.memory_space<hbm>>
      %dma_start3A_369 = arith.constant 0 : i32
      %dma_start3A_370 = arith.constant 0 : i32
      %dma_start3A_371 = tpu.memref_slice %arg7[%dma_start3A_360, %dma_start3A_369, %dma_start3A_370] : memref<4x32x256xf32, #tpu.memory_space<vmem>> -> memref<1x32x256xf32, #tpu.memory_space<vmem>>
      %dma_start3A_372 = tpu.memref_squeeze %dma_start3A_371 : memref<1x32x256xf32, #tpu.memory_space<vmem>> -> memref<32x256xf32, #tpu.memory_space<vmem>>
      tpu.enqueue_dma source(%dma_start3A_372 : memref<32x256xf32, #tpu.memory_space<vmem>>) target(%dma_start3A_368 : memref<32x256xf32, #tpu.memory_space<hbm>>) target_semaphore(%arg15 : memref<!tpu.dma_semaphore, #tpu.memory_space<semaphore_mem>>)
      %add3A_373 = arith.constant 4 : i32
      %add3A_374 = arith.addi %add3A_329, %add3A_373 : i32
      %lt3A_375 = arith.constant 64 : i32
      %lt3A_376 = arith.cmpi slt, %add3A_374, %lt3A_375 : i32
      %convert_element_type3A_377 = arith.extui %lt3A_376 : i1 to i32
      %cond3A_378 = arith.constant 0 : i32
      %cond3A_379 = arith.cmpi ne, %convert_element_type3A_377, %cond3A_378 : i32
      scf.if %cond3A_379 {
        %add3A_380 = arith.constant 4 : i32
        %add3A_381 = arith.addi %add3A_329, %add3A_380 : i32
        %mul3A_382 = arith.constant 32 : i32
        %mul3A_383 = arith.muli %add3A_381, %mul3A_382 : i32
        %add3A_384 = arith.addi %mul3A_2, %mul3A_383 : i32
        %dma_start3A_385 = arith.constant 3 : i32
        %dma_start3A_386 = arith.constant 0 : i32
        %dma_start3A_387 = arith.constant 0 : i32
        %dma_start3A_388 = tpu.memref_slice %arg6[%dma_start3A_385, %dma_start3A_386, %dma_start3A_387] : memref<4x32x256xf32, #tpu.memory_space<vmem>> -> memref<1x32x256xf32, #tpu.memory_space<vmem>>
        %dma_start3A_389 = tpu.memref_squeeze %dma_start3A_388 : memref<1x32x256xf32, #tpu.memory_space<vmem>> -> memref<32x256xf32, #tpu.memory_space<vmem>>
        %dma_start3A_390 = arith.constant 0 : i32
        %dma_start3A_391 = tpu.memref_slice %arg3[%add3A_384, %dma_start3A_390] : memref<65536x256xf32, #tpu.memory_space<hbm>> -> memref<32x256xf32, #tpu.memory_space<hbm>>
        %dma_start3A_392 = arith.constant 0 : i32
        %dma_start3A_393 = arith.constant 0 : i32
        %dma_start3A_394 = tpu.memref_slice %arg6[%dma_start3A_385, %dma_start3A_392, %dma_start3A_393] : memref<4x32x256xf32, #tpu.memory_space<vmem>> -> memref<1x32x256xf32, #tpu.memory_space<vmem>>
        %dma_start3A_395 = tpu.memref_squeeze %dma_start3A_394 : memref<1x32x256xf32, #tpu.memory_space<vmem>> -> memref<32x256xf32, #tpu.memory_space<vmem>>
        %dma_start3A_396 = arith.constant 0 : i32
        %dma_start3A_397 = tpu.memref_slice %arg3[%add3A_384, %dma_start3A_396] : memref<65536x256xf32, #tpu.memory_space<hbm>> -> memref<32x256xf32, #tpu.memory_space<hbm>>
        tpu.enqueue_dma source(%dma_start3A_397 : memref<32x256xf32, #tpu.memory_space<hbm>>) target(%dma_start3A_395 : memref<32x256xf32, #tpu.memory_space<vmem>>) target_semaphore(%arg11 : memref<!tpu.dma_semaphore, #tpu.memory_space<semaphore_mem>>)
      } else {
      }
    }
    %scan3A_113 = arith.constant 16 : i32
    %add3A_114 = arith.constant 1920 : i32
    %add3A_115 = arith.addi %mul3A_2, %add3A_114 : i32
    %dma_wait3A = arith.constant 0 : i32
    %dma_wait3A_116 = arith.constant 0 : i32
    %dma_wait3A_117 = arith.constant 0 : i32
    %dma_wait3A_118 = tpu.memref_slice %arg7[%dma_wait3A, %dma_wait3A_116, %dma_wait3A_117] : memref<4x32x256xf32, #tpu.memory_space<vmem>> -> memref<1x32x256xf32, #tpu.memory_space<vmem>>
    %dma_wait3A_119 = tpu.memref_squeeze %dma_wait3A_118 : memref<1x32x256xf32, #tpu.memory_space<vmem>> -> memref<32x256xf32, #tpu.memory_space<vmem>>
    %dma_wait3A_120 = arith.constant 0 : i32
    %dma_wait3A_121 = tpu.memref_slice %arg4[%add3A_115, %dma_wait3A_120] : memref<65536x256xf32, #tpu.memory_space<hbm>> -> memref<32x256xf32, #tpu.memory_space<hbm>>
    %dma_wait3A_122 = arith.constant 0 : i32
    %dma_wait3A_123 = tpu.memref_slice %arg4[%add3A_115, %dma_wait3A_122] : memref<65536x256xf32, #tpu.memory_space<hbm>> -> memref<32x256xf32, #tpu.memory_space<hbm>>
    %dma_wait3A_124 = arith.constant 0 : i32
    %dma_wait3A_125 = arith.constant 0 : i32
    %dma_wait3A_126 = tpu.memref_slice %arg7[%dma_wait3A, %dma_wait3A_124, %dma_wait3A_125] : memref<4x32x256xf32, #tpu.memory_space<vmem>> -> memref<1x32x256xf32, #tpu.memory_space<vmem>>
    %dma_wait3A_127 = tpu.memref_squeeze %dma_wait3A_126 : memref<1x32x256xf32, #tpu.memory_space<vmem>> -> memref<32x256xf32, #tpu.memory_space<vmem>>
    tpu.wait_dma2 semaphore(%arg12 : memref<!tpu.dma_semaphore, #tpu.memory_space<semaphore_mem>>) src(%dma_wait3A_127 : memref<32x256xf32, #tpu.memory_space<vmem>>) dst(%dma_wait3A_123 : memref<32x256xf32, #tpu.memory_space<hbm>>)
    %add3A_128 = arith.constant 1952 : i32
    %add3A_129 = arith.addi %mul3A_2, %add3A_128 : i32
    %dma_wait3A_130 = arith.constant 1 : i32
    %dma_wait3A_131 = arith.constant 0 : i32
    %dma_wait3A_132 = arith.constant 0 : i32
    %dma_wait3A_133 = tpu.memref_slice %arg7[%dma_wait3A_130, %dma_wait3A_131, %dma_wait3A_132] : memref<4x32x256xf32, #tpu.memory_space<vmem>> -> memref<1x32x256xf32, #tpu.memory_space<vmem>>
    %dma_wait3A_134 = tpu.memref_squeeze %dma_wait3A_133 : memref<1x32x256xf32, #tpu.memory_space<vmem>> -> memref<32x256xf32, #tpu.memory_space<vmem>>
    %dma_wait3A_135 = arith.constant 0 : i32
    %dma_wait3A_136 = tpu.memref_slice %arg4[%add3A_129, %dma_wait3A_135] : memref<65536x256xf32, #tpu.memory_space<hbm>> -> memref<32x256xf32, #tpu.memory_space<hbm>>
    %dma_wait3A_137 = arith.constant 0 : i32
    %dma_wait3A_138 = tpu.memref_slice %arg4[%add3A_129, %dma_wait3A_137] : memref<65536x256xf32, #tpu.memory_space<hbm>> -> memref<32x256xf32, #tpu.memory_space<hbm>>
    %dma_wait3A_139 = arith.constant 0 : i32
    %dma_wait3A_140 = arith.constant 0 : i32
    %dma_wait3A_141 = tpu.memref_slice %arg7[%dma_wait3A_130, %dma_wait3A_139, %dma_wait3A_140] : memref<4x32x256xf32, #tpu.memory_space<vmem>> -> memref<1x32x256xf32, #tpu.memory_space<vmem>>
    %dma_wait3A_142 = tpu.memref_squeeze %dma_wait3A_141 : memref<1x32x256xf32, #tpu.memory_space<vmem>> -> memref<32x256xf32, #tpu.memory_space<vmem>>
    tpu.wait_dma2 semaphore(%arg13 : memref<!tpu.dma_semaphore, #tpu.memory_space<semaphore_mem>>) src(%dma_wait3A_142 : memref<32x256xf32, #tpu.memory_space<vmem>>) dst(%dma_wait3A_138 : memref<32x256xf32, #tpu.memory_space<hbm>>)
    %add3A_143 = arith.constant 1984 : i32
    %add3A_144 = arith.addi %mul3A_2, %add3A_143 : i32
    %dma_wait3A_145 = arith.constant 2 : i32
    %dma_wait3A_146 = arith.constant 0 : i32
    %dma_wait3A_147 = arith.constant 0 : i32
    %dma_wait3A_148 = tpu.memref_slice %arg7[%dma_wait3A_145, %dma_wait3A_146, %dma_wait3A_147] : memref<4x32x256xf32, #tpu.memory_space<vmem>> -> memref<1x32x256xf32, #tpu.memory_space<vmem>>
    %dma_wait3A_149 = tpu.memref_squeeze %dma_wait3A_148 : memref<1x32x256xf32, #tpu.memory_space<vmem>> -> memref<32x256xf32, #tpu.memory_space<vmem>>
    %dma_wait3A_150 = arith.constant 0 : i32
    %dma_wait3A_151 = tpu.memref_slice %arg4[%add3A_144, %dma_wait3A_150] : memref<65536x256xf32, #tpu.memory_space<hbm>> -> memref<32x256xf32, #tpu.memory_space<hbm>>
    %dma_wait3A_152 = arith.constant 0 : i32
    %dma_wait3A_153 = tpu.memref_slice %arg4[%add3A_144, %dma_wait3A_152] : memref<65536x256xf32, #tpu.memory_space<hbm>> -> memref<32x256xf32, #tpu.memory_space<hbm>>
    %dma_wait3A_154 = arith.constant 0 : i32
    %dma_wait3A_155 = arith.constant 0 : i32
    %dma_wait3A_156 = tpu.memref_slice %arg7[%dma_wait3A_145, %dma_wait3A_154, %dma_wait3A_155] : memref<4x32x256xf32, #tpu.memory_space<vmem>> -> memref<1x32x256xf32, #tpu.memory_space<vmem>>
    %dma_wait3A_157 = tpu.memref_squeeze %dma_wait3A_156 : memref<1x32x256xf32, #tpu.memory_space<vmem>> -> memref<32x256xf32, #tpu.memory_space<vmem>>
    tpu.wait_dma2 semaphore(%arg14 : memref<!tpu.dma_semaphore, #tpu.memory_space<semaphore_mem>>) src(%dma_wait3A_157 : memref<32x256xf32, #tpu.memory_space<vmem>>) dst(%dma_wait3A_153 : memref<32x256xf32, #tpu.memory_space<hbm>>)
    %add3A_158 = arith.constant 2016 : i32
    %add3A_159 = arith.addi %mul3A_2, %add3A_158 : i32
    %dma_wait3A_160 = arith.constant 3 : i32
    %dma_wait3A_161 = arith.constant 0 : i32
    %dma_wait3A_162 = arith.constant 0 : i32
    %dma_wait3A_163 = tpu.memref_slice %arg7[%dma_wait3A_160, %dma_wait3A_161, %dma_wait3A_162] : memref<4x32x256xf32, #tpu.memory_space<vmem>> -> memref<1x32x256xf32, #tpu.memory_space<vmem>>
    %dma_wait3A_164 = tpu.memref_squeeze %dma_wait3A_163 : memref<1x32x256xf32, #tpu.memory_space<vmem>> -> memref<32x256xf32, #tpu.memory_space<vmem>>
    %dma_wait3A_165 = arith.constant 0 : i32
    %dma_wait3A_166 = tpu.memref_slice %arg4[%add3A_159, %dma_wait3A_165] : memref<65536x256xf32, #tpu.memory_space<hbm>> -> memref<32x256xf32, #tpu.memory_space<hbm>>
    %dma_wait3A_167 = arith.constant 0 : i32
    %dma_wait3A_168 = tpu.memref_slice %arg4[%add3A_159, %dma_wait3A_167] : memref<65536x256xf32, #tpu.memory_space<hbm>> -> memref<32x256xf32, #tpu.memory_space<hbm>>
    %dma_wait3A_169 = arith.constant 0 : i32
    %dma_wait3A_170 = arith.constant 0 : i32
    %dma_wait3A_171 = tpu.memref_slice %arg7[%dma_wait3A_160, %dma_wait3A_169, %dma_wait3A_170] : memref<4x32x256xf32, #tpu.memory_space<vmem>> -> memref<1x32x256xf32, #tpu.memory_space<vmem>>
    %dma_wait3A_172 = tpu.memref_squeeze %dma_wait3A_171 : memref<1x32x256xf32, #tpu.memory_space<vmem>> -> memref<32x256xf32, #tpu.memory_space<vmem>>
    tpu.wait_dma2 semaphore(%arg15 : memref<!tpu.dma_semaphore, #tpu.memory_space<semaphore_mem>>) src(%dma_wait3A_172 : memref<32x256xf32, #tpu.memory_space<vmem>>) dst(%dma_wait3A_168 : memref<32x256xf32, #tpu.memory_space<hbm>>)
    return
  }
}

</mosaic_0001>

<sc_bundles>
// kernel: kernel.3.cloned.1.call-start
scs
__scs_entry_jumppad:
0x0: {  	(pc) =	sbr.rel $0x88, $3  }
0x1: {  	(tag) =	ssettag $0x0;
	lr =	simm.s32 $0x1  }
0x2: {  	[smem:$0x3F9F] =	sst lr;
	_ =	strace $0xD0000000  }
0x3: {  	_ = 	snop  }
0x4: {  	_ = 	snop  }
0x5: {  	_ = 	snop  }
0x6: {  	_ = 	snop  }
0x7: {  	_ = 	snop  }
__scs_overlays_trampoline_lowered:
0x8: {  	[smem:$0x3FAE] =	sst s0  }
0x9: {  	[smem:$0x3FAF] =	sst s1  }
0xa: {  	[smem:$0x3FB0] =	sst s2  }
0xb: {  	[smem:$0x3FB1] =	sst s3  }
0xc: {  	[smem:$0x3FB2] =	sst s4  }
0xd: {  	[smem:$0x3FB3] =	sst s5  }
0xe: {  	[smem:$0x3FB4] =	sst s6  }
0xf: {  	[smem:$0x3FB5] =	sst s7  }
0x10: {  	[smem:$0x3FB6] =	sst s8  }
0x11: {  	[smem:$0x3FB7] =	sst s9;
	s0 =	simm.s32 @!p0 $0x0  }
0x12: {  	s1 =	sld [smem:$0x3F9D];
	s0 =	simm.s32 @p0 $0x1  }
0x13: {  	[smem:$0x3FB8] =	sst s0;
	s0 =	simm.s32 @!p1 $0x0  }
0x14: {  	s2 =	sld [smem:$0x3F9C];
	s0 =	simm.s32 @p1 $0x1  }
0x15: {  	[smem:$0x3FB9] =	sst s0;
	s0 =	simm.s32 @!p2 $0x0  }
0x16: {  	s3 =	sld [smem:$0x3FDB];
	s0 =	simm.s32 @p2 $0x1  }
0x17: {  	s4 =	simm.s32 $0x1BF5;
	[smem:$0x3FBB] =	sst s0  }
0x18: {  	s0 =	sld [smem:$0x3F9E];
	_ =	swait.ge [sflag:s4], $0x0  }
0x19: {  	s7 =	sld [smem:$0x3F9F]  }
0x1a: {  	s8 =	sadd.s32 $0xFFFFE003, lr  }
0x1b: {  	s9 =	sadd.s32 $0xFFFFFEF7, lr;
	s5 =	simm.s32 $0xFFFFFFFF;
	p2 =	slt.u32 s8, $0xFFFFF086  }
0x1c: {  	p1 =	slt.u32 s9, $0xF7A;
	s5 =	simm.s32 @!p2 $0x0  }
0x1d: {  	s5 =	simm.s32 @p1 $0x1;
	p0 =	seq.s32 s7, s2  }
0x1e: {  	s7 =	smul.u32 @!p0 $0xF7A, s2;
	p2 =	seq.s32 @!p0 s5, $0x0  }
0x1f: {  	s9 =	smul.u32 $0xF7A, s1;
	s8 =	simm.s32 @!p0 $0x1BF5;
	p2 =	por !p2, p0  }
0x20: {  	[sflag:s8] =	ssyncset.s32 @!p0 $0xFFFFF086;
	s6 =	sadd.s32 @!p0 s3, s7;
	s7 =	simm.s32 @!p0 $0x108  }
0x21: {  	s3 =	sadd.s32 s3, s9;
	s6 =	sadd.s32 @!p0 $0x88, s6;
	s7 =	simm.s32 @p2 $0x1082  }
0x22: {  	[simem:s7], [sflag:s8] =	dma.local @!p0 [hbm:s6], $0xF7A  }
0x23: {  	s9 =	sor.u32 $0xD0000000, s2;
	s6 =	simm.s32 $0x108;
	_ =	swait.ge @!p0 [sflag:s8], $0x0  }
0x24: {  	s3 =	sadd.s32 $0x88, s3;
	s6 =	simm.s32 @!p1 $0x1082;
	[sflag:s4] =	ssyncset.s32 $0xFFFFF086  }
0x25: {  	[simem:s6], [sflag:s4] =	dma.local [hbm:s3], $0xF7A  }
0x26: {  	[smem:$0x3F9F] =	sst s1;
	(tag) =	ssettag s2;
	_ =	strace s9  }
0x27: {  	s1 =	sld [smem:$0x3FAF]  }
0x28: {  	s2 =	sld [smem:$0x3FB0]  }
0x29: {  	s4 =	sld [smem:$0x3FB2]  }
0x2a: {  	p0 =	seq.s32 s5, $0x0;
	s5 =	sld [smem:$0x3FB3]  }
0x2b: {  	s6 =	sld [smem:$0x3FB4]  }
0x2c: {  	s7 =	sld [smem:$0x3FB5]  }
0x2d: {  	s3 =	simm.s32 $0x108;
	s8 =	sld [smem:$0x3FB6]  }
0x2e: {  	s3 =	simm.s32 @!p0 $0x1082;
	s9 =	sld [smem:$0x3FB7]  }
0x2f: {  	lr =	sadd.s32 s0, s3;
	s0 =	sld [smem:$0x3FAE]  }
0x30: {  	s3 =	sld [smem:$0x3FB1]  }
0x31: {  	[smem:$0x3FBA] =	sst s10  }
0x32: {  	s10 =	sld [smem:$0x3FB8];
	_ =	sdelay $0x3  }
0x33: {  	p0 =	seq.s32 s10, $0x1;
	s10 =	sld [smem:$0x3FBA];
	_ =	sdelay $0x3  }
0x34: {  	[smem:$0x3FBA] =	sst s10  }
0x35: {  	s10 =	sld [smem:$0x3FB9];
	_ =	sdelay $0x3  }
0x36: {  	p1 =	seq.s32 s10, $0x1;
	s10 =	sld [smem:$0x3FBA];
	_ =	sdelay $0x3  }
0x37: {  	[smem:$0x3FBA] =	sst s10  }
0x38: {  	s10 =	sld [smem:$0x3FBB]  }
0x39: {  	_ = 	snop;
	(pc) =	sbr.ind lr, $3  }
0x3a: {  	_ = 	snop  }
0x3b: {  	_ = 	snop  }
0x3c: {  	p2 =	seq.s32 s10, $0x1;
	s10 =	sld [smem:$0x3FBA]  }
0x3d: {  	_ =	shalt  }
0x3e: {  	_ =	shalt  }
0x3f: {  	_ =	shalt  }
0x40: {  	_ =	shalt  }
0x41: {  	_ =	shalt  }
0x42: {  	_ =	shalt  }
0x43: {  	_ =	shalt  }
0x44: {  	_ =	shalt  }
0x45: {  	_ =	shalt  }
0x46: {  	_ =	shalt  }
0x47: {  	_ =	shalt  }
0x48: {  	_ =	shalt  }
0x49: {  	_ =	shalt  }
0x4a: {  	_ =	shalt  }
0x4b: {  	_ =	shalt  }
0x4c: {  	_ =	shalt  }
0x4d: {  	_ =	shalt  }
0x4e: {  	_ =	shalt  }
0x4f: {  	_ =	shalt  }
0x50: {  	_ =	shalt  }
0x51: {  	_ =	shalt  }
0x52: {  	_ =	shalt  }
0x53: {  	_ =	shalt  }
0x54: {  	_ =	shalt  }
0x55: {  	_ =	shalt  }
0x56: {  	_ =	shalt  }
0x57: {  	_ =	shalt  }
0x58: {  	_ =	shalt  }
0x59: {  	_ =	shalt  }
0x5a: {  	_ =	shalt  }
0x5b: {  	_ =	shalt  }
0x5c: {  	_ =	shalt  }
0x5d: {  	_ =	shalt  }
0x5e: {  	_ =	shalt  }
0x5f: {  	_ =	shalt  }
0x60: {  	_ =	shalt  }
0x61: {  	_ =	shalt  }
0x62: {  	_ =	shalt  }
0x63: {  	_ =	shalt  }
0x64: {  	_ =	shalt  }
0x65: {  	_ =	shalt  }
0x66: {  	_ =	shalt  }
0x67: {  	_ =	shalt  }
0x68: {  	_ =	shalt  }
0x69: {  	_ =	shalt  }
0x6a: {  	_ =	shalt  }
0x6b: {  	_ =	shalt  }
0x6c: {  	_ =	shalt  }
0x6d: {  	_ =	shalt  }
0x6e: {  	_ =	shalt  }
0x6f: {  	_ =	shalt  }
0x70: {  	_ =	shalt  }
0x71: {  	_ =	shalt  }
0x72: {  	_ =	shalt  }
0x73: {  	_ =	shalt  }
0x74: {  	_ =	shalt  }
0x75: {  	_ =	shalt  }
0x76: {  	_ =	shalt  }
0x77: {  	_ =	shalt  }
0x78: {  	_ =	shalt  }
0x79: {  	_ =	shalt  }
0x7a: {  	_ =	shalt  }
0x7b: {  	_ =	shalt  }
0x7c: {  	_ =	shalt  }
0x7d: {  	_ =	shalt  }
0x7e: {  	_ =	shalt  }
0x7f: {  	_ =	shalt  }
0x80: {  	_ =	shalt  }
0x81: {  	_ =	shalt  }
0x82: {  	_ =	shalt  }
0x83: {  	_ =	shalt  }
0x84: {  	_ =	shalt  }
0x85: {  	_ =	shalt  }
0x86: {  	_ =	shalt  }
0x87: {  	_ =	shalt  }
.Lfunc_end0:
.L_simem_size_0:
called_computation_lowered:
.L_overlay_start_0:
0x88: {  	s2 =	sld [smem:$0x3FD9]  }
0x89: {  	s3 =	sld [smem:$0x3FFE];
	_ =	sdelay $0x1  }
0x8a: {  	s1 =	srdreg.scid  }
0x8b: {  	s0 =	sand.u32 $0x1, s1  }
0x8c: {  	s18 =	sshll.u32 s0, $0xA;
	s2 =	sadd.s32 s3, s2  }
0x8d: {  	s2 =	sadd.s32 s2, s18  }
0x8e: {  	[smem:$0x3FC6] =	sst s2  }
0x8f: {  	_ = 	snop  }
0x90: {  	s2 =	sld [smem:$0x3FC9]  }
0x91: {  	s19 =	sld [smem:$0x3FC8]  }
0x92: {  	s4 =	sld [smem:$0x3FD0];
	(tm) =	ssettm $0x1  }
0x93: {  	s5 =	sld [smem:$0x3FFB];
	_ =	sdelay $0x3  }
0x94: {  	_ =	strace s5  }
0x95: {  	s5 =	sld [smem:$0x3FFC];
	_ =	sdelay $0x3  }
0x96: {  	_ =	strace s5  }
0x97: {  	s5 =	sld [smem:$0x3FFD];
	_ =	sdelay $0x3  }
0x98: {  	_ =	strace s5  }
0x99: {  	_ =	strace $0x8FFFFFFF  }
0x9a: {  	s20 =	sld [smem:$0x3FDB];
	_ =	sdelay $0x1  }
0x9b: {  	s6 =	simm.s32 $_scs_section_size  }
0x9c: {  	s7 =	simm.s32 $_size__tile_overlayer_lowered;
	s8 =	simm.s32 $_tile_overlayer_lowered  }
0x9d: {  	s23 =	simm.s32 $0x1BFF;
	s22 =	sshll.u32 s8, $0x1;
	s5 =	sadd.s32 s6, s20  }
0x9e: {  	s9 =	simm.s32 $0x0;
	s21 =	sshll.u32 s7, $0x1;
	s7 =	sadd.s32 s22, s5  }
0x9f: {  	[timem:s9], [sflag:s23] =	dma.local [hbm:s7], s21  }
0xa0: {  	_ =	swait.ge [sflag:s23], s21  }
0xa1: {  	s6 =	ssub.s32 $0x0, s21;
	[sflag:s23] =	ssyncset.done $0x0  }
0xa2: {  	[sflag:s23] =	ssyncadd.s32 s6;
	_ =	sdelay $0x1  }
0xa3: {  	s24 =	simm.s32 $0x1B8B  }
0xa4: {  	_ =	swait.ge [sflag:s24], $0x1  }
0xa5: {  	[sflag:s24] =	ssyncset.done $0x0  }
0xa6: {  	s25 =	simm.s32 $0x1B8E;
	[sflag:s24] =	ssyncadd.s32 $0xFFFFFFFF  }
0xa7: {  	s26 =	simm.s32 $execute0_lowered;
	[smem:$0x3FD2] =	sst s25  }
0xa8: {  	s6 =	sshll.u32 s26, $0x1;
	_ =	strace $0x80000046;
	[dreg:$0x1] =	wrdreg $0xFFFFFFFF  }
0xa9: {  	s28 =	simm.s32 $_size_execute0_lowered;
	s5 =	sadd.s32 s5, s6;
	[dreg:$0x0] =	wrdreg $0x0  }
0xaa: {  	s6 =	sshll.u32 s28, $0x1;
	[dreg:$0x2] =	wrdreg s5  }
0xab: {  	[dreg:$0x3] =	wrdreg s6  }
0xac: {  	[dreg:$0x4] =	wrdreg $0xC0  }
0xad: {  	_ =	task [dreg:s9], $0x5FFFF  }
0xae: {  	[dreg:$0x1] =	wrdreg $0xFFFFFFFF  }
0xaf: {  	[dreg:$0x0] =	wrdreg $0x60  }
0xb0: {  	[dreg:$0x2] =	wrdreg s2  }
0xb1: {  	[dreg:$0x3] =	wrdreg s19  }
0xb2: {  	[dreg:$0x4] =	wrdreg s4  }
0xb3: {  	[dreg:$0x5] =	wrdreg $0x9  }
0xb4: {  	_ =	task.clear_ibuf [dreg:s9], $0x6FFFF;
	_ =	strace $0x90000046  }
0xb5: {  	s29 =	simm.s32 $0x9;
	_ =	strace $0x80000048  }
0xb6: {  	_ =	swait.ge [sflag:s29], $0x1  }
0xb7: {  	[sflag:s29] =	ssyncadd.s32 $0xFFFFFFFF  }
0xb8: {  	_ =	strace $0x90000048  }
0xb9: {  	_ =	sfence  }
0xba: {  	s30 =	sld [smem:$0x0];
	_ =	sdelay $0x2  }
0xbb: {  	s31 =	sshll.u32 s1, $0xD;
	s1 =	sshrl.u32 s1, $0x2  }
0xbc: {  	s3 =	sand.u32 $0x4000, s31;
	s1 =	sadd.s32 s1, s30  }
0xbd: {  	s0 =	sor.u32 s3, s0;
	s1 =	sshll.u32 s1, $0x11  }
0xbe: {  	s0 =	sor.u32 s1, s0  }
0xbf: {  	s0 =	sadd.s32 $0x8F2B, s0  }
0xc0: {  	[sflag:s0] =	ssyncadd.remote.s32 $0x1  }
0xc1: {  	_ =	sfence.sel $0xFFFF  }
0xc2: {  	[dreg:$0x0] =	wrdreg $0xFFFFFFFF;
	(pc) =	sbr.abs _section_cstart, $3  }
0xc3: {  	[dreg:$0x1] =	wrdreg $0xFFFFFFFF  }
0xc4: {  	_ =	task.clear_ibuf [dreg:s9], $0x2FFFF;
	_ =	strace $0x9FFFFFFF  }
0xc5: {  	(tm) =	ssettm $0x7FFFFFFF  }
tec
execute0_lowered:
.L_overlay_start_1:
0x0: {  	(tag) =	ssettag $0x1  }
0x1: {  	s0 =	rddreg [dreg:$0x0]  }
0x2: {  	s1 =	rddreg [dreg:$0x1]  }
0x3: {  	s2 =	rddreg [dreg:$0x2]  }
0x4: {  	s4 =	srdreg.scid;
	s3 =	simm.s32 $0x0;
	s8 =	stileid.u32  }
0x5: {  	s28 =	simm.s32 $0xA100;
	s29 =	simm.s32 $0x3;
	s30 =	simm.s32 $0x7  }
0x6: {  	s31 =	simm.s32 $0xC100;
	s4 =	sand.u32 $0x1, s4;
	[smem:$0x7FF] =	sst s3  }
0x7: {  	s6 =	sshll.u32 s8, $0x1;
	s21 =	sshll.u32 s8, $0x6;
	s13 =	sadd.s32 $0x800, s2  }
0x8: {  	s5 =	ssub.s32 $0x2, s4;
	_ =	strace $0x80000047;
	s6 =	sor.u32 s4, s6  }
0x9: {  	s8 =	sand.u32 $0x300, s21;
	s21 =	simm.s32 $0x2100;
	s7 =	sshrl.u32 s5, $0x1  }
0xa: {  	s4 =	sshll.u32 s6, $0xB;
	s9 =	sshll.u32 s6, $0x4;
	s0 =	sadd.s32 s0, s8  }
0xb: {  	s7 =	ssub.s32 s5, s7;
	s5 =	sshll.u32 s6, $0x10;
	s22 =	sand.u32 $0x70, s9  }
0xc: {  	s8 =	simm.s32 $0x0;
	s1 =	sadd.s32 s1, s5;
	s0 =	sadd.s32 s22, s0  }
0xd: {  	s26 =	smax.u32 s7, $0x1;
	[dreg:$0x5] =	wrdreg s0;
	s23 =	sadd.s32 $0x400, s1  }
0xe: {  	s24 =	sadd.s32 $0x800, s1;
	s25 =	sadd.s32 $0xC00, s1;
	[dreg:$0x4] =	wrdreg s1  }
.Ltmp0:
0xf: {  	s11 =	sadd.s32 $0x1000, s1;
	[dreg:$0x9] =	wrdreg s26;
	(pc) =	sbr.rel .LBB2_1-.Ltmp0, $4  }
0x10: {  	s12 =	sadd.s32 $0x1400, s1;
	s14 =	sadd.s32 $0x1800, s1;
	[dreg:$0x6] =	wrdreg s23  }
0x11: {  	s15 =	sadd.s32 $0x1C00, s1;
	s26 =	simm.s32 $0x2;
	[dreg:$0x7] =	wrdreg s24  }
0x12: {  	s0 =	simm.s32 $0x4;
	s1 =	simm.s32 $0xE100;
	[dreg:$0x8] =	wrdreg s25  }
0x13: {  	s23 =	simm.s32 $0x6100;
	s24 =	simm.s32 $0x1;
	s25 =	simm.s32 $0x8100  }
.LBB2_16:
0x14: {  	s6 =	simm.s32 $0x5  }
0x15: {  	_ =	swait.ge [sflag:s6], $0x2000  }
0x16: {  	[sflag:s6] =	ssyncset.done $0x0  }
0x17: {  	s20 =	simm.s32 $0x6;
	[sflag:s6] =	ssyncadd.s32 $0xFFFFE000  }
0x18: {  	_ =	swait.ge [sflag:s20], $0x2000  }
0x19: {  	[sflag:s20] =	ssyncset.done $0x0  }
0x1a: {  	[sflag:s20] =	ssyncadd.s32 $0xFFFFE000  }
0x1b: {  	_ =	swait.ge [sflag:s30], $0x2000  }
0x1c: {  	[sflag:s30] =	ssyncset.done $0x0  }
0x1d: {  	s7 =	simm.s32 $0x8;
	[sflag:s30] =	ssyncadd.s32 $0xFFFFE000  }
0x1e: {  	_ =	swait.ge [sflag:s7], $0x2000  }
0x1f: {  	s8 =	rddreg [dreg:$0xa]  }
0x20: {  	s22 =	rddreg [dreg:$0x9];
	s8 =	sadd.s32 $0x1, s8  }
0x21: {  	p0 =	sne.s32 s8, s22  }
.Ltmp1:
0x22: {  	_ = 	snop;
	(pc) =	sbr.rel @!p0 .LBB2_17-.Ltmp1, $3  }
0x23: {  	_ =	sdelay $0x1  }
0x24: {  	[sflag:s7] =	ssyncset.done $0x0  }
0x25: {  	[sflag:s7] =	ssyncadd.s32 $0xFFFFE000  }
.LBB2_1:
0x26: {  	[dreg:$0xa] =	wrdreg s8  }
0x27: {  	s6 =	rddreg [dreg:$0x5]  }
0x28: {  	s7 =	simm.s32 $0x80;
	s9 =	simm.s32 $0x400;
	s10 =	simm.s32 $0x9  }
0x29: {  	[tilespmem:s3], [sflag:$0x9] =	stream.strided.gather [hbm4b:s6+s7], $0x100, s9, s7, $0x38;
	[tilespmem:$0x10100] =	vst v63  }
0x2a: {  	_ =	swait.ge [sflag:s10], $0x100  }
0x2b: {  	[sflag:s10] =	ssyncset.done $0x0  }
0x2c: {  	[sflag:s10] =	ssyncadd.s32 $0xFFFFFF00  }
0x2d: {  	v0 =	vld [tilespmem:$0x0]  }
0x2e: {  	v1 =	vld [tilespmem:$0x10]  }
0x2f: {  	v2 =	vld [tilespmem:$0x20]  }
0x30: {  	v3 =	vld [tilespmem:$0x30]  }
0x31: {  	v4 =	vld [tilespmem:$0x40]  }
0x32: {  	v5 =	vld [tilespmem:$0x50]  }
0x33: {  	v6 =	vld [tilespmem:$0x60]  }
0x34: {  	v7 =	vld [tilespmem:$0x70]  }
0x35: {  	v8 =	vld [tilespmem:$0x80]  }
0x36: {  	v9 =	vld [tilespmem:$0x90]  }
0x37: {  	v10 =	vld [tilespmem:$0xA0]  }
0x38: {  	v11 =	vld [tilespmem:$0xB0]  }
0x39: {  	v12 =	vld [tilespmem:$0xC0]  }
0x3a: {  	v13 =	vld [tilespmem:$0xD0]  }
0x3b: {  	s17 =	simm.s32 $0x100;
	s16 =	rddreg [dreg:$0x4];
	v14 =	vld [tilespmem:$0xE0]  }
0x3c: {  	v15 =	vld [tilespmem:$0xF0];
	[tilespmem:s17], [sflag:$0x1] =	stream.linear.gather [hbm4b:s16+s3], $0x2000, $0x38  }
0x3d: {  	s18 =	rddreg [dreg:$0x6]  }
0x3e: {  	[tilespmem:s21], [sflag:$0x2] =	stream.linear.gather [hbm4b:s18+s3], $0x2000, $0x38;
	[tilespmem:$0x10100] =	vst v63  }
0x3f: {  	s20 =	simm.s32 $0x4100;
	s19 =	rddreg [dreg:$0x7]  }
0x40: {  	[tilespmem:s20], [sflag:$0x3] =	stream.linear.gather [hbm4b:s19+s3], $0x2000, $0x38;
	[tilespmem:$0x10100] =	vst v63  }
0x41: {  	s7 =	simm.s32 $0x0;
	s22 =	rddreg [dreg:$0x8]  }
0x42: {  	[tilespmem:s23], [sflag:$0x4] =	stream.linear.gather [hbm4b:s22+s3], $0x2000, $0x38;
	[tilespmem:$0x10100] =	vst v63  }
.LBB2_2:
0x43: {  	_ =	swait.ge [sflag:s24], $0x2000  }
0x44: {  	p0 =	seq.s32 s7, $0x0;
	[sflag:s24] =	ssyncset.done $0x0  }
0x45: {  	s6 =	simm.s32 @!p0 $0x5;
	[sflag:s24] =	ssyncadd.s32 $0xFFFFE000  }
0x46: {  	s8 =	simm.s32 $0x0;
	_ =	swait.ge @!p0 [sflag:s6], $0x2000  }
0x47: {  	s9 =	sand.u32 $0x1800, s8;
	s8 =	sand.u32 $0x300, s8;
	[sflag:s6] =	ssyncset.done @!p0 $0x0  }
0x48: {  	s10 =	sor.u32 s8, s9;
	[sflag:s6] =	ssyncadd.s32 @!p0 $0xFFFFE000  }
0x49: {  	v16 =	vld [tilespmem:s10+$0x5F0]  }
0x4a: {  	v17 =	vld [tilespmem:s10+$0x100]  }
0x4b: {  	v18 =	vld [tilespmem:s10+$0x110]  }
0x4c: {  	v19 =	vld [tilespmem:s10+$0x120]  }
0x4d: {  	v20 =	vld [tilespmem:s10+$0x130]  }
0x4e: {  	v21 =	vld [tilespmem:s10+$0x140];
	v16 =	vadd.f32 v16, v15  }
0x4f: {  	v22 =	vld [tilespmem:s10+$0x150];
	v17 =	vadd.f32 v17, v0  }
0x50: {  	v23 =	vld [tilespmem:s10+$0x160];
	[tilespmem:s10+$0x85F0] =	vst v16;
	v16 =	vadd.f32 v18, v1  }
0x51: {  	[tilespmem:s10+$0x8100] =	vst v17;
	v17 =	vld [tilespmem:s10+$0x170];
	v18 =	vadd.f32 v19, v2  }
0x52: {  	v19 =	vadd.f32 v20, v3;
	[tilespmem:s10+$0x8110] =	vst v16;
	v16 =	vld [tilespmem:s10+$0x500]  }
0x53: {  	v20 =	vadd.f32 v21, v4;
	[tilespmem:s10+$0x8120] =	vst v18;
	v18 =	vld [tilespmem:s10+$0x510]  }
0x54: {  	v21 =	vadd.f32 v22, v5;
	[tilespmem:s10+$0x8130] =	vst v19;
	v19 =	vld [tilespmem:s10+$0x520]  }
0x55: {  	v22 =	vadd.f32 v23, v6;
	[tilespmem:s10+$0x8140] =	vst v20;
	v20 =	vld [tilespmem:s10+$0x530]  }
0x56: {  	[tilespmem:s10+$0x8150] =	vst v21;
	v21 =	vld [tilespmem:s10+$0x540];
	v17 =	vadd.f32 v17, v7  }
0x57: {  	[tilespmem:s10+$0x8160] =	vst v22;
	v22 =	vld [tilespmem:s10+$0x550];
	v16 =	vadd.f32 v16, v8  }
0x58: {  	[tilespmem:s10+$0x8170] =	vst v17;
	v17 =	vld [tilespmem:s10+$0x560];
	v18 =	vadd.f32 v18, v9  }
0x59: {  	v19 =	vadd.f32 v19, v10;
	[tilespmem:s10+$0x8500] =	vst v16;
	v16 =	vld [tilespmem:s10+$0x570]  }
0x5a: {  	v20 =	vadd.f32 v20, v11;
	[tilespmem:s10+$0x8510] =	vst v18;
	v18 =	vld [tilespmem:s10+$0x180]  }
0x5b: {  	v21 =	vadd.f32 v21, v12;
	[tilespmem:s10+$0x8520] =	vst v19;
	v19 =	vld [tilespmem:s10+$0x190]  }
0x5c: {  	v22 =	vadd.f32 v22, v13;
	[tilespmem:s10+$0x8530] =	vst v20;
	v20 =	vld [tilespmem:s10+$0x1A0]  }
0x5d: {  	[tilespmem:s10+$0x8540] =	vst v21;
	v21 =	vld [tilespmem:s10+$0x1B0];
	v17 =	vadd.f32 v17, v14  }
0x5e: {  	[tilespmem:s10+$0x8550] =	vst v22;
	v22 =	vld [tilespmem:s10+$0x1C0];
	v16 =	vadd.f32 v16, v15  }
0x5f: {  	v23 =	vld [tilespmem:s10+$0x1D0];
	[tilespmem:s10+$0x8560] =	vst v17;
	v17 =	vadd.f32 v18, v0  }
0x60: {  	v24 =	vld [tilespmem:s10+$0x1E0];
	[tilespmem:s10+$0x8570] =	vst v16;
	v16 =	vadd.f32 v19, v1  }
0x61: {  	v25 =	vld [tilespmem:s10+$0x1F0];
	[tilespmem:s10+$0x8180] =	vst v17;
	v17 =	vadd.f32 v20, v2  }
0x62: {  	v19 =	vld [tilespmem:s10+$0x580];
	[tilespmem:s10+$0x8190] =	vst v16;
	v16 =	vadd.f32 v21, v3  }
0x63: {  	v18 =	vadd.f32 v22, v4;
	[tilespmem:s10+$0x81A0] =	vst v17;
	v17 =	vld [tilespmem:s10+$0x590]  }
0x64: {  	v20 =	vadd.f32 v23, v5;
	[tilespmem:s10+$0x81B0] =	vst v16;
	v16 =	vld [tilespmem:s10+$0x5A0]  }
0x65: {  	s16 =	simm.s32 $0x200;
	v22 =	vadd.f32 v24, v6;
	[tilespmem:s10+$0x81C0] =	vst v18;
	v18 =	vld [tilespmem:s10+$0x5B0]  }
0x66: {  	s8 =	sshll.u32 s7, $0xC;
	s9 =	simm.s32 $0x100;
	s6 =	simm.s32 $0x0;
	[tilespmem:s10+$0x81D0] =	vst v20;
	v21 =	vadd.f32 v25, v7;
	v20 =	vld [tilespmem:s10+$0x5C0]  }
.LBB2_3:
0x67: {  	s17 =	sand.u32 $0x1800, s16;
	s18 =	sand.u32 $0x300, s9;
	s6 =	sadd.s32 $0x2, s6;
	[tilespmem:s10+$0x81E0] =	vst v22;
	v19 =	vadd.f32 v19, v8;
	v22 =	vld [tilespmem:s10+$0x5D0]  }
0x68: {  	s17 =	sor.u32 s18, s17;
	p1 =	slt.u32 s6, $0x1E;
	[tilespmem:s10+$0x81F0] =	vst v21;
	v17 =	vadd.f32 v17, v9;
	v21 =	vld [tilespmem:s10+$0x5E0]  }
0x69: {  	v23 =	vld [tilespmem:s17+$0x5F0];
	[tilespmem:s10+$0x8580] =	vst v19;
	v16 =	vadd.f32 v16, v10  }
0x6a: {  	v19 =	vld [tilespmem:s17+$0x100];
	[tilespmem:s10+$0x8590] =	vst v17;
	v17 =	vadd.f32 v18, v11  }
0x6b: {  	v18 =	vld [tilespmem:s17+$0x110];
	[tilespmem:s10+$0x85A0] =	vst v16;
	v16 =	vadd.f32 v20, v12  }
0x6c: {  	v20 =	vld [tilespmem:s17+$0x120];
	[tilespmem:s10+$0x85B0] =	vst v17;
	v17 =	vadd.f32 v22, v13  }
0x6d: {  	v22 =	vld [tilespmem:s17+$0x130];
	[tilespmem:s10+$0x85C0] =	vst v16;
	v16 =	vadd.f32 v21, v14  }
0x6e: {  	v21 =	vld [tilespmem:s17+$0x140];
	v23 =	vadd.f32 v23, v15;
	[tilespmem:s10+$0x85D0] =	vst v17  }
0x6f: {  	v17 =	vadd.f32 v19, v0;
	v19 =	vld [tilespmem:s17+$0x150];
	[tilespmem:s10+$0x85E0] =	vst v16;
	s10 =	smov.u32 s17  }
0x70: {  	v16 =	vadd.f32 v18, v1;
	v18 =	vld [tilespmem:s10+$0x160];
	[tilespmem:s10+$0x85F0] =	vst v23  }
0x71: {  	[tilespmem:s10+$0x8100] =	vst v17;
	v17 =	vadd.f32 v20, v2;
	v20 =	vld [tilespmem:s10+$0x170]  }
0x72: {  	[tilespmem:s10+$0x8110] =	vst v16;
	v16 =	vadd.f32 v22, v3;
	v22 =	vld [tilespmem:s10+$0x500]  }
0x73: {  	[tilespmem:s10+$0x8120] =	vst v17;
	v17 =	vadd.f32 v21, v4;
	v21 =	vld [tilespmem:s10+$0x510]  }
0x74: {  	[tilespmem:s10+$0x8130] =	vst v16;
	v16 =	vadd.f32 v19, v5;
	v19 =	vld [tilespmem:s10+$0x520]  }
0x75: {  	[tilespmem:s10+$0x8140] =	vst v17;
	v17 =	vadd.f32 v18, v6;
	v18 =	vld [tilespmem:s10+$0x530]  }
0x76: {  	[tilespmem:s10+$0x8150] =	vst v16;
	v16 =	vadd.f32 v20, v7;
	v20 =	vld [tilespmem:s10+$0x540]  }
0x77: {  	[tilespmem:s10+$0x8160] =	vst v17;
	v17 =	vadd.f32 v22, v8;
	v22 =	vld [tilespmem:s10+$0x550]  }
0x78: {  	[tilespmem:s10+$0x8170] =	vst v16;
	v16 =	vadd.f32 v21, v9;
	v21 =	vld [tilespmem:s10+$0x560]  }
0x79: {  	[tilespmem:s10+$0x8500] =	vst v17;
	v17 =	vadd.f32 v19, v10;
	v19 =	vld [tilespmem:s10+$0x570]  }
0x7a: {  	[tilespmem:s10+$0x8510] =	vst v16;
	v16 =	vadd.f32 v18, v11;
	v18 =	vld [tilespmem:s10+$0x180]  }
0x7b: {  	[tilespmem:s10+$0x8520] =	vst v17;
	v17 =	vadd.f32 v20, v12;
	v20 =	vld [tilespmem:s10+$0x190]  }
0x7c: {  	[tilespmem:s10+$0x8530] =	vst v16;
	v16 =	vadd.f32 v22, v13;
	v22 =	vld [tilespmem:s10+$0x1A0]  }
0x7d: {  	[tilespmem:s10+$0x8540] =	vst v17;
	v17 =	vadd.f32 v21, v14;
	v21 =	vld [tilespmem:s10+$0x1B0]  }
0x7e: {  	[tilespmem:s10+$0x8550] =	vst v16;
	v16 =	vadd.f32 v19, v15;
	v23 =	vld [tilespmem:s10+$0x1C0]  }
0x7f: {  	[tilespmem:s10+$0x8560] =	vst v17;
	v17 =	vadd.f32 v18, v0;
	v18 =	vld [tilespmem:s10+$0x1D0]  }
0x80: {  	[tilespmem:s10+$0x8570] =	vst v16;
	v16 =	vadd.f32 v20, v1;
	v20 =	vld [tilespmem:s10+$0x1E0]  }
0x81: {  	[tilespmem:s10+$0x8180] =	vst v17;
	v17 =	vadd.f32 v22, v2;
	v24 =	vld [tilespmem:s10+$0x1F0]  }
.Ltmp2:
0x82: {  	[tilespmem:s10+$0x8190] =	vst v16;
	v16 =	vadd.f32 v21, v3;
	v19 =	vld [tilespmem:s10+$0x580];
	(pc) =	sbr.rel @p1 .LBB2_3-.Ltmp2, $4  }
0x83: {  	[tilespmem:s10+$0x81A0] =	vst v17;
	v21 =	vadd.f32 v23, v4;
	v17 =	vld [tilespmem:s10+$0x590]  }
0x84: {  	[tilespmem:s10+$0x81B0] =	vst v16;
	v23 =	vadd.f32 v18, v5;
	v16 =	vld [tilespmem:s10+$0x5A0]  }
0x85: {  	[tilespmem:s10+$0x81C0] =	vst v21;
	v22 =	vadd.f32 v20, v6;
	v18 =	vld [tilespmem:s10+$0x5B0]  }
0x86: {  	s9 =	sadd.s32 $0x100, s9;
	s16 =	sadd.s32 $0x200, s16;
	[tilespmem:s10+$0x81D0] =	vst v23;
	v21 =	vadd.f32 v24, v7;
	v20 =	vld [tilespmem:s10+$0x5C0]  }
0x87: {  	[tilespmem:s10+$0x81E0] =	vst v22;
	v22 =	vld [tilespmem:s10+$0x5D0];
	v19 =	vadd.f32 v19, v8  }
0x88: {  	[tilespmem:s10+$0x81F0] =	vst v21;
	v17 =	vadd.f32 v17, v9;
	v21 =	vld [tilespmem:s10+$0x5E0]  }
0x89: {  	[tilespmem:s10+$0x8580] =	vst v19;
	v16 =	vadd.f32 v16, v10  }
0x8a: {  	[tilespmem:s10+$0x8590] =	vst v17;
	v17 =	vadd.f32 v18, v11  }
0x8b: {  	[tilespmem:s10+$0x85A0] =	vst v16;
	v16 =	vadd.f32 v20, v12  }
0x8c: {  	[tilespmem:s10+$0x85B0] =	vst v17;
	v17 =	vadd.f32 v22, v13  }
0x8d: {  	[tilespmem:s10+$0x85C0] =	vst v16;
	v16 =	vadd.f32 v21, v14  }
0x8e: {  	s9 =	sor.u32 s5, s8;
	[tilespmem:s10+$0x85D0] =	vst v17  }
0x8f: {  	p1 =	seq.s32 s7, $0xF;
	s6 =	sadd.s32 s2, s9;
	[tilespmem:s10+$0x85E0] =	vst v16  }
0x90: {  	[hbm4b:s6+s3] =	stream.linear.scatter [tilespmem:s25], [sflag:$0x5], $0x2000, $0x38;
	[tilespmem:$0x10100] =	vst v63  }
0x91: {  	s16 =	simm.s32 @!p1 $0x100;
	s10 =	simm.s32 @!p1 $0x0;
	s6 =	sadd.s32 @!p1 s8, s11  }
0x92: {  	[tilespmem:s16], [sflag:$0x1] =	stream.linear.gather @!p1 [hbm4b:s6+s10], $0x2000, $0x38;
	[tilespmem:$0x10100] =	vst v63  }
0x93: {  	_ =	swait.ge [sflag:s26], $0x2000  }
0x94: {  	[sflag:s26] =	ssyncset.done $0x0  }
0x95: {  	s6 =	simm.s32 @!p0 $0x6;
	[sflag:s26] =	ssyncadd.s32 $0xFFFFE000  }
0x96: {  	s19 =	simm.s32 $0x0;
	_ =	swait.ge @!p0 [sflag:s6], $0x2000  }
0x97: {  	s20 =	sand.u32 $0x1800, s19;
	s10 =	sand.u32 $0x300, s19;
	[sflag:s6] =	ssyncset.done @!p0 $0x0  }
0x98: {  	s16 =	sor.u32 s10, s20;
	[sflag:s6] =	ssyncadd.s32 @!p0 $0xFFFFE000  }
0x99: {  	v16 =	vld [tilespmem:s16+$0x25F0]  }
0x9a: {  	v17 =	vld [tilespmem:s16+$0x2100]  }
0x9b: {  	v18 =	vld [tilespmem:s16+$0x2110]  }
0x9c: {  	v19 =	vld [tilespmem:s16+$0x2120]  }
0x9d: {  	v20 =	vld [tilespmem:s16+$0x2130]  }
0x9e: {  	v21 =	vld [tilespmem:s16+$0x2140];
	v16 =	vadd.f32 v16, v15  }
0x9f: {  	v22 =	vld [tilespmem:s16+$0x2150];
	v17 =	vadd.f32 v17, v0  }
0xa0: {  	v23 =	vld [tilespmem:s16+$0x2160];
	[tilespmem:s16+$0xA5F0] =	vst v16;
	v16 =	vadd.f32 v18, v1  }
0xa1: {  	[tilespmem:s16+$0xA100] =	vst v17;
	v17 =	vld [tilespmem:s16+$0x2170];
	v18 =	vadd.f32 v19, v2  }
0xa2: {  	v19 =	vadd.f32 v20, v3;
	[tilespmem:s16+$0xA110] =	vst v16;
	v16 =	vld [tilespmem:s16+$0x2500]  }
0xa3: {  	v20 =	vadd.f32 v21, v4;
	[tilespmem:s16+$0xA120] =	vst v18;
	v18 =	vld [tilespmem:s16+$0x2510]  }
0xa4: {  	v21 =	vadd.f32 v22, v5;
	[tilespmem:s16+$0xA130] =	vst v19;
	v19 =	vld [tilespmem:s16+$0x2520]  }
0xa5: {  	v22 =	vadd.f32 v23, v6;
	[tilespmem:s16+$0xA140] =	vst v20;
	v20 =	vld [tilespmem:s16+$0x2530]  }
0xa6: {  	[tilespmem:s16+$0xA150] =	vst v21;
	v21 =	vld [tilespmem:s16+$0x2540];
	v17 =	vadd.f32 v17, v7  }
0xa7: {  	[tilespmem:s16+$0xA160] =	vst v22;
	v22 =	vld [tilespmem:s16+$0x2550];
	v16 =	vadd.f32 v16, v8  }
0xa8: {  	[tilespmem:s16+$0xA170] =	vst v17;
	v17 =	vld [tilespmem:s16+$0x2560];
	v18 =	vadd.f32 v18, v9  }
0xa9: {  	v19 =	vadd.f32 v19, v10;
	[tilespmem:s16+$0xA500] =	vst v16;
	v16 =	vld [tilespmem:s16+$0x2570]  }
0xaa: {  	v20 =	vadd.f32 v20, v11;
	[tilespmem:s16+$0xA510] =	vst v18;
	v18 =	vld [tilespmem:s16+$0x2180]  }
0xab: {  	v21 =	vadd.f32 v21, v12;
	[tilespmem:s16+$0xA520] =	vst v19;
	v19 =	vld [tilespmem:s16+$0x2190]  }
0xac: {  	v22 =	vadd.f32 v22, v13;
	[tilespmem:s16+$0xA530] =	vst v20;
	v20 =	vld [tilespmem:s16+$0x21A0]  }
0xad: {  	[tilespmem:s16+$0xA540] =	vst v21;
	v21 =	vld [tilespmem:s16+$0x21B0];
	v17 =	vadd.f32 v17, v14  }
0xae: {  	[tilespmem:s16+$0xA550] =	vst v22;
	v22 =	vld [tilespmem:s16+$0x21C0];
	v16 =	vadd.f32 v16, v15  }
0xaf: {  	v23 =	vld [tilespmem:s16+$0x21D0];
	[tilespmem:s16+$0xA560] =	vst v17;
	v17 =	vadd.f32 v18, v0  }
0xb0: {  	v24 =	vld [tilespmem:s16+$0x21E0];
	[tilespmem:s16+$0xA570] =	vst v16;
	v16 =	vadd.f32 v19, v1  }
0xb1: {  	v25 =	vld [tilespmem:s16+$0x21F0];
	[tilespmem:s16+$0xA180] =	vst v17;
	v17 =	vadd.f32 v20, v2  }
0xb2: {  	v18 =	vld [tilespmem:s16+$0x2580];
	[tilespmem:s16+$0xA190] =	vst v16;
	v16 =	vadd.f32 v21, v3  }
0xb3: {  	v19 =	vadd.f32 v22, v4;
	[tilespmem:s16+$0xA1A0] =	vst v17;
	v17 =	vld [tilespmem:s16+$0x2590]  }
0xb4: {  	s22 =	sshll.u32 s7, $0x7;
	v20 =	vadd.f32 v23, v5;
	[tilespmem:s16+$0xA1B0] =	vst v16;
	v16 =	vld [tilespmem:s16+$0x25A0]  }
0xb5: {  	s17 =	simm.s32 $0x100;
	s10 =	sadd.s32 s22, s4;
	v22 =	vadd.f32 v24, v6;
	[tilespmem:s16+$0xA1C0] =	vst v19;
	v19 =	vld [tilespmem:s16+$0x25B0]  }
0xb6: {  	s18 =	simm.s32 $0x200;
	s19 =	simm.s32 $0x0;
	s6 =	sadd.s32 $0x20, s10;
	[tilespmem:s16+$0xA1D0] =	vst v20;
	v21 =	vadd.f32 v25, v7;
	v20 =	vld [tilespmem:s16+$0x25C0]  }
.LBB2_5:
0xb7: {  	s20 =	sand.u32 $0x1800, s18;
	s22 =	sand.u32 $0x300, s17;
	s19 =	sadd.s32 $0x2, s19;
	[tilespmem:s16+$0xA1E0] =	vst v22;
	v18 =	vadd.f32 v18, v8;
	v22 =	vld [tilespmem:s16+$0x25D0]  }
0xb8: {  	s20 =	sor.u32 s22, s20;
	p2 =	slt.u32 s19, $0x1E;
	[tilespmem:s16+$0xA1F0] =	vst v21;
	v17 =	vadd.f32 v17, v9;
	v21 =	vld [tilespmem:s16+$0x25E0]  }
0xb9: {  	v23 =	vld [tilespmem:s20+$0x25F0];
	[tilespmem:s16+$0xA580] =	vst v18;
	v16 =	vadd.f32 v16, v10  }
0xba: {  	v18 =	vld [tilespmem:s20+$0x2100];
	[tilespmem:s16+$0xA590] =	vst v17;
	v17 =	vadd.f32 v19, v11  }
0xbb: {  	v19 =	vld [tilespmem:s20+$0x2110];
	[tilespmem:s16+$0xA5A0] =	vst v16;
	v16 =	vadd.f32 v20, v12  }
0xbc: {  	v20 =	vld [tilespmem:s20+$0x2120];
	[tilespmem:s16+$0xA5B0] =	vst v17;
	v17 =	vadd.f32 v22, v13  }
0xbd: {  	v22 =	vld [tilespmem:s20+$0x2130];
	[tilespmem:s16+$0xA5C0] =	vst v16;
	v16 =	vadd.f32 v21, v14  }
0xbe: {  	v21 =	vld [tilespmem:s20+$0x2140];
	v23 =	vadd.f32 v23, v15;
	[tilespmem:s16+$0xA5D0] =	vst v17  }
0xbf: {  	v17 =	vadd.f32 v18, v0;
	v18 =	vld [tilespmem:s20+$0x2150];
	[tilespmem:s16+$0xA5E0] =	vst v16;
	s16 =	smov.u32 s20  }
0xc0: {  	v16 =	vadd.f32 v19, v1;
	v19 =	vld [tilespmem:s16+$0x2160];
	[tilespmem:s16+$0xA5F0] =	vst v23  }
0xc1: {  	[tilespmem:s16+$0xA100] =	vst v17;
	v17 =	vadd.f32 v20, v2;
	v20 =	vld [tilespmem:s16+$0x2170]  }
0xc2: {  	[tilespmem:s16+$0xA110] =	vst v16;
	v16 =	vadd.f32 v22, v3;
	v22 =	vld [tilespmem:s16+$0x2500]  }
0xc3: {  	[tilespmem:s16+$0xA120] =	vst v17;
	v17 =	vadd.f32 v21, v4;
	v21 =	vld [tilespmem:s16+$0x2510]  }
0xc4: {  	[tilespmem:s16+$0xA130] =	vst v16;
	v16 =	vadd.f32 v18, v5;
	v18 =	vld [tilespmem:s16+$0x2520]  }
0xc5: {  	[tilespmem:s16+$0xA140] =	vst v17;
	v17 =	vadd.f32 v19, v6;
	v19 =	vld [tilespmem:s16+$0x2530]  }
0xc6: {  	[tilespmem:s16+$0xA150] =	vst v16;
	v16 =	vadd.f32 v20, v7;
	v20 =	vld [tilespmem:s16+$0x2540]  }
0xc7: {  	[tilespmem:s16+$0xA160] =	vst v17;
	v17 =	vadd.f32 v22, v8;
	v22 =	vld [tilespmem:s16+$0x2550]  }
0xc8: {  	[tilespmem:s16+$0xA170] =	vst v16;
	v16 =	vadd.f32 v21, v9;
	v21 =	vld [tilespmem:s16+$0x2560]  }
0xc9: {  	[tilespmem:s16+$0xA500] =	vst v17;
	v17 =	vadd.f32 v18, v10;
	v18 =	vld [tilespmem:s16+$0x2570]  }
0xca: {  	[tilespmem:s16+$0xA510] =	vst v16;
	v16 =	vadd.f32 v19, v11;
	v19 =	vld [tilespmem:s16+$0x2180]  }
0xcb: {  	[tilespmem:s16+$0xA520] =	vst v17;
	v17 =	vadd.f32 v20, v12;
	v20 =	vld [tilespmem:s16+$0x2190]  }
0xcc: {  	[tilespmem:s16+$0xA530] =	vst v16;
	v16 =	vadd.f32 v22, v13;
	v22 =	vld [tilespmem:s16+$0x21A0]  }
0xcd: {  	[tilespmem:s16+$0xA540] =	vst v17;
	v17 =	vadd.f32 v21, v14;
	v21 =	vld [tilespmem:s16+$0x21B0]  }
0xce: {  	[tilespmem:s16+$0xA550] =	vst v16;
	v16 =	vadd.f32 v18, v15;
	v23 =	vld [tilespmem:s16+$0x21C0]  }
0xcf: {  	[tilespmem:s16+$0xA560] =	vst v17;
	v17 =	vadd.f32 v19, v0;
	v19 =	vld [tilespmem:s16+$0x21D0]  }
0xd0: {  	[tilespmem:s16+$0xA570] =	vst v16;
	v16 =	vadd.f32 v20, v1;
	v20 =	vld [tilespmem:s16+$0x21E0]  }
0xd1: {  	[tilespmem:s16+$0xA180] =	vst v17;
	v17 =	vadd.f32 v22, v2;
	v24 =	vld [tilespmem:s16+$0x21F0]  }
.Ltmp3:
0xd2: {  	[tilespmem:s16+$0xA190] =	vst v16;
	v16 =	vadd.f32 v21, v3;
	v18 =	vld [tilespmem:s16+$0x2580];
	(pc) =	sbr.rel @p2 .LBB2_5-.Ltmp3, $4  }
0xd3: {  	[tilespmem:s16+$0xA1A0] =	vst v17;
	v21 =	vadd.f32 v23, v4;
	v17 =	vld [tilespmem:s16+$0x2590]  }
0xd4: {  	[tilespmem:s16+$0xA1B0] =	vst v16;
	v23 =	vadd.f32 v19, v5;
	v16 =	vld [tilespmem:s16+$0x25A0]  }
0xd5: {  	[tilespmem:s16+$0xA1C0] =	vst v21;
	v22 =	vadd.f32 v20, v6;
	v19 =	vld [tilespmem:s16+$0x25B0]  }
0xd6: {  	s17 =	sadd.s32 $0x100, s17;
	s18 =	sadd.s32 $0x200, s18;
	[tilespmem:s16+$0xA1D0] =	vst v23;
	v21 =	vadd.f32 v24, v7;
	v20 =	vld [tilespmem:s16+$0x25C0]  }
0xd7: {  	[tilespmem:s16+$0xA1E0] =	vst v22;
	v62 =	vld [tilespmem:s16+$0x25D0];
	v18 =	vadd.f32 v18, v8  }
0xd8: {  	v63 =	vld [tilespmem:s16+$0x25E0];
	[tilespmem:s16+$0xA1F0] =	vst v21;
	v17 =	vadd.f32 v17, v9  }
0xd9: {  	[tilespmem:s16+$0xA580] =	vst v18;
	v16 =	vadd.f32 v16, v10  }
0xda: {  	[tilespmem:s16+$0xA590] =	vst v17;
	v17 =	vadd.f32 v19, v11  }
0xdb: {  	p2 =	sne.s32 s7, $0xF;
	[tilespmem:s16+$0xA5A0] =	vst v16;
	v16 =	vadd.f32 v20, v12  }
.Ltmp4:
0xdc: {  	[tilespmem:s16+$0xA5B0] =	vst v17;
	v17 =	vadd.f32 v62, v13;
	(pc) =	sbr.rel @p2 .LBB2_8-.Ltmp4, $4  }
0xdd: {  	[tilespmem:s16+$0xA5C0] =	vst v16;
	v16 =	vadd.f32 v63, v14  }
0xde: {  	s6 =	sshll.u32 s6, $0x5;
	[tilespmem:s16+$0xA5D0] =	vst v17  }
0xdf: {  	s6 =	sadd.s32 s2, s6;
	[tilespmem:s16+$0xA5E0] =	vst v16  }
0xe0: {  	[hbm4b:s6+s3] =	stream.linear.scatter [tilespmem:s28], [sflag:$0x6], $0x2000, $0x38;
	[tilespmem:$0x10100] =	vst v63  }
.Ltmp5:
0xe1: {  	(pc) =	sbr.rel .LBB2_9-.Ltmp5, $4  }
0xe2: {  	_ = 	snop  }
0xe3: {  	_ =	swait.ge [sflag:s29], $0x2000  }
0xe4: {  	[sflag:s29] =	ssyncset.done $0x0  }
0xe5: {  	[sflag:s29] =	ssyncadd.s32 $0xFFFFE000  }
.LBB2_8:
.Ltmp6:
0xe6: {  	s6 =	sadd.s32 s8, s12;
	(pc) =	sbr.rel @p0 .LBB2_10-.Ltmp6, $4  }
0xe7: {  	[tilespmem:s21], [sflag:$0x2] =	stream.linear.gather [hbm4b:s6+s3], $0x2000, $0x38;
	[tilespmem:$0x10100] =	vst v63  }
0xe8: {  	_ =	swait.ge [sflag:s29], $0x2000  }
0xe9: {  	[sflag:s29] =	ssyncset.done $0x0  }
0xea: {  	[sflag:s29] =	ssyncadd.s32 $0xFFFFE000  }
.LBB2_9:
0xeb: {  	_ =	swait.ge [sflag:s30], $0x2000  }
0xec: {  	[sflag:s30] =	ssyncset.done $0x0  }
0xed: {  	[sflag:s30] =	ssyncadd.s32 $0xFFFFE000  }
.LBB2_10:
0xee: {  	s6 =	simm.s32 $0x0  }
0xef: {  	s16 =	sand.u32 $0x1800, s6;
	s6 =	sand.u32 $0x300, s6  }
0xf0: {  	s16 =	sor.u32 s6, s16  }
0xf1: {  	v16 =	vld [tilespmem:s16+$0x45F0]  }
0xf2: {  	v17 =	vld [tilespmem:s16+$0x4100]  }
0xf3: {  	v18 =	vld [tilespmem:s16+$0x4110]  }
0xf4: {  	v19 =	vld [tilespmem:s16+$0x4120]  }
0xf5: {  	v20 =	vld [tilespmem:s16+$0x4130]  }
0xf6: {  	v21 =	vld [tilespmem:s16+$0x4140];
	v16 =	vadd.f32 v16, v15  }
0xf7: {  	v22 =	vld [tilespmem:s16+$0x4150];
	v17 =	vadd.f32 v17, v0  }
0xf8: {  	v23 =	vld [tilespmem:s16+$0x4160];
	[tilespmem:s16+$0xC5F0] =	vst v16;
	v16 =	vadd.f32 v18, v1  }
0xf9: {  	[tilespmem:s16+$0xC100] =	vst v17;
	v17 =	vld [tilespmem:s16+$0x4170];
	v18 =	vadd.f32 v19, v2  }
0xfa: {  	v19 =	vadd.f32 v20, v3;
	[tilespmem:s16+$0xC110] =	vst v16;
	v16 =	vld [tilespmem:s16+$0x4500]  }
0xfb: {  	v20 =	vadd.f32 v21, v4;
	[tilespmem:s16+$0xC120] =	vst v18;
	v18 =	vld [tilespmem:s16+$0x4510]  }
0xfc: {  	v21 =	vadd.f32 v22, v5;
	[tilespmem:s16+$0xC130] =	vst v19;
	v19 =	vld [tilespmem:s16+$0x4520]  }
0xfd: {  	v22 =	vadd.f32 v23, v6;
	[tilespmem:s16+$0xC140] =	vst v20;
	v20 =	vld [tilespmem:s16+$0x4530]  }
0xfe: {  	[tilespmem:s16+$0xC150] =	vst v21;
	v21 =	vld [tilespmem:s16+$0x4540];
	v17 =	vadd.f32 v17, v7  }
0xff: {  	[tilespmem:s16+$0xC160] =	vst v22;
	v22 =	vld [tilespmem:s16+$0x4550];
	v16 =	vadd.f32 v16, v8  }
0x100: {  	[tilespmem:s16+$0xC170] =	vst v17;
	v17 =	vld [tilespmem:s16+$0x4560];
	v18 =	vadd.f32 v18, v9  }
0x101: {  	v19 =	vadd.f32 v19, v10;
	[tilespmem:s16+$0xC500] =	vst v16;
	v16 =	vld [tilespmem:s16+$0x4570]  }
0x102: {  	v20 =	vadd.f32 v20, v11;
	[tilespmem:s16+$0xC510] =	vst v18;
	v18 =	vld [tilespmem:s16+$0x4180]  }
0x103: {  	v21 =	vadd.f32 v21, v12;
	[tilespmem:s16+$0xC520] =	vst v19;
	v19 =	vld [tilespmem:s16+$0x4190]  }
0x104: {  	v22 =	vadd.f32 v22, v13;
	[tilespmem:s16+$0xC530] =	vst v20;
	v20 =	vld [tilespmem:s16+$0x41A0]  }
0x105: {  	[tilespmem:s16+$0xC540] =	vst v21;
	v21 =	vld [tilespmem:s16+$0x41B0];
	v17 =	vadd.f32 v17, v14  }
0x106: {  	[tilespmem:s16+$0xC550] =	vst v22;
	v22 =	vld [tilespmem:s16+$0x41C0];
	v16 =	vadd.f32 v16, v15  }
0x107: {  	v23 =	vld [tilespmem:s16+$0x41D0];
	[tilespmem:s16+$0xC560] =	vst v17;
	v17 =	vadd.f32 v18, v0  }
0x108: {  	v24 =	vld [tilespmem:s16+$0x41E0];
	[tilespmem:s16+$0xC570] =	vst v16;
	v16 =	vadd.f32 v19, v1  }
0x109: {  	v25 =	vld [tilespmem:s16+$0x41F0];
	[tilespmem:s16+$0xC180] =	vst v17;
	v17 =	vadd.f32 v20, v2  }
0x10a: {  	v19 =	vld [tilespmem:s16+$0x4580];
	[tilespmem:s16+$0xC190] =	vst v16;
	v16 =	vadd.f32 v21, v3  }
0x10b: {  	v18 =	vadd.f32 v22, v4;
	[tilespmem:s16+$0xC1A0] =	vst v17;
	v17 =	vld [tilespmem:s16+$0x4590]  }
0x10c: {  	v20 =	vadd.f32 v23, v5;
	[tilespmem:s16+$0xC1B0] =	vst v16;
	v16 =	vld [tilespmem:s16+$0x45A0]  }
0x10d: {  	v22 =	vadd.f32 v24, v6;
	[tilespmem:s16+$0xC1C0] =	vst v18;
	v18 =	vld [tilespmem:s16+$0x45B0]  }
0x10e: {  	s17 =	simm.s32 $0x100;
	s18 =	simm.s32 $0x200;
	s6 =	simm.s32 $0x0;
	[tilespmem:s16+$0xC1D0] =	vst v20;
	v21 =	vadd.f32 v25, v7;
	v20 =	vld [tilespmem:s16+$0x45C0]  }
.LBB2_11:
0x10f: {  	s19 =	sand.u32 $0x1800, s18;
	s20 =	sand.u32 $0x300, s17;
	s6 =	sadd.s32 $0x2, s6;
	[tilespmem:s16+$0xC1E0] =	vst v22;
	v19 =	vadd.f32 v19, v8;
	v22 =	vld [tilespmem:s16+$0x45D0]  }
0x110: {  	s19 =	sor.u32 s20, s19;
	p2 =	slt.u32 s6, $0x1E;
	[tilespmem:s16+$0xC1F0] =	vst v21;
	v17 =	vadd.f32 v17, v9;
	v21 =	vld [tilespmem:s16+$0x45E0]  }
0x111: {  	v23 =	vld [tilespmem:s19+$0x45F0];
	[tilespmem:s16+$0xC580] =	vst v19;
	v16 =	vadd.f32 v16, v10  }
0x112: {  	v19 =	vld [tilespmem:s19+$0x4100];
	[tilespmem:s16+$0xC590] =	vst v17;
	v17 =	vadd.f32 v18, v11  }
0x113: {  	v18 =	vld [tilespmem:s19+$0x4110];
	[tilespmem:s16+$0xC5A0] =	vst v16;
	v16 =	vadd.f32 v20, v12  }
0x114: {  	v20 =	vld [tilespmem:s19+$0x4120];
	[tilespmem:s16+$0xC5B0] =	vst v17;
	v17 =	vadd.f32 v22, v13  }
0x115: {  	v22 =	vld [tilespmem:s19+$0x4130];
	[tilespmem:s16+$0xC5C0] =	vst v16;
	v16 =	vadd.f32 v21, v14  }
0x116: {  	v21 =	vld [tilespmem:s19+$0x4140];
	v23 =	vadd.f32 v23, v15;
	[tilespmem:s16+$0xC5D0] =	vst v17  }
0x117: {  	v17 =	vadd.f32 v19, v0;
	v19 =	vld [tilespmem:s19+$0x4150];
	[tilespmem:s16+$0xC5E0] =	vst v16;
	s16 =	smov.u32 s19  }
0x118: {  	v16 =	vadd.f32 v18, v1;
	v18 =	vld [tilespmem:s16+$0x4160];
	[tilespmem:s16+$0xC5F0] =	vst v23  }
0x119: {  	[tilespmem:s16+$0xC100] =	vst v17;
	v17 =	vadd.f32 v20, v2;
	v20 =	vld [tilespmem:s16+$0x4170]  }
0x11a: {  	[tilespmem:s16+$0xC110] =	vst v16;
	v16 =	vadd.f32 v22, v3;
	v22 =	vld [tilespmem:s16+$0x4500]  }
0x11b: {  	[tilespmem:s16+$0xC120] =	vst v17;
	v17 =	vadd.f32 v21, v4;
	v21 =	vld [tilespmem:s16+$0x4510]  }
0x11c: {  	[tilespmem:s16+$0xC130] =	vst v16;
	v16 =	vadd.f32 v19, v5;
	v19 =	vld [tilespmem:s16+$0x4520]  }
0x11d: {  	[tilespmem:s16+$0xC140] =	vst v17;
	v17 =	vadd.f32 v18, v6;
	v18 =	vld [tilespmem:s16+$0x4530]  }
0x11e: {  	[tilespmem:s16+$0xC150] =	vst v16;
	v16 =	vadd.f32 v20, v7;
	v20 =	vld [tilespmem:s16+$0x4540]  }
0x11f: {  	[tilespmem:s16+$0xC160] =	vst v17;
	v17 =	vadd.f32 v22, v8;
	v22 =	vld [tilespmem:s16+$0x4550]  }
0x120: {  	[tilespmem:s16+$0xC170] =	vst v16;
	v16 =	vadd.f32 v21, v9;
	v21 =	vld [tilespmem:s16+$0x4560]  }
0x121: {  	[tilespmem:s16+$0xC500] =	vst v17;
	v17 =	vadd.f32 v19, v10;
	v19 =	vld [tilespmem:s16+$0x4570]  }
0x122: {  	[tilespmem:s16+$0xC510] =	vst v16;
	v16 =	vadd.f32 v18, v11;
	v18 =	vld [tilespmem:s16+$0x4180]  }
0x123: {  	[tilespmem:s16+$0xC520] =	vst v17;
	v17 =	vadd.f32 v20, v12;
	v20 =	vld [tilespmem:s16+$0x4190]  }
0x124: {  	[tilespmem:s16+$0xC530] =	vst v16;
	v16 =	vadd.f32 v22, v13;
	v22 =	vld [tilespmem:s16+$0x41A0]  }
0x125: {  	[tilespmem:s16+$0xC540] =	vst v17;
	v17 =	vadd.f32 v21, v14;
	v21 =	vld [tilespmem:s16+$0x41B0]  }
0x126: {  	[tilespmem:s16+$0xC550] =	vst v16;
	v16 =	vadd.f32 v19, v15;
	v23 =	vld [tilespmem:s16+$0x41C0]  }
0x127: {  	[tilespmem:s16+$0xC560] =	vst v17;
	v17 =	vadd.f32 v18, v0;
	v18 =	vld [tilespmem:s16+$0x41D0]  }
0x128: {  	[tilespmem:s16+$0xC570] =	vst v16;
	v16 =	vadd.f32 v20, v1;
	v20 =	vld [tilespmem:s16+$0x41E0]  }
0x129: {  	[tilespmem:s16+$0xC180] =	vst v17;
	v17 =	vadd.f32 v22, v2;
	v24 =	vld [tilespmem:s16+$0x41F0]  }
.Ltmp7:
0x12a: {  	[tilespmem:s16+$0xC190] =	vst v16;
	v16 =	vadd.f32 v21, v3;
	v19 =	vld [tilespmem:s16+$0x4580];
	(pc) =	sbr.rel @p2 .LBB2_11-.Ltmp7, $4  }
0x12b: {  	[tilespmem:s16+$0xC1A0] =	vst v17;
	v21 =	vadd.f32 v23, v4;
	v17 =	vld [tilespmem:s16+$0x4590]  }
0x12c: {  	[tilespmem:s16+$0xC1B0] =	vst v16;
	v23 =	vadd.f32 v18, v5;
	v16 =	vld [tilespmem:s16+$0x45A0]  }
0x12d: {  	[tilespmem:s16+$0xC1C0] =	vst v21;
	v22 =	vadd.f32 v20, v6;
	v18 =	vld [tilespmem:s16+$0x45B0]  }
0x12e: {  	s17 =	sadd.s32 $0x100, s17;
	s18 =	sadd.s32 $0x200, s18;
	[tilespmem:s16+$0xC1D0] =	vst v23;
	v21 =	vadd.f32 v24, v7;
	v20 =	vld [tilespmem:s16+$0x45C0]  }
0x12f: {  	[tilespmem:s16+$0xC1E0] =	vst v22;
	v22 =	vld [tilespmem:s16+$0x45D0];
	v19 =	vadd.f32 v19, v8  }
0x130: {  	[tilespmem:s16+$0xC1F0] =	vst v21;
	v17 =	vadd.f32 v17, v9;
	v21 =	vld [tilespmem:s16+$0x45E0]  }
0x131: {  	[tilespmem:s16+$0xC580] =	vst v19;
	v16 =	vadd.f32 v16, v10  }
0x132: {  	[tilespmem:s16+$0xC590] =	vst v17;
	v17 =	vadd.f32 v18, v11  }
0x133: {  	[tilespmem:s16+$0xC5A0] =	vst v16;
	v16 =	vadd.f32 v20, v12  }
0x134: {  	[tilespmem:s16+$0xC5B0] =	vst v17;
	v17 =	vadd.f32 v22, v13  }
0x135: {  	[tilespmem:s16+$0xC5C0] =	vst v16;
	v16 =	vadd.f32 v21, v14  }
0x136: {  	[tilespmem:s16+$0xC5D0] =	vst v17  }
0x137: {  	s6 =	sadd.s32 s9, s13;
	[tilespmem:s16+$0xC5E0] =	vst v16  }
0x138: {  	[hbm4b:s6+s3] =	stream.linear.scatter [tilespmem:s31], [sflag:$0x7], $0x2000, $0x38;
	[tilespmem:$0x10100] =	vst v63  }
0x139: {  	s9 =	simm.s32 @!p1 $0x0;
	s16 =	simm.s32 @!p1 $0x4100;
	s6 =	sadd.s32 @!p1 s8, s14  }
0x13a: {  	[tilespmem:s16], [sflag:$0x3] =	stream.linear.gather @!p1 [hbm4b:s6+s9], $0x2000, $0x38;
	[tilespmem:$0x10100] =	vst v63  }
0x13b: {  	_ =	swait.ge [sflag:s0], $0x2000  }
0x13c: {  	[sflag:s0] =	ssyncset.done $0x0  }
0x13d: {  	s6 =	simm.s32 @!p0 $0x8;
	[sflag:s0] =	ssyncadd.s32 $0xFFFFE000  }
0x13e: {  	s20 =	simm.s32 $0x0;
	_ =	swait.ge @!p0 [sflag:s6], $0x2000  }
0x13f: {  	s22 =	sand.u32 $0x1800, s20;
	s9 =	sand.u32 $0x300, s20;
	[sflag:s6] =	ssyncset.done @!p0 $0x0  }
0x140: {  	s9 =	sor.u32 s9, s22;
	[sflag:s6] =	ssyncadd.s32 @!p0 $0xFFFFE000  }
0x141: {  	v16 =	vld [tilespmem:s9+$0x65F0]  }
0x142: {  	v17 =	vld [tilespmem:s9+$0x6100]  }
0x143: {  	v18 =	vld [tilespmem:s9+$0x6110]  }
0x144: {  	v19 =	vld [tilespmem:s9+$0x6120]  }
0x145: {  	v20 =	vld [tilespmem:s9+$0x6130]  }
0x146: {  	v21 =	vld [tilespmem:s9+$0x6140];
	v16 =	vadd.f32 v16, v15  }
0x147: {  	v22 =	vld [tilespmem:s9+$0x6150];
	v17 =	vadd.f32 v17, v0  }
0x148: {  	v23 =	vld [tilespmem:s9+$0x6160];
	[tilespmem:s9+$0xE5F0] =	vst v16;
	v16 =	vadd.f32 v18, v1  }
0x149: {  	[tilespmem:s9+$0xE100] =	vst v17;
	v17 =	vld [tilespmem:s9+$0x6170];
	v18 =	vadd.f32 v19, v2  }
0x14a: {  	v19 =	vadd.f32 v20, v3;
	[tilespmem:s9+$0xE110] =	vst v16;
	v16 =	vld [tilespmem:s9+$0x6500]  }
0x14b: {  	v20 =	vadd.f32 v21, v4;
	[tilespmem:s9+$0xE120] =	vst v18;
	v18 =	vld [tilespmem:s9+$0x6510]  }
0x14c: {  	v21 =	vadd.f32 v22, v5;
	[tilespmem:s9+$0xE130] =	vst v19;
	v19 =	vld [tilespmem:s9+$0x6520]  }
0x14d: {  	v22 =	vadd.f32 v23, v6;
	[tilespmem:s9+$0xE140] =	vst v20;
	v20 =	vld [tilespmem:s9+$0x6530]  }
0x14e: {  	[tilespmem:s9+$0xE150] =	vst v21;
	v21 =	vld [tilespmem:s9+$0x6540];
	v17 =	vadd.f32 v17, v7  }
0x14f: {  	[tilespmem:s9+$0xE160] =	vst v22;
	v22 =	vld [tilespmem:s9+$0x6550];
	v16 =	vadd.f32 v16, v8  }
0x150: {  	[tilespmem:s9+$0xE170] =	vst v17;
	v17 =	vld [tilespmem:s9+$0x6560];
	v18 =	vadd.f32 v18, v9  }
0x151: {  	v19 =	vadd.f32 v19, v10;
	[tilespmem:s9+$0xE500] =	vst v16;
	v16 =	vld [tilespmem:s9+$0x6570]  }
0x152: {  	v20 =	vadd.f32 v20, v11;
	[tilespmem:s9+$0xE510] =	vst v18;
	v18 =	vld [tilespmem:s9+$0x6180]  }
0x153: {  	v21 =	vadd.f32 v21, v12;
	[tilespmem:s9+$0xE520] =	vst v19;
	v19 =	vld [tilespmem:s9+$0x6190]  }
0x154: {  	v22 =	vadd.f32 v22, v13;
	[tilespmem:s9+$0xE530] =	vst v20;
	v20 =	vld [tilespmem:s9+$0x61A0]  }
0x155: {  	[tilespmem:s9+$0xE540] =	vst v21;
	v21 =	vld [tilespmem:s9+$0x61B0];
	v17 =	vadd.f32 v17, v14  }
0x156: {  	[tilespmem:s9+$0xE550] =	vst v22;
	v22 =	vld [tilespmem:s9+$0x61C0];
	v16 =	vadd.f32 v16, v15  }
0x157: {  	v23 =	vld [tilespmem:s9+$0x61D0];
	[tilespmem:s9+$0xE560] =	vst v17;
	v17 =	vadd.f32 v18, v0  }
0x158: {  	v24 =	vld [tilespmem:s9+$0x61E0];
	[tilespmem:s9+$0xE570] =	vst v16;
	v16 =	vadd.f32 v19, v1  }
0x159: {  	v25 =	vld [tilespmem:s9+$0x61F0];
	[tilespmem:s9+$0xE180] =	vst v17;
	v17 =	vadd.f32 v20, v2  }
0x15a: {  	v19 =	vld [tilespmem:s9+$0x6580];
	[tilespmem:s9+$0xE190] =	vst v16;
	v16 =	vadd.f32 v21, v3  }
0x15b: {  	v18 =	vadd.f32 v22, v4;
	[tilespmem:s9+$0xE1A0] =	vst v17;
	v17 =	vld [tilespmem:s9+$0x6590]  }
0x15c: {  	v20 =	vadd.f32 v23, v5;
	[tilespmem:s9+$0xE1B0] =	vst v16;
	v16 =	vld [tilespmem:s9+$0x65A0]  }
0x15d: {  	s17 =	simm.s32 $0x200;
	v22 =	vadd.f32 v24, v6;
	[tilespmem:s9+$0xE1C0] =	vst v18;
	v18 =	vld [tilespmem:s9+$0x65B0]  }
0x15e: {  	s16 =	simm.s32 $0x100;
	s6 =	sadd.s32 $0x60, s10;
	s10 =	simm.s32 $0x0;
	[tilespmem:s9+$0xE1D0] =	vst v20;
	v21 =	vadd.f32 v25, v7;
	v20 =	vld [tilespmem:s9+$0x65C0]  }
.LBB2_13:
0x15f: {  	s18 =	sand.u32 $0x1800, s17;
	s19 =	sand.u32 $0x300, s16;
	s10 =	sadd.s32 $0x2, s10;
	[tilespmem:s9+$0xE1E0] =	vst v22;
	v19 =	vadd.f32 v19, v8;
	v22 =	vld [tilespmem:s9+$0x65D0]  }
0x160: {  	s18 =	sor.u32 s19, s18;
	p0 =	slt.u32 s10, $0x1E;
	[tilespmem:s9+$0xE1F0] =	vst v21;
	v17 =	vadd.f32 v17, v9;
	v21 =	vld [tilespmem:s9+$0x65E0]  }
0x161: {  	v23 =	vld [tilespmem:s18+$0x65F0];
	[tilespmem:s9+$0xE580] =	vst v19;
	v16 =	vadd.f32 v16, v10  }
0x162: {  	v19 =	vld [tilespmem:s18+$0x6100];
	[tilespmem:s9+$0xE590] =	vst v17;
	v17 =	vadd.f32 v18, v11  }
0x163: {  	v18 =	vld [tilespmem:s18+$0x6110];
	[tilespmem:s9+$0xE5A0] =	vst v16;
	v16 =	vadd.f32 v20, v12  }
0x164: {  	v20 =	vld [tilespmem:s18+$0x6120];
	[tilespmem:s9+$0xE5B0] =	vst v17;
	v17 =	vadd.f32 v22, v13  }
0x165: {  	v22 =	vld [tilespmem:s18+$0x6130];
	[tilespmem:s9+$0xE5C0] =	vst v16;
	v16 =	vadd.f32 v21, v14  }
0x166: {  	v21 =	vld [tilespmem:s18+$0x6140];
	v23 =	vadd.f32 v23, v15;
	[tilespmem:s9+$0xE5D0] =	vst v17  }
0x167: {  	v17 =	vadd.f32 v19, v0;
	v19 =	vld [tilespmem:s18+$0x6150];
	[tilespmem:s9+$0xE5E0] =	vst v16;
	s9 =	smov.u32 s18  }
0x168: {  	v16 =	vadd.f32 v18, v1;
	v18 =	vld [tilespmem:s9+$0x6160];
	[tilespmem:s9+$0xE5F0] =	vst v23  }
0x169: {  	[tilespmem:s9+$0xE100] =	vst v17;
	v17 =	vadd.f32 v20, v2;
	v20 =	vld [tilespmem:s9+$0x6170]  }
0x16a: {  	[tilespmem:s9+$0xE110] =	vst v16;
	v16 =	vadd.f32 v22, v3;
	v22 =	vld [tilespmem:s9+$0x6500]  }
0x16b: {  	[tilespmem:s9+$0xE120] =	vst v17;
	v17 =	vadd.f32 v21, v4;
	v21 =	vld [tilespmem:s9+$0x6510]  }
0x16c: {  	[tilespmem:s9+$0xE130] =	vst v16;
	v16 =	vadd.f32 v19, v5;
	v19 =	vld [tilespmem:s9+$0x6520]  }
0x16d: {  	[tilespmem:s9+$0xE140] =	vst v17;
	v17 =	vadd.f32 v18, v6;
	v18 =	vld [tilespmem:s9+$0x6530]  }
0x16e: {  	[tilespmem:s9+$0xE150] =	vst v16;
	v16 =	vadd.f32 v20, v7;
	v20 =	vld [tilespmem:s9+$0x6540]  }
0x16f: {  	[tilespmem:s9+$0xE160] =	vst v17;
	v17 =	vadd.f32 v22, v8;
	v22 =	vld [tilespmem:s9+$0x6550]  }
0x170: {  	[tilespmem:s9+$0xE170] =	vst v16;
	v16 =	vadd.f32 v21, v9;
	v21 =	vld [tilespmem:s9+$0x6560]  }
0x171: {  	[tilespmem:s9+$0xE500] =	vst v17;
	v17 =	vadd.f32 v19, v10;
	v19 =	vld [tilespmem:s9+$0x6570]  }
0x172: {  	[tilespmem:s9+$0xE510] =	vst v16;
	v16 =	vadd.f32 v18, v11;
	v18 =	vld [tilespmem:s9+$0x6180]  }
0x173: {  	[tilespmem:s9+$0xE520] =	vst v17;
	v17 =	vadd.f32 v20, v12;
	v20 =	vld [tilespmem:s9+$0x6190]  }
0x174: {  	[tilespmem:s9+$0xE530] =	vst v16;
	v16 =	vadd.f32 v22, v13;
	v22 =	vld [tilespmem:s9+$0x61A0]  }
0x175: {  	[tilespmem:s9+$0xE540] =	vst v17;
	v17 =	vadd.f32 v21, v14;
	v21 =	vld [tilespmem:s9+$0x61B0]  }
0x176: {  	[tilespmem:s9+$0xE550] =	vst v16;
	v16 =	vadd.f32 v19, v15;
	v23 =	vld [tilespmem:s9+$0x61C0]  }
0x177: {  	[tilespmem:s9+$0xE560] =	vst v17;
	v17 =	vadd.f32 v18, v0;
	v18 =	vld [tilespmem:s9+$0x61D0]  }
0x178: {  	[tilespmem:s9+$0xE570] =	vst v16;
	v16 =	vadd.f32 v20, v1;
	v20 =	vld [tilespmem:s9+$0x61E0]  }
0x179: {  	[tilespmem:s9+$0xE180] =	vst v17;
	v17 =	vadd.f32 v22, v2;
	v24 =	vld [tilespmem:s9+$0x61F0]  }
.Ltmp8:
0x17a: {  	[tilespmem:s9+$0xE190] =	vst v16;
	v16 =	vadd.f32 v21, v3;
	v19 =	vld [tilespmem:s9+$0x6580];
	(pc) =	sbr.rel @p0 .LBB2_13-.Ltmp8, $4  }
0x17b: {  	[tilespmem:s9+$0xE1A0] =	vst v17;
	v21 =	vadd.f32 v23, v4;
	v17 =	vld [tilespmem:s9+$0x6590]  }
0x17c: {  	[tilespmem:s9+$0xE1B0] =	vst v16;
	v23 =	vadd.f32 v18, v5;
	v16 =	vld [tilespmem:s9+$0x65A0]  }
0x17d: {  	[tilespmem:s9+$0xE1C0] =	vst v21;
	v22 =	vadd.f32 v20, v6;
	v18 =	vld [tilespmem:s9+$0x65B0]  }
0x17e: {  	s16 =	sadd.s32 $0x100, s16;
	s17 =	sadd.s32 $0x200, s17;
	[tilespmem:s9+$0xE1D0] =	vst v23;
	v21 =	vadd.f32 v24, v7;
	v20 =	vld [tilespmem:s9+$0x65C0]  }
0x17f: {  	[tilespmem:s9+$0xE1E0] =	vst v22;
	v62 =	vld [tilespmem:s9+$0x65D0];
	v19 =	vadd.f32 v19, v8  }
0x180: {  	v63 =	vld [tilespmem:s9+$0x65E0];
	[tilespmem:s9+$0xE1F0] =	vst v21;
	v17 =	vadd.f32 v17, v9  }
0x181: {  	[tilespmem:s9+$0xE580] =	vst v19;
	v16 =	vadd.f32 v16, v10  }
0x182: {  	[tilespmem:s9+$0xE590] =	vst v17;
	v17 =	vadd.f32 v18, v11  }
0x183: {  	[tilespmem:s9+$0xE5A0] =	vst v16;
	v16 =	vadd.f32 v20, v12  }
.Ltmp9:
0x184: {  	[tilespmem:s9+$0xE5B0] =	vst v17;
	v17 =	vadd.f32 v62, v13;
	(pc) =	sbr.rel @p1 .LBB2_16-.Ltmp9, $4  }
0x185: {  	[tilespmem:s9+$0xE5C0] =	vst v16;
	v16 =	vadd.f32 v63, v14  }
0x186: {  	s6 =	sshll.u32 s6, $0x5;
	[tilespmem:s9+$0xE5D0] =	vst v17  }
0x187: {  	s6 =	sadd.s32 s2, s6;
	[tilespmem:s9+$0xE5E0] =	vst v16  }
0x188: {  	[hbm4b:s6+s3] =	stream.linear.scatter [tilespmem:s1], [sflag:$0x8], $0x2000, $0x38;
	[tilespmem:$0x10100] =	vst v63  }
.Ltmp10:
0x189: {  	(pc) =	sbr.rel .LBB2_2-.Ltmp10, $3  }
0x18a: {  	_ =	sdelay $0x1  }
0x18b: {  	s6 =	sadd.s32 s8, s15;
	s7 =	sadd.s32 $0x1, s7  }
0x18c: {  	[tilespmem:s23], [sflag:$0x4] =	stream.linear.gather [hbm4b:s6+s3], $0x2000, $0x38;
	[tilespmem:$0x10100] =	vst v63  }
.LBB2_17:
0x18d: {  	_ =	sfence.sel $0x180000  }
0x18e: {  	[bflag:$0x0] =	sbarrier.arrive $0xFFFF  }
0x18f: {  	_ =	strace $0x90000047  }
0x190: {  	s0 =	stileid.u32;
	[bflag:$0x2] =	sbarrier.arrive $0xFFFF  }
0x191: {  	p0 =	sne.s32 s0, $0x0;
	s0 =	rddreg [dreg:$0x3]  }
0x192: {  	s0 =	sadd.s32 @!p0 $0x100000, s0  }
0x193: {  	[sflag:s0] =	ssyncadd.tile.s32 @!p0 $0x1;
	_ =	shalt  }
.Lfunc_end2:
_tile_overlayer_lowered:
.L_overlay_start_2:
0x194: {  	(tag) =	ssettag $0x2  }
0x195: {  	s0 =	rddreg [dreg:$0x0];
	s2 =	stileid.u32  }
0x196: {  	s1 =	rddreg [dreg:$0x1];
	p0 =	sne.s32 s2, $0x0  }
0x197: {  	s3 =	rddreg [dreg:$0x2];
	[bflag:$0x3] =	sbarrier.arrive $0xFFFF;
	s2 =	simm.s32 @!p0 $0x1C09  }
0x198: {  	[timem:s3], [sflag:s2] =	dma.local @!p0 [hbm:s0], s1  }
0x199: {  	s0 =	simm.s32 @!p0 $0x9  }
0x19a: {  	_ =	swait.ge @!p0 [sflag:s0], s1  }
0x19b: {  	s1 =	ssub.s32 @!p0 $0x0, s1;
	[sflag:s0] =	ssyncset.done @!p0 $0x0  }
0x19c: {  	[sflag:s0] =	ssyncadd.s32 @!p0 s1  }
0x19d: {  	[bflag:$0x3] =	sbarrier.arrive $0xFFFF  }
0x19e: {  	_ =	shalt  }

</sc_bundles>
